<compile_context>
chip_gen: v7x
topology: tpu7x:2x2x1
jax: 0.10.2.dev20260603
libtpu: 0.0.44.dev20260713+nightly
codegen_flags: <defaults>
</compile_context>

<pallas_src>
import functools

import jax
import jax.numpy as jnp
from jax import lax
from jax.experimental import pallas as pl
from jax.experimental.pallas import tpu as pltpu
from jax.experimental.pallas import tpu_sc as plsc

_BATCH = 4096
_SEQ = 50
_D = 64
_NW = 32
_BL = _BATCH // _NW
_NBUF = 5
_LOOKAHEAD = 3
_TP = 129

_mesh = plsc.VectorSubcoreMesh(core_axis_name="c", subcore_axis_name="s")


@functools.partial(
    pl.kernel,
    mesh=_mesh,
    out_type=jax.ShapeDtypeStruct((_SEQ, _D // 8, _NW, 8, _BL), jnp.float32),
    scratch_types=[
        pltpu.VMEM((_BL // 8, 8, 128), jnp.int32),
        pltpu.VMEM((64, _TP), jnp.int32),
        pltpu.VMEM((_NBUF, _BL, _D), jnp.float32),
        pltpu.VMEM((_NBUF, _D // 8, 8, _TP), jnp.float32),
        pltpu.SemaphoreType.DMA((_NBUF,)),
        pltpu.SemaphoreType.DMA((_NBUF,)),
    ],
    compiler_params=pltpu.CompilerParams(
        use_tc_tiling_on_sc=False, needs_layout_passes=False),
)
def _embed_lookup(idx_hbm, table_hbm, out_hbm, idx_v, idx_t, g_v, t_v,
                  gsem, osem):
    wid = lax.axis_index("s") * 2 + lax.axis_index("c")
    pltpu.sync_copy(idx_hbm.at[pl.ds(wid * (_BL // 8), _BL // 8)], idx_v)

    lanes = lax.iota(jnp.int32, 16)
    dt_vecs = [(lanes + 16 * q) // 8 for q in range(_D // 16)]
    dr_vecs = [(lanes + 16 * q) % 8 for q in range(_D // 16)]

    _QOFF = (0, 16, 32, 48)
    s_vecs = [lanes + o for o in _QOFF]

    @plsc.parallel_loop(0, _BL, unroll=4)
    def _(r):
        rsplat = lanes * 0 + r
        for o, svec in zip(_QOFF, s_vecs):
            v = idx_v[r // 8, r % 8, pl.ds(o, 16)]
            plsc.store_scatter(idx_t, [svec, rsplat], v + v)

    def idx_row(s):
        return idx_t.at[s, pl.ds(0, _BL)]

    for s in range(_LOOKAHEAD):
        pltpu.async_copy(table_hbm.at[idx_row(s)], g_v.at[s], gsem.at[s])

    def outer(g, _):
        for b in range(_NBUF):
            s = g * _NBUF + b
            nb = (b + _LOOKAHEAD) % _NBUF
            pltpu.make_async_copy(
                table_hbm.at[idx_row(b)], g_v.at[b], gsem.at[b]).wait()

            @pl.when(s >= _NBUF)
            def _():
                pltpu.make_async_copy(
                    t_v.at[b, :, :, pl.ds(0, _BL)],
                    out_hbm.at[0, :, wid], osem.at[b]).wait()

            gb = g_v.at[b]
            tb = t_v.at[b]

            @plsc.parallel_loop(0, _BL, unroll=4)
            def _(r):
                rsplat = lanes * 0 + r
                for q in range(_D // 16):
                    v = gb[r, pl.ds(16 * q, 16)]
                    plsc.store_scatter(
                        tb, [dt_vecs[q], dr_vecs[q], rsplat], v)

            pltpu.async_copy(
                t_v.at[b, :, :, pl.ds(0, _BL)], out_hbm.at[s, :, wid],
                osem.at[b])

            @pl.when(s + _LOOKAHEAD < _SEQ)
            def _():
                pltpu.async_copy(
                    table_hbm.at[idx_row(s + _LOOKAHEAD)], g_v.at[nb],
                    gsem.at[nb])

        return 0

    lax.fori_loop(0, _SEQ // _NBUF, outer, 0)
    for b in range(_NBUF):
        pltpu.make_async_copy(
            t_v.at[b, :, :, pl.ds(0, _BL)], out_hbm.at[0, :, wid],
            osem.at[b]).wait()


def kernel(input_seq, embed_table):
    idx = jnp.pad(input_seq.astype(jnp.int32), ((0, 0), (0, 128 - _SEQ)))
    idx = idx.reshape(_BATCH // 8, 8, 128)
    table2 = jnp.pad(embed_table, ((0, 0), (0, 64))).reshape(-1, _D)
    out5 = _embed_lookup(idx, table2)
    out = out5.transpose(2, 4, 0, 1, 3)
    return out.reshape(_BATCH, _SEQ, _D)

# --- scband reference (transcript-rebuilt; emitter-appended) ---
"""Pipeline reference for scband-char-embed-58110907515425 (READ-ONLY COPY).

The authoritative reference and input builder live on the scoring server;
editing this copy changes nothing except your own understanding.
"""

import jax, jax.numpy as jnp
import numpy as np

VOCAB = 100000
EMBED_DIM = 64
BATCH = 4096
SEQ = 50

def setup_inputs(seed: int = 0) -> dict:
    key = jax.random.key(seed)
    k_idx, k_tab = jax.random.split(key)
    input_seq = jax.random.randint(k_idx, (BATCH, SEQ), 0, VOCAB, dtype=jnp.int64 if jax.config.jax_enable_x64 else jnp.int32)
    embed_table = jax.random.normal(k_tab, (VOCAB, EMBED_DIM), dtype=jnp.float32)
    return {"input_seq": input_seq, "embed_table": embed_table}

def reference(input_seq, embed_table):
    # nn.Embedding forward: table lookup
    return jnp.take(embed_table, input_seq, axis=0)

if __name__ == "__main__":
    import jax
    _d = setup_inputs()
    print(jax.jit(kernel)(*tuple(_d.values())))

</pallas_src>

<mosaic_0001>
#map = affine_map<(d0, d1) -> (0, 0, 0)>
#map1 = affine_map<(d0, d1) -> (0, 0)>
#map2 = affine_map<(d0, d1) -> (0, 0, 0, 0, 0)>
module attributes {stable_mosaic.version = 14 : i64} {
  func.func @_embed_lookup(%arg0: i32, %arg1: i32, %arg2: memref<512x8x128xi32, #tpu.memory_space<hbm>>, %arg3: memref<200000x64xf32, #tpu.memory_space<hbm>>, %arg4: memref<50x8x32x8x128xf32, #tpu.memory_space<hbm>>, %arg5: memref<16x8x128xi32, #tpu.memory_space<vmem>>, %arg6: memref<64x129xi32, #tpu.memory_space<vmem>>, %arg7: memref<5x128x64xf32, #tpu.memory_space<vmem>>, %arg8: memref<5x8x8x129xf32, #tpu.memory_space<vmem>>, %arg9: memref<5x!tpu.dma_semaphore, #tpu.memory_space<semaphore_mem>>, %arg10: memref<5x!tpu.dma_semaphore, #tpu.memory_space<semaphore_mem>>) attributes {dimension_semantics = [#tpu.dimension_semantics<core_parallel>, #tpu.dimension_semantics<subcore_parallel>], iteration_bounds = array<i64: 2, 16>, scalar_prefetch = 0 : i64, scratch_operands = 6 : i64, tpu.core_type = #tpu.core_type<sc_vector_subcore>, window_params = [{transform_indices = #map}, {transform_indices = #map1}, {transform_indices = #map2}]} {
    %mul3A = arith.constant 2 : i32
    %mul3A_0 = arith.muli %arg1, %mul3A : i32
    %add3A = arith.addi %mul3A_0, %arg0 : i32
    %mul3A_1 = arith.constant 16 : i32
    %mul3A_2 = arith.muli %add3A, %mul3A_1 : i32
    "tpu.region"() ({
      %run_scoped3A = tpu.sem_alloc : memref<!tpu.dma_semaphore, #tpu.memory_space<semaphore_mem>>
      %dma_start3A_417 = arith.constant 0 : i32
      %dma_start3A_418 = arith.constant 0 : i32
      %dma_start3A_419 = tpu.memref_slice %arg2[%mul3A_2, %dma_start3A_417, %dma_start3A_418] : memref<512x8x128xi32, #tpu.memory_space<hbm>> -> memref<16x8x128xi32, #tpu.memory_space<hbm>>
      %dma_start3A_420 = arith.constant 0 : i32
      %dma_start3A_421 = arith.constant 0 : i32
      %dma_start3A_422 = tpu.memref_slice %arg2[%mul3A_2, %dma_start3A_420, %dma_start3A_421] : memref<512x8x128xi32, #tpu.memory_space<hbm>> -> memref<16x8x128xi32, #tpu.memory_space<hbm>>
      tpu.enqueue_dma source(%dma_start3A_422 : memref<16x8x128xi32, #tpu.memory_space<hbm>>) target(%arg5 : memref<16x8x128xi32, #tpu.memory_space<vmem>>) target_semaphore(%run_scoped3A : memref<!tpu.dma_semaphore, #tpu.memory_space<semaphore_mem>>)
      %dma_wait3A_423 = arith.constant 0 : i32
      %dma_wait3A_424 = arith.constant 0 : i32
      %dma_wait3A_425 = tpu.memref_slice %arg2[%mul3A_2, %dma_wait3A_423, %dma_wait3A_424] : memref<512x8x128xi32, #tpu.memory_space<hbm>> -> memref<16x8x128xi32, #tpu.memory_space<hbm>>
      %dma_wait3A_426 = arith.constant 0 : i32
      %dma_wait3A_427 = arith.constant 0 : i32
      %dma_wait3A_428 = tpu.memref_slice %arg2[%mul3A_2, %dma_wait3A_426, %dma_wait3A_427] : memref<512x8x128xi32, #tpu.memory_space<hbm>> -> memref<16x8x128xi32, #tpu.memory_space<hbm>>
      tpu.wait_dma2 semaphore(%run_scoped3A : memref<!tpu.dma_semaphore, #tpu.memory_space<semaphore_mem>>) src(%dma_wait3A_428 : memref<16x8x128xi32, #tpu.memory_space<hbm>>) dst(%arg5 : memref<16x8x128xi32, #tpu.memory_space<vmem>>)
      tpu.yield
    }) : () -> ()
    %iota3A = tpu.iota {dimensions = array<i32: 0>} : vector<16xi32>
    %add3A_3 = arith.constant 0 : i32
    %add3A_4 = vector.broadcast %add3A_3 : i32 to vector<16xi32>
    %add3A_5 = arith.addi %iota3A, %add3A_4 : vector<16xi32>
    %jit3A = arith.constant 8 : i32
    %div3A = vector.broadcast %jit3A : i32 to vector<16xi32>
    %div3A_6 = arith.divsi %add3A_5, %div3A : vector<16xi32>
    %sign3A = arith.constant 0 : i32
    %sign3A_7 = vector.broadcast %sign3A : i32 to vector<16xi32>
    %sign3A_8 = arith.cmpi sgt, %add3A_5, %sign3A_7 : vector<16xi32>
    %sign3A_9 = arith.extui %sign3A_8 : vector<16xi1> to vector<16xi32>
    %sign3A_10 = arith.constant 0 : i32
    %sign3A_11 = vector.broadcast %sign3A_10 : i32 to vector<16xi32>
    %sign3A_12 = arith.cmpi slt, %add3A_5, %sign3A_11 : vector<16xi32>
    %sign3A_13 = arith.extui %sign3A_12 : vector<16xi1> to vector<16xi32>
    %sign3A_14 = arith.subi %sign3A_9, %sign3A_13 : vector<16xi32>
    %sign3A_15 = arith.constant 0 : i32
    %sign3A_16 = arith.cmpi sgt, %jit3A, %sign3A_15 : i32
    %sign3A_17 = arith.extui %sign3A_16 : i1 to i32
    %sign3A_18 = arith.constant 0 : i32
    %sign3A_19 = arith.cmpi slt, %jit3A, %sign3A_18 : i32
    %sign3A_20 = arith.extui %sign3A_19 : i1 to i32
    %sign3A_21 = arith.subi %sign3A_17, %sign3A_20 : i32
    %ne3A = vector.broadcast %sign3A_21 : i32 to vector<16xi32>
    %ne3A_22 = arith.cmpi ne, %sign3A_14, %ne3A : vector<16xi32>
    %rem3A = vector.broadcast %jit3A : i32 to vector<16xi32>
    %rem3A_23 = arith.remsi %add3A_5, %rem3A : vector<16xi32>
    %ne3A_24 = arith.constant 0 : i32
    %ne3A_25 = vector.broadcast %ne3A_24 : i32 to vector<16xi32>
    %ne3A_26 = arith.cmpi ne, %rem3A_23, %ne3A_25 : vector<16xi32>
    %and3A = arith.andi %ne3A_22, %ne3A_26 : vector<16xi1>
    %sub3A = arith.constant 1 : i32
    %sub3A_27 = vector.broadcast %sub3A : i32 to vector<16xi32>
    %sub3A_28 = arith.subi %div3A_6, %sub3A_27 : vector<16xi32>
    %select_n3A = arith.select %and3A, %sub3A_28, %div3A_6 : vector<16xi1>, vector<16xi32>
    %add3A_29 = arith.constant 16 : i32
    %add3A_30 = vector.broadcast %add3A_29 : i32 to vector<16xi32>
    %add3A_31 = arith.addi %iota3A, %add3A_30 : vector<16xi32>
    %jit3A_32 = arith.constant 8 : i32
    %div3A_33 = vector.broadcast %jit3A_32 : i32 to vector<16xi32>
    %div3A_34 = arith.divsi %add3A_31, %div3A_33 : vector<16xi32>
    %sign3A_35 = arith.constant 0 : i32
    %sign3A_36 = vector.broadcast %sign3A_35 : i32 to vector<16xi32>
    %sign3A_37 = arith.cmpi sgt, %add3A_31, %sign3A_36 : vector<16xi32>
    %sign3A_38 = arith.extui %sign3A_37 : vector<16xi1> to vector<16xi32>
    %sign3A_39 = arith.constant 0 : i32
    %sign3A_40 = vector.broadcast %sign3A_39 : i32 to vector<16xi32>
    %sign3A_41 = arith.cmpi slt, %add3A_31, %sign3A_40 : vector<16xi32>
    %sign3A_42 = arith.extui %sign3A_41 : vector<16xi1> to vector<16xi32>
    %sign3A_43 = arith.subi %sign3A_38, %sign3A_42 : vector<16xi32>
    %sign3A_44 = arith.constant 0 : i32
    %sign3A_45 = arith.cmpi sgt, %jit3A_32, %sign3A_44 : i32
    %sign3A_46 = arith.extui %sign3A_45 : i1 to i32
    %sign3A_47 = arith.constant 0 : i32
    %sign3A_48 = arith.cmpi slt, %jit3A_32, %sign3A_47 : i32
    %sign3A_49 = arith.extui %sign3A_48 : i1 to i32
    %sign3A_50 = arith.subi %sign3A_46, %sign3A_49 : i32
    %ne3A_51 = vector.broadcast %sign3A_50 : i32 to vector<16xi32>
    %ne3A_52 = arith.cmpi ne, %sign3A_43, %ne3A_51 : vector<16xi32>
    %rem3A_53 = vector.broadcast %jit3A_32 : i32 to vector<16xi32>
    %rem3A_54 = arith.remsi %add3A_31, %rem3A_53 : vector<16xi32>
    %ne3A_55 = arith.constant 0 : i32
    %ne3A_56 = vector.broadcast %ne3A_55 : i32 to vector<16xi32>
    %ne3A_57 = arith.cmpi ne, %rem3A_54, %ne3A_56 : vector<16xi32>
    %and3A_58 = arith.andi %ne3A_52, %ne3A_57 : vector<16xi1>
    %sub3A_59 = arith.constant 1 : i32
    %sub3A_60 = vector.broadcast %sub3A_59 : i32 to vector<16xi32>
    %sub3A_61 = arith.subi %div3A_34, %sub3A_60 : vector<16xi32>
    %select_n3A_62 = arith.select %and3A_58, %sub3A_61, %div3A_34 : vector<16xi1>, vector<16xi32>
    %add3A_63 = arith.constant 32 : i32
    %add3A_64 = vector.broadcast %add3A_63 : i32 to vector<16xi32>
    %add3A_65 = arith.addi %iota3A, %add3A_64 : vector<16xi32>
    %jit3A_66 = arith.constant 8 : i32
    %div3A_67 = vector.broadcast %jit3A_66 : i32 to vector<16xi32>
    %div3A_68 = arith.divsi %add3A_65, %div3A_67 : vector<16xi32>
    %sign3A_69 = arith.constant 0 : i32
    %sign3A_70 = vector.broadcast %sign3A_69 : i32 to vector<16xi32>
    %sign3A_71 = arith.cmpi sgt, %add3A_65, %sign3A_70 : vector<16xi32>
    %sign3A_72 = arith.extui %sign3A_71 : vector<16xi1> to vector<16xi32>
    %sign3A_73 = arith.constant 0 : i32
    %sign3A_74 = vector.broadcast %sign3A_73 : i32 to vector<16xi32>
    %sign3A_75 = arith.cmpi slt, %add3A_65, %sign3A_74 : vector<16xi32>
    %sign3A_76 = arith.extui %sign3A_75 : vector<16xi1> to vector<16xi32>
    %sign3A_77 = arith.subi %sign3A_72, %sign3A_76 : vector<16xi32>
    %sign3A_78 = arith.constant 0 : i32
    %sign3A_79 = arith.cmpi sgt, %jit3A_66, %sign3A_78 : i32
    %sign3A_80 = arith.extui %sign3A_79 : i1 to i32
    %sign3A_81 = arith.constant 0 : i32
    %sign3A_82 = arith.cmpi slt, %jit3A_66, %sign3A_81 : i32
    %sign3A_83 = arith.extui %sign3A_82 : i1 to i32
    %sign3A_84 = arith.subi %sign3A_80, %sign3A_83 : i32
    %ne3A_85 = vector.broadcast %sign3A_84 : i32 to vector<16xi32>
    %ne3A_86 = arith.cmpi ne, %sign3A_77, %ne3A_85 : vector<16xi32>
    %rem3A_87 = vector.broadcast %jit3A_66 : i32 to vector<16xi32>
    %rem3A_88 = arith.remsi %add3A_65, %rem3A_87 : vector<16xi32>
    %ne3A_89 = arith.constant 0 : i32
    %ne3A_90 = vector.broadcast %ne3A_89 : i32 to vector<16xi32>
    %ne3A_91 = arith.cmpi ne, %rem3A_88, %ne3A_90 : vector<16xi32>
    %and3A_92 = arith.andi %ne3A_86, %ne3A_91 : vector<16xi1>
    %sub3A_93 = arith.constant 1 : i32
    %sub3A_94 = vector.broadcast %sub3A_93 : i32 to vector<16xi32>
    %sub3A_95 = arith.subi %div3A_68, %sub3A_94 : vector<16xi32>
    %select_n3A_96 = arith.select %and3A_92, %sub3A_95, %div3A_68 : vector<16xi1>, vector<16xi32>
    %add3A_97 = arith.constant 48 : i32
    %add3A_98 = vector.broadcast %add3A_97 : i32 to vector<16xi32>
    %add3A_99 = arith.addi %iota3A, %add3A_98 : vector<16xi32>
    %jit3A_100 = arith.constant 8 : i32
    %div3A_101 = vector.broadcast %jit3A_100 : i32 to vector<16xi32>
    %div3A_102 = arith.divsi %add3A_99, %div3A_101 : vector<16xi32>
    %sign3A_103 = arith.constant 0 : i32
    %sign3A_104 = vector.broadcast %sign3A_103 : i32 to vector<16xi32>
    %sign3A_105 = arith.cmpi sgt, %add3A_99, %sign3A_104 : vector<16xi32>
    %sign3A_106 = arith.extui %sign3A_105 : vector<16xi1> to vector<16xi32>
    %sign3A_107 = arith.constant 0 : i32
    %sign3A_108 = vector.broadcast %sign3A_107 : i32 to vector<16xi32>
    %sign3A_109 = arith.cmpi slt, %add3A_99, %sign3A_108 : vector<16xi32>
    %sign3A_110 = arith.extui %sign3A_109 : vector<16xi1> to vector<16xi32>
    %sign3A_111 = arith.subi %sign3A_106, %sign3A_110 : vector<16xi32>
    %sign3A_112 = arith.constant 0 : i32
    %sign3A_113 = arith.cmpi sgt, %jit3A_100, %sign3A_112 : i32
    %sign3A_114 = arith.extui %sign3A_113 : i1 to i32
    %sign3A_115 = arith.constant 0 : i32
    %sign3A_116 = arith.cmpi slt, %jit3A_100, %sign3A_115 : i32
    %sign3A_117 = arith.extui %sign3A_116 : i1 to i32
    %sign3A_118 = arith.subi %sign3A_114, %sign3A_117 : i32
    %ne3A_119 = vector.broadcast %sign3A_118 : i32 to vector<16xi32>
    %ne3A_120 = arith.cmpi ne, %sign3A_111, %ne3A_119 : vector<16xi32>
    %rem3A_121 = vector.broadcast %jit3A_100 : i32 to vector<16xi32>
    %rem3A_122 = arith.remsi %add3A_99, %rem3A_121 : vector<16xi32>
    %ne3A_123 = arith.constant 0 : i32
    %ne3A_124 = vector.broadcast %ne3A_123 : i32 to vector<16xi32>
    %ne3A_125 = arith.cmpi ne, %rem3A_122, %ne3A_124 : vector<16xi32>
    %and3A_126 = arith.andi %ne3A_120, %ne3A_125 : vector<16xi1>
    %sub3A_127 = arith.constant 1 : i32
    %sub3A_128 = vector.broadcast %sub3A_127 : i32 to vector<16xi32>
    %sub3A_129 = arith.subi %div3A_102, %sub3A_128 : vector<16xi32>
    %select_n3A_130 = arith.select %and3A_126, %sub3A_129, %div3A_102 : vector<16xi1>, vector<16xi32>
    %add3A_131 = arith.constant 0 : i32
    %add3A_132 = vector.broadcast %add3A_131 : i32 to vector<16xi32>
    %add3A_133 = arith.addi %iota3A, %add3A_132 : vector<16xi32>
    %jit3A_134 = arith.constant 8 : i32
    %eq3A = arith.constant 0 : i32
    %eq3A_135 = arith.cmpi eq, %jit3A_134, %eq3A : i32
    %jit3A_136 = arith.constant 1 : i32
    %select_n3A_137 = arith.select %eq3A_135, %jit3A_136, %jit3A_134 : i32
    %rem3A_138 = vector.broadcast %select_n3A_137 : i32 to vector<16xi32>
    %rem3A_139 = arith.remsi %add3A_133, %rem3A_138 : vector<16xi32>
    %ne3A_140 = arith.constant 0 : i32
    %ne3A_141 = vector.broadcast %ne3A_140 : i32 to vector<16xi32>
    %ne3A_142 = arith.cmpi ne, %rem3A_139, %ne3A_141 : vector<16xi32>
    %lt3A = arith.constant 0 : i32
    %lt3A_143 = vector.broadcast %lt3A : i32 to vector<16xi32>
    %lt3A_144 = arith.cmpi slt, %rem3A_139, %lt3A_143 : vector<16xi32>
    %lt3A_145 = arith.constant 0 : i32
    %lt3A_146 = arith.cmpi slt, %select_n3A_137, %lt3A_145 : i32
    %ne3A_147 = vector.broadcast %lt3A_146 : i1 to vector<16xi1>
    %ne3A_148 = vector.broadcast %ne3A_147 : vector<16xi1> to vector<16xi1>
    %ne3A_149 = arith.xori %lt3A_144, %ne3A_148 : vector<16xi1>
    %and3A_150 = arith.andi %ne3A_149, %ne3A_142 : vector<16xi1>
    %add3A_151 = vector.broadcast %select_n3A_137 : i32 to vector<16xi32>
    %add3A_152 = arith.addi %rem3A_139, %add3A_151 : vector<16xi32>
    %select_n3A_153 = arith.select %and3A_150, %add3A_152, %rem3A_139 : vector<16xi1>, vector<16xi32>
    %add3A_154 = arith.constant 16 : i32
    %add3A_155 = vector.broadcast %add3A_154 : i32 to vector<16xi32>
    %add3A_156 = arith.addi %iota3A, %add3A_155 : vector<16xi32>
    %jit3A_157 = arith.constant 8 : i32
    %eq3A_158 = arith.constant 0 : i32
    %eq3A_159 = arith.cmpi eq, %jit3A_157, %eq3A_158 : i32
    %jit3A_160 = arith.constant 1 : i32
    %select_n3A_161 = arith.select %eq3A_159, %jit3A_160, %jit3A_157 : i32
    %rem3A_162 = vector.broadcast %select_n3A_161 : i32 to vector<16xi32>
    %rem3A_163 = arith.remsi %add3A_156, %rem3A_162 : vector<16xi32>
    %ne3A_164 = arith.constant 0 : i32
    %ne3A_165 = vector.broadcast %ne3A_164 : i32 to vector<16xi32>
    %ne3A_166 = arith.cmpi ne, %rem3A_163, %ne3A_165 : vector<16xi32>
    %lt3A_167 = arith.constant 0 : i32
    %lt3A_168 = vector.broadcast %lt3A_167 : i32 to vector<16xi32>
    %lt3A_169 = arith.cmpi slt, %rem3A_163, %lt3A_168 : vector<16xi32>
    %lt3A_170 = arith.constant 0 : i32
    %lt3A_171 = arith.cmpi slt, %select_n3A_161, %lt3A_170 : i32
    %ne3A_172 = vector.broadcast %lt3A_171 : i1 to vector<16xi1>
    %ne3A_173 = vector.broadcast %ne3A_172 : vector<16xi1> to vector<16xi1>
    %ne3A_174 = arith.xori %lt3A_169, %ne3A_173 : vector<16xi1>
    %and3A_175 = arith.andi %ne3A_174, %ne3A_166 : vector<16xi1>
    %add3A_176 = vector.broadcast %select_n3A_161 : i32 to vector<16xi32>
    %add3A_177 = arith.addi %rem3A_163, %add3A_176 : vector<16xi32>
    %select_n3A_178 = arith.select %and3A_175, %add3A_177, %rem3A_163 : vector<16xi1>, vector<16xi32>
    %add3A_179 = arith.constant 32 : i32
    %add3A_180 = vector.broadcast %add3A_179 : i32 to vector<16xi32>
    %add3A_181 = arith.addi %iota3A, %add3A_180 : vector<16xi32>
    %jit3A_182 = arith.constant 8 : i32
    %eq3A_183 = arith.constant 0 : i32
    %eq3A_184 = arith.cmpi eq, %jit3A_182, %eq3A_183 : i32
    %jit3A_185 = arith.constant 1 : i32
    %select_n3A_186 = arith.select %eq3A_184, %jit3A_185, %jit3A_182 : i32
    %rem3A_187 = vector.broadcast %select_n3A_186 : i32 to vector<16xi32>
    %rem3A_188 = arith.remsi %add3A_181, %rem3A_187 : vector<16xi32>
    %ne3A_189 = arith.constant 0 : i32
    %ne3A_190 = vector.broadcast %ne3A_189 : i32 to vector<16xi32>
    %ne3A_191 = arith.cmpi ne, %rem3A_188, %ne3A_190 : vector<16xi32>
    %lt3A_192 = arith.constant 0 : i32
    %lt3A_193 = vector.broadcast %lt3A_192 : i32 to vector<16xi32>
    %lt3A_194 = arith.cmpi slt, %rem3A_188, %lt3A_193 : vector<16xi32>
    %lt3A_195 = arith.constant 0 : i32
    %lt3A_196 = arith.cmpi slt, %select_n3A_186, %lt3A_195 : i32
    %ne3A_197 = vector.broadcast %lt3A_196 : i1 to vector<16xi1>
    %ne3A_198 = vector.broadcast %ne3A_197 : vector<16xi1> to vector<16xi1>
    %ne3A_199 = arith.xori %lt3A_194, %ne3A_198 : vector<16xi1>
    %and3A_200 = arith.andi %ne3A_199, %ne3A_191 : vector<16xi1>
    %add3A_201 = vector.broadcast %select_n3A_186 : i32 to vector<16xi32>
    %add3A_202 = arith.addi %rem3A_188, %add3A_201 : vector<16xi32>
    %select_n3A_203 = arith.select %and3A_200, %add3A_202, %rem3A_188 : vector<16xi1>, vector<16xi32>
    %add3A_204 = arith.constant 48 : i32
    %add3A_205 = vector.broadcast %add3A_204 : i32 to vector<16xi32>
    %add3A_206 = arith.addi %iota3A, %add3A_205 : vector<16xi32>
    %jit3A_207 = arith.constant 8 : i32
    %eq3A_208 = arith.constant 0 : i32
    %eq3A_209 = arith.cmpi eq, %jit3A_207, %eq3A_208 : i32
    %jit3A_210 = arith.constant 1 : i32
    %select_n3A_211 = arith.select %eq3A_209, %jit3A_210, %jit3A_207 : i32
    %rem3A_212 = vector.broadcast %select_n3A_211 : i32 to vector<16xi32>
    %rem3A_213 = arith.remsi %add3A_206, %rem3A_212 : vector<16xi32>
    %ne3A_214 = arith.constant 0 : i32
    %ne3A_215 = vector.broadcast %ne3A_214 : i32 to vector<16xi32>
    %ne3A_216 = arith.cmpi ne, %rem3A_213, %ne3A_215 : vector<16xi32>
    %lt3A_217 = arith.constant 0 : i32
    %lt3A_218 = vector.broadcast %lt3A_217 : i32 to vector<16xi32>
    %lt3A_219 = arith.cmpi slt, %rem3A_213, %lt3A_218 : vector<16xi32>
    %lt3A_220 = arith.constant 0 : i32
    %lt3A_221 = arith.cmpi slt, %select_n3A_211, %lt3A_220 : i32
    %ne3A_222 = vector.broadcast %lt3A_221 : i1 to vector<16xi1>
    %ne3A_223 = vector.broadcast %ne3A_222 : vector<16xi1> to vector<16xi1>
    %ne3A_224 = arith.xori %lt3A_219, %ne3A_223 : vector<16xi1>
    %and3A_225 = arith.andi %ne3A_224, %ne3A_216 : vector<16xi1>
    %add3A_226 = vector.broadcast %select_n3A_211 : i32 to vector<16xi32>
    %add3A_227 = arith.addi %rem3A_213, %add3A_226 : vector<16xi32>
    %select_n3A_228 = arith.select %and3A_225, %add3A_227, %rem3A_213 : vector<16xi1>, vector<16xi32>
    %add3A_229 = arith.constant 0 : i32
    %add3A_230 = vector.broadcast %add3A_229 : i32 to vector<16xi32>
    %add3A_231 = arith.addi %iota3A, %add3A_230 : vector<16xi32>
    %add3A_232 = arith.constant 16 : i32
    %add3A_233 = vector.broadcast %add3A_232 : i32 to vector<16xi32>
    %add3A_234 = arith.addi %iota3A, %add3A_233 : vector<16xi32>
    %add3A_235 = arith.constant 32 : i32
    %add3A_236 = vector.broadcast %add3A_235 : i32 to vector<16xi32>
    %add3A_237 = arith.addi %iota3A, %add3A_236 : vector<16xi32>
    %add3A_238 = arith.constant 48 : i32
    %add3A_239 = vector.broadcast %add3A_238 : i32 to vector<16xi32>
    %add3A_240 = arith.addi %iota3A, %add3A_239 : vector<16xi32>
    %parallel_loop3A = arith.constant 0 : i32
    %parallel_loop3A_241 = arith.constant 128 : i32
    %parallel_loop3A_242 = arith.constant 1 : i32
    scf.for %parallel_loop3A_417 = %parallel_loop3A to %parallel_loop3A_241 step %parallel_loop3A_242  : i32 {
      %parallel_loop3A_418 = arith.constant 0 : i32
      %parallel_loop3A_419 = vector.broadcast %parallel_loop3A_418 : i32 to vector<16xi32>
      %parallel_loop3A_420 = arith.muli %iota3A, %parallel_loop3A_419 : vector<16xi32>
      %parallel_loop3A_421 = vector.broadcast %parallel_loop3A_417 : i32 to vector<16xi32>
      %parallel_loop3A_422 = arith.addi %parallel_loop3A_420, %parallel_loop3A_421 : vector<16xi32>
      %parallel_loop3A_423 = arith.constant 8 : i32
      %parallel_loop3A_424 = arith.divsi %parallel_loop3A_417, %parallel_loop3A_423 : i32
      %parallel_loop3A_425 = arith.constant 0 : i32
      %parallel_loop3A_426 = arith.cmpi sgt, %parallel_loop3A_417, %parallel_loop3A_425 : i32
      %parallel_loop3A_427 = arith.extui %parallel_loop3A_426 : i1 to i32
      %parallel_loop3A_428 = arith.constant 0 : i32
      %parallel_loop3A_429 = arith.cmpi slt, %parallel_loop3A_417, %parallel_loop3A_428 : i32
      %parallel_loop3A_430 = arith.extui %parallel_loop3A_429 : i1 to i32
      %parallel_loop3A_431 = arith.subi %parallel_loop3A_427, %parallel_loop3A_430 : i32
      %parallel_loop3A_432 = arith.constant 0 : i32
      %parallel_loop3A_433 = arith.cmpi sgt, %parallel_loop3A_423, %parallel_loop3A_432 : i32
      %parallel_loop3A_434 = arith.extui %parallel_loop3A_433 : i1 to i32
      %parallel_loop3A_435 = arith.constant 0 : i32
      %parallel_loop3A_436 = arith.cmpi slt, %parallel_loop3A_423, %parallel_loop3A_435 : i32
      %parallel_loop3A_437 = arith.extui %parallel_loop3A_436 : i1 to i32
      %parallel_loop3A_438 = arith.subi %parallel_loop3A_434, %parallel_loop3A_437 : i32
      %parallel_loop3A_439 = arith.cmpi ne, %parallel_loop3A_431, %parallel_loop3A_438 : i32
      %parallel_loop3A_440 = arith.remsi %parallel_loop3A_417, %parallel_loop3A_423 : i32
      %parallel_loop3A_441 = arith.constant 0 : i32
      %parallel_loop3A_442 = arith.cmpi ne, %parallel_loop3A_440, %parallel_loop3A_441 : i32
      %parallel_loop3A_443 = arith.andi %parallel_loop3A_439, %parallel_loop3A_442 : i1
      %parallel_loop3A_444 = arith.constant 1 : i32
      %parallel_loop3A_445 = arith.subi %parallel_loop3A_424, %parallel_loop3A_444 : i32
      %parallel_loop3A_446 = arith.select %parallel_loop3A_443, %parallel_loop3A_445, %parallel_loop3A_424 : i32
      %parallel_loop3A_447 = arith.constant 8 : i32
      %parallel_loop3A_448 = arith.constant 0 : i32
      %parallel_loop3A_449 = arith.cmpi eq, %parallel_loop3A_447, %parallel_loop3A_448 : i32
      %parallel_loop3A_450 = arith.constant 1 : i32
      %parallel_loop3A_451 = arith.select %parallel_loop3A_449, %parallel_loop3A_450, %parallel_loop3A_447 : i32
      %parallel_loop3A_452 = arith.remsi %parallel_loop3A_417, %parallel_loop3A_451 : i32
      %parallel_loop3A_453 = arith.constant 0 : i32
      %parallel_loop3A_454 = arith.cmpi ne, %parallel_loop3A_452, %parallel_loop3A_453 : i32
      %parallel_loop3A_455 = arith.constant 0 : i32
      %parallel_loop3A_456 = arith.cmpi slt, %parallel_loop3A_452, %parallel_loop3A_455 : i32
      %parallel_loop3A_457 = arith.constant 0 : i32
      %parallel_loop3A_458 = arith.cmpi slt, %parallel_loop3A_451, %parallel_loop3A_457 : i32
      %parallel_loop3A_459 = arith.xori %parallel_loop3A_456, %parallel_loop3A_458 : i1
      %parallel_loop3A_460 = arith.andi %parallel_loop3A_459, %parallel_loop3A_454 : i1
      %parallel_loop3A_461 = arith.addi %parallel_loop3A_452, %parallel_loop3A_451 : i32
      %parallel_loop3A_462 = arith.select %parallel_loop3A_460, %parallel_loop3A_461, %parallel_loop3A_452 : i32
      %parallel_loop3A_463 = arith.index_cast %parallel_loop3A_446 : i32 to index
      %parallel_loop3A_464 = arith.index_cast %parallel_loop3A_462 : i32 to index
      %parallel_loop3A_465 = arith.constant 0 : index
      %parallel_loop3A_466 = tpu.vector_load %arg5[%parallel_loop3A_463, %parallel_loop3A_464, %parallel_loop3A_465] {strides = array<i32>} : memref<16x8x128xi32, #tpu.memory_space<vmem>>, vector<16xi32>,
      %parallel_loop3A_467 = arith.addi %parallel_loop3A_466, %parallel_loop3A_466 : vector<16xi32>
      tpu.vector_store_idx %arg6[%add3A_231, %parallel_loop3A_422], %parallel_loop3A_467 : memref<64x129xi32, #tpu.memory_space<vmem>>[vector<16xi32>, vector<16xi32>], vector<16xi32>,
      %parallel_loop3A_468 = arith.constant 8 : i32
      %parallel_loop3A_469 = arith.divsi %parallel_loop3A_417, %parallel_loop3A_468 : i32
      %parallel_loop3A_470 = arith.constant 0 : i32
      %parallel_loop3A_471 = arith.cmpi sgt, %parallel_loop3A_417, %parallel_loop3A_470 : i32
      %parallel_loop3A_472 = arith.extui %parallel_loop3A_471 : i1 to i32
      %parallel_loop3A_473 = arith.constant 0 : i32
      %parallel_loop3A_474 = arith.cmpi slt, %parallel_loop3A_417, %parallel_loop3A_473 : i32
      %parallel_loop3A_475 = arith.extui %parallel_loop3A_474 : i1 to i32
      %parallel_loop3A_476 = arith.subi %parallel_loop3A_472, %parallel_loop3A_475 : i32
      %parallel_loop3A_477 = arith.constant 0 : i32
      %parallel_loop3A_478 = arith.cmpi sgt, %parallel_loop3A_468, %parallel_loop3A_477 : i32
      %parallel_loop3A_479 = arith.extui %parallel_loop3A_478 : i1 to i32
      %parallel_loop3A_480 = arith.constant 0 : i32
      %parallel_loop3A_481 = arith.cmpi slt, %parallel_loop3A_468, %parallel_loop3A_480 : i32
      %parallel_loop3A_482 = arith.extui %parallel_loop3A_481 : i1 to i32
      %parallel_loop3A_483 = arith.subi %parallel_loop3A_479, %parallel_loop3A_482 : i32
      %parallel_loop3A_484 = arith.cmpi ne, %parallel_loop3A_476, %parallel_loop3A_483 : i32
      %parallel_loop3A_485 = arith.remsi %parallel_loop3A_417, %parallel_loop3A_468 : i32
      %parallel_loop3A_486 = arith.constant 0 : i32
      %parallel_loop3A_487 = arith.cmpi ne, %parallel_loop3A_485, %parallel_loop3A_486 : i32
      %parallel_loop3A_488 = arith.andi %parallel_loop3A_484, %parallel_loop3A_487 : i1
      %parallel_loop3A_489 = arith.constant 1 : i32
      %parallel_loop3A_490 = arith.subi %parallel_loop3A_469, %parallel_loop3A_489 : i32
      %parallel_loop3A_491 = arith.select %parallel_loop3A_488, %parallel_loop3A_490, %parallel_loop3A_469 : i32
      %parallel_loop3A_492 = arith.constant 8 : i32
      %parallel_loop3A_493 = arith.constant 0 : i32
      %parallel_loop3A_494 = arith.cmpi eq, %parallel_loop3A_492, %parallel_loop3A_493 : i32
      %parallel_loop3A_495 = arith.constant 1 : i32
      %parallel_loop3A_496 = arith.select %parallel_loop3A_494, %parallel_loop3A_495, %parallel_loop3A_492 : i32
      %parallel_loop3A_497 = arith.remsi %parallel_loop3A_417, %parallel_loop3A_496 : i32
      %parallel_loop3A_498 = arith.constant 0 : i32
      %parallel_loop3A_499 = arith.cmpi ne, %parallel_loop3A_497, %parallel_loop3A_498 : i32
      %parallel_loop3A_500 = arith.constant 0 : i32
      %parallel_loop3A_501 = arith.cmpi slt, %parallel_loop3A_497, %parallel_loop3A_500 : i32
      %parallel_loop3A_502 = arith.constant 0 : i32
      %parallel_loop3A_503 = arith.cmpi slt, %parallel_loop3A_496, %parallel_loop3A_502 : i32
      %parallel_loop3A_504 = arith.xori %parallel_loop3A_501, %parallel_loop3A_503 : i1
      %parallel_loop3A_505 = arith.andi %parallel_loop3A_504, %parallel_loop3A_499 : i1
      %parallel_loop3A_506 = arith.addi %parallel_loop3A_497, %parallel_loop3A_496 : i32
      %parallel_loop3A_507 = arith.select %parallel_loop3A_505, %parallel_loop3A_506, %parallel_loop3A_497 : i32
      %parallel_loop3A_508 = arith.index_cast %parallel_loop3A_491 : i32 to index
      %parallel_loop3A_509 = arith.index_cast %parallel_loop3A_507 : i32 to index
      %parallel_loop3A_510 = arith.constant 16 : index
      %parallel_loop3A_511 = tpu.vector_load %arg5[%parallel_loop3A_508, %parallel_loop3A_509, %parallel_loop3A_510] {strides = array<i32>} : memref<16x8x128xi32, #tpu.memory_space<vmem>>, vector<16xi32>,
      %parallel_loop3A_512 = arith.addi %parallel_loop3A_511, %parallel_loop3A_511 : vector<16xi32>
      tpu.vector_store_idx %arg6[%add3A_234, %parallel_loop3A_422], %parallel_loop3A_512 : memref<64x129xi32, #tpu.memory_space<vmem>>[vector<16xi32>, vector<16xi32>], vector<16xi32>,
      %parallel_loop3A_513 = arith.constant 8 : i32
      %parallel_loop3A_514 = arith.divsi %parallel_loop3A_417, %parallel_loop3A_513 : i32
      %parallel_loop3A_515 = arith.constant 0 : i32
      %parallel_loop3A_516 = arith.cmpi sgt, %parallel_loop3A_417, %parallel_loop3A_515 : i32
      %parallel_loop3A_517 = arith.extui %parallel_loop3A_516 : i1 to i32
      %parallel_loop3A_518 = arith.constant 0 : i32
      %parallel_loop3A_519 = arith.cmpi slt, %parallel_loop3A_417, %parallel_loop3A_518 : i32
      %parallel_loop3A_520 = arith.extui %parallel_loop3A_519 : i1 to i32
      %parallel_loop3A_521 = arith.subi %parallel_loop3A_517, %parallel_loop3A_520 : i32
      %parallel_loop3A_522 = arith.constant 0 : i32
      %parallel_loop3A_523 = arith.cmpi sgt, %parallel_loop3A_513, %parallel_loop3A_522 : i32
      %parallel_loop3A_524 = arith.extui %parallel_loop3A_523 : i1 to i32
      %parallel_loop3A_525 = arith.constant 0 : i32
      %parallel_loop3A_526 = arith.cmpi slt, %parallel_loop3A_513, %parallel_loop3A_525 : i32
      %parallel_loop3A_527 = arith.extui %parallel_loop3A_526 : i1 to i32
      %parallel_loop3A_528 = arith.subi %parallel_loop3A_524, %parallel_loop3A_527 : i32
      %parallel_loop3A_529 = arith.cmpi ne, %parallel_loop3A_521, %parallel_loop3A_528 : i32
      %parallel_loop3A_530 = arith.remsi %parallel_loop3A_417, %parallel_loop3A_513 : i32
      %parallel_loop3A_531 = arith.constant 0 : i32
      %parallel_loop3A_532 = arith.cmpi ne, %parallel_loop3A_530, %parallel_loop3A_531 : i32
      %parallel_loop3A_533 = arith.andi %parallel_loop3A_529, %parallel_loop3A_532 : i1
      %parallel_loop3A_534 = arith.constant 1 : i32
      %parallel_loop3A_535 = arith.subi %parallel_loop3A_514, %parallel_loop3A_534 : i32
      %parallel_loop3A_536 = arith.select %parallel_loop3A_533, %parallel_loop3A_535, %parallel_loop3A_514 : i32
      %parallel_loop3A_537 = arith.constant 8 : i32
      %parallel_loop3A_538 = arith.constant 0 : i32
      %parallel_loop3A_539 = arith.cmpi eq, %parallel_loop3A_537, %parallel_loop3A_538 : i32
      %parallel_loop3A_540 = arith.constant 1 : i32
      %parallel_loop3A_541 = arith.select %parallel_loop3A_539, %parallel_loop3A_540, %parallel_loop3A_537 : i32
      %parallel_loop3A_542 = arith.remsi %parallel_loop3A_417, %parallel_loop3A_541 : i32
      %parallel_loop3A_543 = arith.constant 0 : i32
      %parallel_loop3A_544 = arith.cmpi ne, %parallel_loop3A_542, %parallel_loop3A_543 : i32
      %parallel_loop3A_545 = arith.constant 0 : i32
      %parallel_loop3A_546 = arith.cmpi slt, %parallel_loop3A_542, %parallel_loop3A_545 : i32
      %parallel_loop3A_547 = arith.constant 0 : i32
      %parallel_loop3A_548 = arith.cmpi slt, %parallel_loop3A_541, %parallel_loop3A_547 : i32
      %parallel_loop3A_549 = arith.xori %parallel_loop3A_546, %parallel_loop3A_548 : i1
      %parallel_loop3A_550 = arith.andi %parallel_loop3A_549, %parallel_loop3A_544 : i1
      %parallel_loop3A_551 = arith.addi %parallel_loop3A_542, %parallel_loop3A_541 : i32
      %parallel_loop3A_552 = arith.select %parallel_loop3A_550, %parallel_loop3A_551, %parallel_loop3A_542 : i32
      %parallel_loop3A_553 = arith.index_cast %parallel_loop3A_536 : i32 to index
      %parallel_loop3A_554 = arith.index_cast %parallel_loop3A_552 : i32 to index
      %parallel_loop3A_555 = arith.constant 32 : index
      %parallel_loop3A_556 = tpu.vector_load %arg5[%parallel_loop3A_553, %parallel_loop3A_554, %parallel_loop3A_555] {strides = array<i32>} : memref<16x8x128xi32, #tpu.memory_space<vmem>>, vector<16xi32>,
      %parallel_loop3A_557 = arith.addi %parallel_loop3A_556, %parallel_loop3A_556 : vector<16xi32>
      tpu.vector_store_idx %arg6[%add3A_237, %parallel_loop3A_422], %parallel_loop3A_557 : memref<64x129xi32, #tpu.memory_space<vmem>>[vector<16xi32>, vector<16xi32>], vector<16xi32>,
      %parallel_loop3A_558 = arith.constant 8 : i32
      %parallel_loop3A_559 = arith.divsi %parallel_loop3A_417, %parallel_loop3A_558 : i32
      %parallel_loop3A_560 = arith.constant 0 : i32
      %parallel_loop3A_561 = arith.cmpi sgt, %parallel_loop3A_417, %parallel_loop3A_560 : i32
      %parallel_loop3A_562 = arith.extui %parallel_loop3A_561 : i1 to i32
      %parallel_loop3A_563 = arith.constant 0 : i32
      %parallel_loop3A_564 = arith.cmpi slt, %parallel_loop3A_417, %parallel_loop3A_563 : i32
      %parallel_loop3A_565 = arith.extui %parallel_loop3A_564 : i1 to i32
      %parallel_loop3A_566 = arith.subi %parallel_loop3A_562, %parallel_loop3A_565 : i32
      %parallel_loop3A_567 = arith.constant 0 : i32
      %parallel_loop3A_568 = arith.cmpi sgt, %parallel_loop3A_558, %parallel_loop3A_567 : i32
      %parallel_loop3A_569 = arith.extui %parallel_loop3A_568 : i1 to i32
      %parallel_loop3A_570 = arith.constant 0 : i32
      %parallel_loop3A_571 = arith.cmpi slt, %parallel_loop3A_558, %parallel_loop3A_570 : i32
      %parallel_loop3A_572 = arith.extui %parallel_loop3A_571 : i1 to i32
      %parallel_loop3A_573 = arith.subi %parallel_loop3A_569, %parallel_loop3A_572 : i32
      %parallel_loop3A_574 = arith.cmpi ne, %parallel_loop3A_566, %parallel_loop3A_573 : i32
      %parallel_loop3A_575 = arith.remsi %parallel_loop3A_417, %parallel_loop3A_558 : i32
      %parallel_loop3A_576 = arith.constant 0 : i32
      %parallel_loop3A_577 = arith.cmpi ne, %parallel_loop3A_575, %parallel_loop3A_576 : i32
      %parallel_loop3A_578 = arith.andi %parallel_loop3A_574, %parallel_loop3A_577 : i1
      %parallel_loop3A_579 = arith.constant 1 : i32
      %parallel_loop3A_580 = arith.subi %parallel_loop3A_559, %parallel_loop3A_579 : i32
      %parallel_loop3A_581 = arith.select %parallel_loop3A_578, %parallel_loop3A_580, %parallel_loop3A_559 : i32
      %parallel_loop3A_582 = arith.constant 8 : i32
      %parallel_loop3A_583 = arith.constant 0 : i32
      %parallel_loop3A_584 = arith.cmpi eq, %parallel_loop3A_582, %parallel_loop3A_583 : i32
      %parallel_loop3A_585 = arith.constant 1 : i32
      %parallel_loop3A_586 = arith.select %parallel_loop3A_584, %parallel_loop3A_585, %parallel_loop3A_582 : i32
      %parallel_loop3A_587 = arith.remsi %parallel_loop3A_417, %parallel_loop3A_586 : i32
      %parallel_loop3A_588 = arith.constant 0 : i32
      %parallel_loop3A_589 = arith.cmpi ne, %parallel_loop3A_587, %parallel_loop3A_588 : i32
      %parallel_loop3A_590 = arith.constant 0 : i32
      %parallel_loop3A_591 = arith.cmpi slt, %parallel_loop3A_587, %parallel_loop3A_590 : i32
      %parallel_loop3A_592 = arith.constant 0 : i32
      %parallel_loop3A_593 = arith.cmpi slt, %parallel_loop3A_586, %parallel_loop3A_592 : i32
      %parallel_loop3A_594 = arith.xori %parallel_loop3A_591, %parallel_loop3A_593 : i1
      %parallel_loop3A_595 = arith.andi %parallel_loop3A_594, %parallel_loop3A_589 : i1
      %parallel_loop3A_596 = arith.addi %parallel_loop3A_587, %parallel_loop3A_586 : i32
      %parallel_loop3A_597 = arith.select %parallel_loop3A_595, %parallel_loop3A_596, %parallel_loop3A_587 : i32
      %parallel_loop3A_598 = arith.index_cast %parallel_loop3A_581 : i32 to index
      %parallel_loop3A_599 = arith.index_cast %parallel_loop3A_597 : i32 to index
      %parallel_loop3A_600 = arith.constant 48 : index
      %parallel_loop3A_601 = tpu.vector_load %arg5[%parallel_loop3A_598, %parallel_loop3A_599, %parallel_loop3A_600] {strides = array<i32>} : memref<16x8x128xi32, #tpu.memory_space<vmem>>, vector<16xi32>,
      %parallel_loop3A_602 = arith.addi %parallel_loop3A_601, %parallel_loop3A_601 : vector<16xi32>
      tpu.vector_store_idx %arg6[%add3A_240, %parallel_loop3A_422], %parallel_loop3A_602 : memref<64x129xi32, #tpu.memory_space<vmem>>[vector<16xi32>, vector<16xi32>], vector<16xi32>,
    } {sc.loop_unroll_factor = 4 : i64, sc.parallel_access}
    %dma_start3A = arith.constant 0 : i32
    %dma_start3A_243 = arith.constant 0 : i32
    %dma_start3A_244 = arith.constant 0 : i32
    %dma_start3A_245 = arith.constant 0 : i32
    %dma_start3A_246 = arith.constant 0 : i32
    %dma_start3A_247 = tpu.memref_slice %arg7[%dma_start3A_243, %dma_start3A_245, %dma_start3A_246] : memref<5x128x64xf32, #tpu.memory_space<vmem>> -> memref<1x128x64xf32, #tpu.memory_space<vmem>>
    %dma_start3A_248 = tpu.memref_squeeze %dma_start3A_247 : memref<1x128x64xf32, #tpu.memory_space<vmem>> -> memref<128x64xf32, #tpu.memory_space<vmem>>
    %dma_start3A_249 = arith.constant 0 : i32
    %dma_start3A_250 = tpu.memref_slice %arg6[%dma_start3A, %dma_start3A_249] : memref<64x129xi32, #tpu.memory_space<vmem>> -> memref<1x128xi32, #tpu.memory_space<vmem>>
    %dma_start3A_251 = tpu.memref_squeeze %dma_start3A_250 : memref<1x128xi32, #tpu.memory_space<vmem>> -> memref<128xi32, #tpu.memory_space<vmem>>
    %dma_start3A_252 = arith.constant 0 : i32
    %dma_start3A_253 = arith.constant 0 : i32
    %dma_start3A_254 = tpu.memref_slice %arg3[%dma_start3A_252, %dma_start3A_253] : memref<200000x64xf32, #tpu.memory_space<hbm>> -> memref<200000x64xf32, #tpu.memory_space<hbm>>
    %dma_start3A_255 = tpu.memref_slice %arg9[%dma_start3A_244] : memref<5x!tpu.dma_semaphore, #tpu.memory_space<semaphore_mem>> -> memref<1x!tpu.dma_semaphore, #tpu.memory_space<semaphore_mem>>
    %dma_start3A_256 = tpu.memref_squeeze %dma_start3A_255 : memref<1x!tpu.dma_semaphore, #tpu.memory_space<semaphore_mem>> -> memref<!tpu.dma_semaphore, #tpu.memory_space<semaphore_mem>>
    tpu.enqueue_indirect_dma source(%dma_start3A_254 : memref<200000x64xf32, #tpu.memory_space<hbm>>) target(%dma_start3A_248 : memref<128x64xf32, #tpu.memory_space<vmem>>) offsets(%dma_start3A_251 : memref<128xi32, #tpu.memory_space<vmem>>) semaphore(%dma_start3A_256 : memref<!tpu.dma_semaphore, #tpu.memory_space<semaphore_mem>>)
    %dma_start3A_257 = arith.constant 1 : i32
    %dma_start3A_258 = arith.constant 1 : i32
    %dma_start3A_259 = arith.constant 1 : i32
    %dma_start3A_260 = arith.constant 0 : i32
    %dma_start3A_261 = arith.constant 0 : i32
    %dma_start3A_262 = tpu.memref_slice %arg7[%dma_start3A_258, %dma_start3A_260, %dma_start3A_261] : memref<5x128x64xf32, #tpu.memory_space<vmem>> -> memref<1x128x64xf32, #tpu.memory_space<vmem>>
    %dma_start3A_263 = tpu.memref_squeeze %dma_start3A_262 : memref<1x128x64xf32, #tpu.memory_space<vmem>> -> memref<128x64xf32, #tpu.memory_space<vmem>>
    %dma_start3A_264 = arith.constant 0 : i32
    %dma_start3A_265 = tpu.memref_slice %arg6[%dma_start3A_257, %dma_start3A_264] : memref<64x129xi32, #tpu.memory_space<vmem>> -> memref<1x128xi32, #tpu.memory_space<vmem>>
    %dma_start3A_266 = tpu.memref_squeeze %dma_start3A_265 : memref<1x128xi32, #tpu.memory_space<vmem>> -> memref<128xi32, #tpu.memory_space<vmem>>
    %dma_start3A_267 = arith.constant 0 : i32
    %dma_start3A_268 = arith.constant 0 : i32
    %dma_start3A_269 = tpu.memref_slice %arg3[%dma_start3A_267, %dma_start3A_268] : memref<200000x64xf32, #tpu.memory_space<hbm>> -> memref<200000x64xf32, #tpu.memory_space<hbm>>
    %dma_start3A_270 = tpu.memref_slice %arg9[%dma_start3A_259] : memref<5x!tpu.dma_semaphore, #tpu.memory_space<semaphore_mem>> -> memref<1x!tpu.dma_semaphore, #tpu.memory_space<semaphore_mem>>
    %dma_start3A_271 = tpu.memref_squeeze %dma_start3A_270 : memref<1x!tpu.dma_semaphore, #tpu.memory_space<semaphore_mem>> -> memref<!tpu.dma_semaphore, #tpu.memory_space<semaphore_mem>>
    tpu.enqueue_indirect_dma source(%dma_start3A_269 : memref<200000x64xf32, #tpu.memory_space<hbm>>) target(%dma_start3A_263 : memref<128x64xf32, #tpu.memory_space<vmem>>) offsets(%dma_start3A_266 : memref<128xi32, #tpu.memory_space<vmem>>) semaphore(%dma_start3A_271 : memref<!tpu.dma_semaphore, #tpu.memory_space<semaphore_mem>>)
    %dma_start3A_272 = arith.constant 2 : i32
    %dma_start3A_273 = arith.constant 2 : i32
    %dma_start3A_274 = arith.constant 2 : i32
    %dma_start3A_275 = arith.constant 0 : i32
    %dma_start3A_276 = arith.constant 0 : i32
    %dma_start3A_277 = tpu.memref_slice %arg7[%dma_start3A_273, %dma_start3A_275, %dma_start3A_276] : memref<5x128x64xf32, #tpu.memory_space<vmem>> -> memref<1x128x64xf32, #tpu.memory_space<vmem>>
    %dma_start3A_278 = tpu.memref_squeeze %dma_start3A_277 : memref<1x128x64xf32, #tpu.memory_space<vmem>> -> memref<128x64xf32, #tpu.memory_space<vmem>>
    %dma_start3A_279 = arith.constant 0 : i32
    %dma_start3A_280 = tpu.memref_slice %arg6[%dma_start3A_272, %dma_start3A_279] : memref<64x129xi32, #tpu.memory_space<vmem>> -> memref<1x128xi32, #tpu.memory_space<vmem>>
    %dma_start3A_281 = tpu.memref_squeeze %dma_start3A_280 : memref<1x128xi32, #tpu.memory_space<vmem>> -> memref<128xi32, #tpu.memory_space<vmem>>
    %dma_start3A_282 = arith.constant 0 : i32
    %dma_start3A_283 = arith.constant 0 : i32
    %dma_start3A_284 = tpu.memref_slice %arg3[%dma_start3A_282, %dma_start3A_283] : memref<200000x64xf32, #tpu.memory_space<hbm>> -> memref<200000x64xf32, #tpu.memory_space<hbm>>
    %dma_start3A_285 = tpu.memref_slice %arg9[%dma_start3A_274] : memref<5x!tpu.dma_semaphore, #tpu.memory_space<semaphore_mem>> -> memref<1x!tpu.dma_semaphore, #tpu.memory_space<semaphore_mem>>
    %dma_start3A_286 = tpu.memref_squeeze %dma_start3A_285 : memref<1x!tpu.dma_semaphore, #tpu.memory_space<semaphore_mem>> -> memref<!tpu.dma_semaphore, #tpu.memory_space<semaphore_mem>>
    tpu.enqueue_indirect_dma source(%dma_start3A_284 : memref<200000x64xf32, #tpu.memory_space<hbm>>) target(%dma_start3A_278 : memref<128x64xf32, #tpu.memory_space<vmem>>) offsets(%dma_start3A_281 : memref<128xi32, #tpu.memory_space<vmem>>) semaphore(%dma_start3A_286 : memref<!tpu.dma_semaphore, #tpu.memory_space<semaphore_mem>>)
    %scan3A = arith.constant 0 : i32
    %scan3A_287 = arith.constant 0 : i32
    %scan3A_288 = arith.constant 10 : i32
    %scan3A_289 = arith.addi %scan3A_287, %scan3A_288 : i32
    %scan3A_290 = arith.constant 1 : i32
    %scan3A_291 = scf.for %scan3A_417 = %scan3A_287 to %scan3A_289 step %scan3A_290 iter_args(%scan3A_418 = %scan3A) -> (i32)  : i32 {
      %mul3A_419 = arith.constant 5 : i32
      %mul3A_420 = arith.muli %scan3A_417, %mul3A_419 : i32
      %add3A_421 = arith.constant 0 : i32
      %add3A_422 = arith.addi %mul3A_420, %add3A_421 : i32
      %dma_wait3A_423 = arith.constant 0 : i32
      %dma_wait3A_424 = arith.constant 0 : i32
      %dma_wait3A_425 = arith.constant 0 : i32
      %dma_wait3A_426 = arith.constant 0 : i32
      %dma_wait3A_427 = arith.constant 0 : i32
      %dma_wait3A_428 = tpu.memref_slice %arg7[%dma_wait3A_424, %dma_wait3A_426, %dma_wait3A_427] : memref<5x128x64xf32, #tpu.memory_space<vmem>> -> memref<1x128x64xf32, #tpu.memory_space<vmem>>
      %dma_wait3A_429 = tpu.memref_squeeze %dma_wait3A_428 : memref<1x128x64xf32, #tpu.memory_space<vmem>> -> memref<128x64xf32, #tpu.memory_space<vmem>>
      %dma_wait3A_430 = arith.constant 0 : i32
      %dma_wait3A_431 = tpu.memref_slice %arg6[%dma_wait3A_423, %dma_wait3A_430] : memref<64x129xi32, #tpu.memory_space<vmem>> -> memref<1x128xi32, #tpu.memory_space<vmem>>
      %dma_wait3A_432 = tpu.memref_squeeze %dma_wait3A_431 : memref<1x128xi32, #tpu.memory_space<vmem>> -> memref<128xi32, #tpu.memory_space<vmem>>
      %dma_wait3A_433 = arith.constant 0 : i32
      %dma_wait3A_434 = arith.constant 0 : i32
      %dma_wait3A_435 = tpu.memref_slice %arg3[%dma_wait3A_433, %dma_wait3A_434] : memref<200000x64xf32, #tpu.memory_space<hbm>> -> memref<200000x64xf32, #tpu.memory_space<hbm>>
      %dma_wait3A_436 = tpu.memref_slice %arg9[%dma_wait3A_425] : memref<5x!tpu.dma_semaphore, #tpu.memory_space<semaphore_mem>> -> memref<1x!tpu.dma_semaphore, #tpu.memory_space<semaphore_mem>>
      %dma_wait3A_437 = tpu.memref_squeeze %dma_wait3A_436 : memref<1x!tpu.dma_semaphore, #tpu.memory_space<semaphore_mem>> -> memref<!tpu.dma_semaphore, #tpu.memory_space<semaphore_mem>>
      tpu.wait_indirect_dma semaphore(%dma_wait3A_437 : memref<!tpu.dma_semaphore, #tpu.memory_space<semaphore_mem>>) src(%dma_wait3A_435 : memref<200000x64xf32, #tpu.memory_space<hbm>>) dst(%dma_wait3A_429 : memref<128x64xf32, #tpu.memory_space<vmem>>)
      %ge3A = arith.constant 5 : i32
      %ge3A_438 = arith.cmpi sge, %add3A_422, %ge3A : i32
      %convert_element_type3A = arith.extui %ge3A_438 : i1 to i32
      %cond3A = arith.constant 0 : i32
      %cond3A_439 = arith.cmpi ne, %convert_element_type3A, %cond3A : i32
      scf.if %cond3A_439 {
        %dma_wait3A_717 = arith.constant 0 : i32
        %dma_wait3A_718 = arith.constant 0 : i32
        %dma_wait3A_719 = arith.constant 0 : i32
        %dma_wait3A_720 = arith.constant 0 : i32
        %dma_wait3A_721 = arith.constant 0 : i32
        %dma_wait3A_722 = arith.constant 0 : i32
        %dma_wait3A_723 = tpu.memref_slice %arg8[%dma_wait3A_717, %dma_wait3A_720, %dma_wait3A_721, %dma_wait3A_722] : memref<5x8x8x129xf32, #tpu.memory_space<vmem>> -> memref<1x8x8x128xf32, #tpu.memory_space<vmem>>
        %dma_wait3A_724 = tpu.memref_squeeze %dma_wait3A_723 : memref<1x8x8x128xf32, #tpu.memory_space<vmem>> -> memref<8x8x128xf32, #tpu.memory_space<vmem>>
        %dma_wait3A_725 = arith.constant 0 : i32
        %dma_wait3A_726 = arith.constant 0 : i32
        %dma_wait3A_727 = arith.constant 0 : i32
        %dma_wait3A_728 = tpu.memref_slice %arg4[%dma_wait3A_718, %dma_wait3A_725, %add3A, %dma_wait3A_726, %dma_wait3A_727] : memref<50x8x32x8x128xf32, #tpu.memory_space<hbm>> -> memref<1x8x1x8x128xf32, #tpu.memory_space<hbm>>
        %dma_wait3A_729 = tpu.memref_squeeze %dma_wait3A_728 : memref<1x8x1x8x128xf32, #tpu.memory_space<hbm>> -> memref<8x8x128xf32, #tpu.memory_space<hbm>>
        %dma_wait3A_730 = tpu.memref_slice %arg10[%dma_wait3A_719] : memref<5x!tpu.dma_semaphore, #tpu.memory_space<semaphore_mem>> -> memref<1x!tpu.dma_semaphore, #tpu.memory_space<semaphore_mem>>
        %dma_wait3A_731 = tpu.memref_squeeze %dma_wait3A_730 : memref<1x!tpu.dma_semaphore, #tpu.memory_space<semaphore_mem>> -> memref<!tpu.dma_semaphore, #tpu.memory_space<semaphore_mem>>
        %dma_wait3A_732 = arith.constant 0 : i32
        %dma_wait3A_733 = arith.constant 0 : i32
        %dma_wait3A_734 = arith.constant 0 : i32
        %dma_wait3A_735 = tpu.memref_slice %arg4[%dma_wait3A_718, %dma_wait3A_732, %add3A, %dma_wait3A_733, %dma_wait3A_734] : memref<50x8x32x8x128xf32, #tpu.memory_space<hbm>> -> memref<1x8x1x8x128xf32, #tpu.memory_space<hbm>>
        %dma_wait3A_736 = tpu.memref_squeeze %dma_wait3A_735 : memref<1x8x1x8x128xf32, #tpu.memory_space<hbm>> -> memref<8x8x128xf32, #tpu.memory_space<hbm>>
        %dma_wait3A_737 = arith.constant 0 : i32
        %dma_wait3A_738 = arith.constant 0 : i32
        %dma_wait3A_739 = arith.constant 0 : i32
        %dma_wait3A_740 = tpu.memref_slice %arg8[%dma_wait3A_717, %dma_wait3A_737, %dma_wait3A_738, %dma_wait3A_739] : memref<5x8x8x129xf32, #tpu.memory_space<vmem>> -> memref<1x8x8x128xf32, #tpu.memory_space<vmem>>
        %dma_wait3A_741 = tpu.memref_squeeze %dma_wait3A_740 : memref<1x8x8x128xf32, #tpu.memory_space<vmem>> -> memref<8x8x128xf32, #tpu.memory_space<vmem>>
        tpu.wait_dma2 semaphore(%dma_wait3A_731 : memref<!tpu.dma_semaphore, #tpu.memory_space<semaphore_mem>>) src(%dma_wait3A_741 : memref<8x8x128xf32, #tpu.memory_space<vmem>>) dst(%dma_wait3A_736 : memref<8x8x128xf32, #tpu.memory_space<hbm>>)
      } else {
      }
      %parallel_loop3A_440 = arith.constant 0 : i32
      %parallel_loop3A_441 = arith.constant 128 : i32
      %parallel_loop3A_442 = arith.constant 1 : i32
      %parallel_loop3A_443 = arith.constant 0 : i32
      %parallel_loop3A_444 = arith.constant 0 : i32
      scf.for %parallel_loop3A_717 = %parallel_loop3A_440 to %parallel_loop3A_441 step %parallel_loop3A_442  : i32 {
        %parallel_loop3A_718 = arith.constant 0 : i32
        %parallel_loop3A_719 = vector.broadcast %parallel_loop3A_718 : i32 to vector<16xi32>
        %parallel_loop3A_720 = arith.muli %iota3A, %parallel_loop3A_719 : vector<16xi32>
        %parallel_loop3A_721 = vector.broadcast %parallel_loop3A_717 : i32 to vector<16xi32>
        %parallel_loop3A_722 = arith.addi %parallel_loop3A_720, %parallel_loop3A_721 : vector<16xi32>
        %parallel_loop3A_723 = arith.constant 0 : i32
        %parallel_loop3A_724 = arith.constant 0 : i32
        %parallel_loop3A_725 = tpu.memref_slice %arg7[%parallel_loop3A_443, %parallel_loop3A_723, %parallel_loop3A_724] : memref<5x128x64xf32, #tpu.memory_space<vmem>> -> memref<1x128x64xf32, #tpu.memory_space<vmem>>
        %parallel_loop3A_726 = tpu.memref_squeeze %parallel_loop3A_725 : memref<1x128x64xf32, #tpu.memory_space<vmem>> -> memref<128x64xf32, #tpu.memory_space<vmem>>
        %parallel_loop3A_727 = arith.index_cast %parallel_loop3A_717 : i32 to index
        %parallel_loop3A_728 = arith.constant 0 : index
        %parallel_loop3A_729 = tpu.vector_load %parallel_loop3A_726[%parallel_loop3A_727, %parallel_loop3A_728] {strides = array<i32>} : memref<128x64xf32, #tpu.memory_space<vmem>>, vector<16xf32>,
        %parallel_loop3A_730 = arith.constant 0 : i32
        %parallel_loop3A_731 = arith.constant 0 : i32
        %parallel_loop3A_732 = arith.constant 0 : i32
        %parallel_loop3A_733 = tpu.memref_slice %arg8[%parallel_loop3A_444, %parallel_loop3A_730, %parallel_loop3A_731, %parallel_loop3A_732] : memref<5x8x8x129xf32, #tpu.memory_space<vmem>> -> memref<1x8x8x129xf32, #tpu.memory_space<vmem>>
        %parallel_loop3A_734 = tpu.memref_squeeze %parallel_loop3A_733 : memref<1x8x8x129xf32, #tpu.memory_space<vmem>> -> memref<8x8x129xf32, #tpu.memory_space<vmem>>
        tpu.vector_store_idx %parallel_loop3A_734[%select_n3A, %select_n3A_153, %parallel_loop3A_722], %parallel_loop3A_729 : memref<8x8x129xf32, #tpu.memory_space<vmem>>[vector<16xi32>, vector<16xi32>, vector<16xi32>], vector<16xf32>,
        %parallel_loop3A_735 = arith.constant 0 : i32
        %parallel_loop3A_736 = arith.constant 0 : i32
        %parallel_loop3A_737 = tpu.memref_slice %arg7[%parallel_loop3A_443, %parallel_loop3A_735, %parallel_loop3A_736] : memref<5x128x64xf32, #tpu.memory_space<vmem>> -> memref<1x128x64xf32, #tpu.memory_space<vmem>>
        %parallel_loop3A_738 = tpu.memref_squeeze %parallel_loop3A_737 : memref<1x128x64xf32, #tpu.memory_space<vmem>> -> memref<128x64xf32, #tpu.memory_space<vmem>>
        %parallel_loop3A_739 = arith.index_cast %parallel_loop3A_717 : i32 to index
        %parallel_loop3A_740 = arith.constant 16 : index
        %parallel_loop3A_741 = tpu.vector_load %parallel_loop3A_738[%parallel_loop3A_739, %parallel_loop3A_740] {strides = array<i32>} : memref<128x64xf32, #tpu.memory_space<vmem>>, vector<16xf32>,
        %parallel_loop3A_742 = arith.constant 0 : i32
        %parallel_loop3A_743 = arith.constant 0 : i32
        %parallel_loop3A_744 = arith.constant 0 : i32
        %parallel_loop3A_745 = tpu.memref_slice %arg8[%parallel_loop3A_444, %parallel_loop3A_742, %parallel_loop3A_743, %parallel_loop3A_744] : memref<5x8x8x129xf32, #tpu.memory_space<vmem>> -> memref<1x8x8x129xf32, #tpu.memory_space<vmem>>
        %parallel_loop3A_746 = tpu.memref_squeeze %parallel_loop3A_745 : memref<1x8x8x129xf32, #tpu.memory_space<vmem>> -> memref<8x8x129xf32, #tpu.memory_space<vmem>>
        tpu.vector_store_idx %parallel_loop3A_746[%select_n3A_62, %select_n3A_178, %parallel_loop3A_722], %parallel_loop3A_741 : memref<8x8x129xf32, #tpu.memory_space<vmem>>[vector<16xi32>, vector<16xi32>, vector<16xi32>], vector<16xf32>,
        %parallel_loop3A_747 = arith.constant 0 : i32
        %parallel_loop3A_748 = arith.constant 0 : i32
        %parallel_loop3A_749 = tpu.memref_slice %arg7[%parallel_loop3A_443, %parallel_loop3A_747, %parallel_loop3A_748] : memref<5x128x64xf32, #tpu.memory_space<vmem>> -> memref<1x128x64xf32, #tpu.memory_space<vmem>>
        %parallel_loop3A_750 = tpu.memref_squeeze %parallel_loop3A_749 : memref<1x128x64xf32, #tpu.memory_space<vmem>> -> memref<128x64xf32, #tpu.memory_space<vmem>>
        %parallel_loop3A_751 = arith.index_cast %parallel_loop3A_717 : i32 to index
        %parallel_loop3A_752 = arith.constant 32 : index
        %parallel_loop3A_753 = tpu.vector_load %parallel_loop3A_750[%parallel_loop3A_751, %parallel_loop3A_752] {strides = array<i32>} : memref<128x64xf32, #tpu.memory_space<vmem>>, vector<16xf32>,
        %parallel_loop3A_754 = arith.constant 0 : i32
        %parallel_loop3A_755 = arith.constant 0 : i32
        %parallel_loop3A_756 = arith.constant 0 : i32
        %parallel_loop3A_757 = tpu.memref_slice %arg8[%parallel_loop3A_444, %parallel_loop3A_754, %parallel_loop3A_755, %parallel_loop3A_756] : memref<5x8x8x129xf32, #tpu.memory_space<vmem>> -> memref<1x8x8x129xf32, #tpu.memory_space<vmem>>
        %parallel_loop3A_758 = tpu.memref_squeeze %parallel_loop3A_757 : memref<1x8x8x129xf32, #tpu.memory_space<vmem>> -> memref<8x8x129xf32, #tpu.memory_space<vmem>>
        tpu.vector_store_idx %parallel_loop3A_758[%select_n3A_96, %select_n3A_203, %parallel_loop3A_722], %parallel_loop3A_753 : memref<8x8x129xf32, #tpu.memory_space<vmem>>[vector<16xi32>, vector<16xi32>, vector<16xi32>], vector<16xf32>,
        %parallel_loop3A_759 = arith.constant 0 : i32
        %parallel_loop3A_760 = arith.constant 0 : i32
        %parallel_loop3A_761 = tpu.memref_slice %arg7[%parallel_loop3A_443, %parallel_loop3A_759, %parallel_loop3A_760] : memref<5x128x64xf32, #tpu.memory_space<vmem>> -> memref<1x128x64xf32, #tpu.memory_space<vmem>>
        %parallel_loop3A_762 = tpu.memref_squeeze %parallel_loop3A_761 : memref<1x128x64xf32, #tpu.memory_space<vmem>> -> memref<128x64xf32, #tpu.memory_space<vmem>>
        %parallel_loop3A_763 = arith.index_cast %parallel_loop3A_717 : i32 to index
        %parallel_loop3A_764 = arith.constant 48 : index
        %parallel_loop3A_765 = tpu.vector_load %parallel_loop3A_762[%parallel_loop3A_763, %parallel_loop3A_764] {strides = array<i32>} : memref<128x64xf32, #tpu.memory_space<vmem>>, vector<16xf32>,
        %parallel_loop3A_766 = arith.constant 0 : i32
        %parallel_loop3A_767 = arith.constant 0 : i32
        %parallel_loop3A_768 = arith.constant 0 : i32
        %parallel_loop3A_769 = tpu.memref_slice %arg8[%parallel_loop3A_444, %parallel_loop3A_766, %parallel_loop3A_767, %parallel_loop3A_768] : memref<5x8x8x129xf32, #tpu.memory_space<vmem>> -> memref<1x8x8x129xf32, #tpu.memory_space<vmem>>
        %parallel_loop3A_770 = tpu.memref_squeeze %parallel_loop3A_769 : memref<1x8x8x129xf32, #tpu.memory_space<vmem>> -> memref<8x8x129xf32, #tpu.memory_space<vmem>>
        tpu.vector_store_idx %parallel_loop3A_770[%select_n3A_130, %select_n3A_228, %parallel_loop3A_722], %parallel_loop3A_765 : memref<8x8x129xf32, #tpu.memory_space<vmem>>[vector<16xi32>, vector<16xi32>, vector<16xi32>], vector<16xf32>,
      } {sc.loop_unroll_factor = 4 : i64, sc.parallel_access}
      %dma_start3A_445 = arith.constant 0 : i32
      %dma_start3A_446 = arith.constant 0 : i32
      %dma_start3A_447 = arith.constant 0 : i32
      %dma_start3A_448 = arith.constant 0 : i32
      %dma_start3A_449 = arith.constant 0 : i32
      %dma_start3A_450 = tpu.memref_slice %arg8[%dma_start3A_445, %dma_start3A_447, %dma_start3A_448, %dma_start3A_449] : memref<5x8x8x129xf32, #tpu.memory_space<vmem>> -> memref<1x8x8x128xf32, #tpu.memory_space<vmem>>
      %dma_start3A_451 = tpu.memref_squeeze %dma_start3A_450 : memref<1x8x8x128xf32, #tpu.memory_space<vmem>> -> memref<8x8x128xf32, #tpu.memory_space<vmem>>
      %dma_start3A_452 = arith.constant 0 : i32
      %dma_start3A_453 = arith.constant 0 : i32
      %dma_start3A_454 = arith.constant 0 : i32
      %dma_start3A_455 = tpu.memref_slice %arg4[%add3A_422, %dma_start3A_452, %add3A, %dma_start3A_453, %dma_start3A_454] : memref<50x8x32x8x128xf32, #tpu.memory_space<hbm>> -> memref<1x8x1x8x128xf32, #tpu.memory_space<hbm>>
      %dma_start3A_456 = tpu.memref_squeeze %dma_start3A_455 : memref<1x8x1x8x128xf32, #tpu.memory_space<hbm>> -> memref<8x8x128xf32, #tpu.memory_space<hbm>>
      %dma_start3A_457 = tpu.memref_slice %arg10[%dma_start3A_446] : memref<5x!tpu.dma_semaphore, #tpu.memory_space<semaphore_mem>> -> memref<1x!tpu.dma_semaphore, #tpu.memory_space<semaphore_mem>>
      %dma_start3A_458 = tpu.memref_squeeze %dma_start3A_457 : memref<1x!tpu.dma_semaphore, #tpu.memory_space<semaphore_mem>> -> memref<!tpu.dma_semaphore, #tpu.memory_space<semaphore_mem>>
      %dma_start3A_459 = arith.constant 0 : i32
      %dma_start3A_460 = arith.constant 0 : i32
      %dma_start3A_461 = arith.constant 0 : i32
      %dma_start3A_462 = tpu.memref_slice %arg4[%add3A_422, %dma_start3A_459, %add3A, %dma_start3A_460, %dma_start3A_461] : memref<50x8x32x8x128xf32, #tpu.memory_space<hbm>> -> memref<1x8x1x8x128xf32, #tpu.memory_space<hbm>>
      %dma_start3A_463 = tpu.memref_squeeze %dma_start3A_462 : memref<1x8x1x8x128xf32, #tpu.memory_space<hbm>> -> memref<8x8x128xf32, #tpu.memory_space<hbm>>
      %dma_start3A_464 = arith.constant 0 : i32
      %dma_start3A_465 = arith.constant 0 : i32
      %dma_start3A_466 = arith.constant 0 : i32
      %dma_start3A_467 = tpu.memref_slice %arg8[%dma_start3A_445, %dma_start3A_464, %dma_start3A_465, %dma_start3A_466] : memref<5x8x8x129xf32, #tpu.memory_space<vmem>> -> memref<1x8x8x128xf32, #tpu.memory_space<vmem>>
      %dma_start3A_468 = tpu.memref_squeeze %dma_start3A_467 : memref<1x8x8x128xf32, #tpu.memory_space<vmem>> -> memref<8x8x128xf32, #tpu.memory_space<vmem>>
      tpu.enqueue_dma source(%dma_start3A_468 : memref<8x8x128xf32, #tpu.memory_space<vmem>>) target(%dma_start3A_463 : memref<8x8x128xf32, #tpu.memory_space<hbm>>) target_semaphore(%dma_start3A_458 : memref<!tpu.dma_semaphore, #tpu.memory_space<semaphore_mem>>)
      %add3A_469 = arith.constant 3 : i32
      %add3A_470 = arith.addi %add3A_422, %add3A_469 : i32
      %lt3A_471 = arith.constant 50 : i32
      %lt3A_472 = arith.cmpi slt, %add3A_470, %lt3A_471 : i32
      %convert_element_type3A_473 = arith.extui %lt3A_472 : i1 to i32
      %cond3A_474 = arith.constant 0 : i32
      %cond3A_475 = arith.cmpi ne, %convert_element_type3A_473, %cond3A_474 : i32
      scf.if %cond3A_475 {
        %add3A_717 = arith.constant 3 : i32
        %add3A_718 = arith.addi %add3A_422, %add3A_717 : i32
        %dma_start3A_719 = arith.constant 3 : i32
        %dma_start3A_720 = arith.constant 3 : i32
        %dma_start3A_721 = arith.constant 0 : i32
        %dma_start3A_722 = arith.constant 0 : i32
        %dma_start3A_723 = tpu.memref_slice %arg7[%dma_start3A_719, %dma_start3A_721, %dma_start3A_722] : memref<5x128x64xf32, #tpu.memory_space<vmem>> -> memref<1x128x64xf32, #tpu.memory_space<vmem>>
        %dma_start3A_724 = tpu.memref_squeeze %dma_start3A_723 : memref<1x128x64xf32, #tpu.memory_space<vmem>> -> memref<128x64xf32, #tpu.memory_space<vmem>>
        %dma_start3A_725 = arith.constant 0 : i32
        %dma_start3A_726 = tpu.memref_slice %arg6[%add3A_718, %dma_start3A_725] : memref<64x129xi32, #tpu.memory_space<vmem>> -> memref<1x128xi32, #tpu.memory_space<vmem>>
        %dma_start3A_727 = tpu.memref_squeeze %dma_start3A_726 : memref<1x128xi32, #tpu.memory_space<vmem>> -> memref<128xi32, #tpu.memory_space<vmem>>
        %dma_start3A_728 = arith.constant 0 : i32
        %dma_start3A_729 = arith.constant 0 : i32
        %dma_start3A_730 = tpu.memref_slice %arg3[%dma_start3A_728, %dma_start3A_729] : memref<200000x64xf32, #tpu.memory_space<hbm>> -> memref<200000x64xf32, #tpu.memory_space<hbm>>
        %dma_start3A_731 = tpu.memref_slice %arg9[%dma_start3A_720] : memref<5x!tpu.dma_semaphore, #tpu.memory_space<semaphore_mem>> -> memref<1x!tpu.dma_semaphore, #tpu.memory_space<semaphore_mem>>
        %dma_start3A_732 = tpu.memref_squeeze %dma_start3A_731 : memref<1x!tpu.dma_semaphore, #tpu.memory_space<semaphore_mem>> -> memref<!tpu.dma_semaphore, #tpu.memory_space<semaphore_mem>>
        tpu.enqueue_indirect_dma source(%dma_start3A_730 : memref<200000x64xf32, #tpu.memory_space<hbm>>) target(%dma_start3A_724 : memref<128x64xf32, #tpu.memory_space<vmem>>) offsets(%dma_start3A_727 : memref<128xi32, #tpu.memory_space<vmem>>) semaphore(%dma_start3A_732 : memref<!tpu.dma_semaphore, #tpu.memory_space<semaphore_mem>>)
      } else {
      }
      %mul3A_476 = arith.constant 5 : i32
      %mul3A_477 = arith.muli %scan3A_417, %mul3A_476 : i32
      %add3A_478 = arith.constant 1 : i32
      %add3A_479 = arith.addi %mul3A_477, %add3A_478 : i32
      %dma_wait3A_480 = arith.constant 1 : i32
      %dma_wait3A_481 = arith.constant 1 : i32
      %dma_wait3A_482 = arith.constant 1 : i32
      %dma_wait3A_483 = arith.constant 0 : i32
      %dma_wait3A_484 = arith.constant 0 : i32
      %dma_wait3A_485 = tpu.memref_slice %arg7[%dma_wait3A_481, %dma_wait3A_483, %dma_wait3A_484] : memref<5x128x64xf32, #tpu.memory_space<vmem>> -> memref<1x128x64xf32, #tpu.memory_space<vmem>>
      %dma_wait3A_486 = tpu.memref_squeeze %dma_wait3A_485 : memref<1x128x64xf32, #tpu.memory_space<vmem>> -> memref<128x64xf32, #tpu.memory_space<vmem>>
      %dma_wait3A_487 = arith.constant 0 : i32
      %dma_wait3A_488 = tpu.memref_slice %arg6[%dma_wait3A_480, %dma_wait3A_487] : memref<64x129xi32, #tpu.memory_space<vmem>> -> memref<1x128xi32, #tpu.memory_space<vmem>>
      %dma_wait3A_489 = tpu.memref_squeeze %dma_wait3A_488 : memref<1x128xi32, #tpu.memory_space<vmem>> -> memref<128xi32, #tpu.memory_space<vmem>>
      %dma_wait3A_490 = arith.constant 0 : i32
      %dma_wait3A_491 = arith.constant 0 : i32
      %dma_wait3A_492 = tpu.memref_slice %arg3[%dma_wait3A_490, %dma_wait3A_491] : memref<200000x64xf32, #tpu.memory_space<hbm>> -> memref<200000x64xf32, #tpu.memory_space<hbm>>
      %dma_wait3A_493 = tpu.memref_slice %arg9[%dma_wait3A_482] : memref<5x!tpu.dma_semaphore, #tpu.memory_space<semaphore_mem>> -> memref<1x!tpu.dma_semaphore, #tpu.memory_space<semaphore_mem>>
      %dma_wait3A_494 = tpu.memref_squeeze %dma_wait3A_493 : memref<1x!tpu.dma_semaphore, #tpu.memory_space<semaphore_mem>> -> memref<!tpu.dma_semaphore, #tpu.memory_space<semaphore_mem>>
      tpu.wait_indirect_dma semaphore(%dma_wait3A_494 : memref<!tpu.dma_semaphore, #tpu.memory_space<semaphore_mem>>) src(%dma_wait3A_492 : memref<200000x64xf32, #tpu.memory_space<hbm>>) dst(%dma_wait3A_486 : memref<128x64xf32, #tpu.memory_space<vmem>>)
      %ge3A_495 = arith.constant 5 : i32
      %ge3A_496 = arith.cmpi sge, %add3A_479, %ge3A_495 : i32
      %convert_element_type3A_497 = arith.extui %ge3A_496 : i1 to i32
      %cond3A_498 = arith.constant 0 : i32
      %cond3A_499 = arith.cmpi ne, %convert_element_type3A_497, %cond3A_498 : i32
      scf.if %cond3A_499 {
        %dma_wait3A_717 = arith.constant 1 : i32
        %dma_wait3A_718 = arith.constant 0 : i32
        %dma_wait3A_719 = arith.constant 1 : i32
        %dma_wait3A_720 = arith.constant 0 : i32
        %dma_wait3A_721 = arith.constant 0 : i32
        %dma_wait3A_722 = arith.constant 0 : i32
        %dma_wait3A_723 = tpu.memref_slice %arg8[%dma_wait3A_717, %dma_wait3A_720, %dma_wait3A_721, %dma_wait3A_722] : memref<5x8x8x129xf32, #tpu.memory_space<vmem>> -> memref<1x8x8x128xf32, #tpu.memory_space<vmem>>
        %dma_wait3A_724 = tpu.memref_squeeze %dma_wait3A_723 : memref<1x8x8x128xf32, #tpu.memory_space<vmem>> -> memref<8x8x128xf32, #tpu.memory_space<vmem>>
        %dma_wait3A_725 = arith.constant 0 : i32
        %dma_wait3A_726 = arith.constant 0 : i32
        %dma_wait3A_727 = arith.constant 0 : i32
        %dma_wait3A_728 = tpu.memref_slice %arg4[%dma_wait3A_718, %dma_wait3A_725, %add3A, %dma_wait3A_726, %dma_wait3A_727] : memref<50x8x32x8x128xf32, #tpu.memory_space<hbm>> -> memref<1x8x1x8x128xf32, #tpu.memory_space<hbm>>
        %dma_wait3A_729 = tpu.memref_squeeze %dma_wait3A_728 : memref<1x8x1x8x128xf32, #tpu.memory_space<hbm>> -> memref<8x8x128xf32, #tpu.memory_space<hbm>>
        %dma_wait3A_730 = tpu.memref_slice %arg10[%dma_wait3A_719] : memref<5x!tpu.dma_semaphore, #tpu.memory_space<semaphore_mem>> -> memref<1x!tpu.dma_semaphore, #tpu.memory_space<semaphore_mem>>
        %dma_wait3A_731 = tpu.memref_squeeze %dma_wait3A_730 : memref<1x!tpu.dma_semaphore, #tpu.memory_space<semaphore_mem>> -> memref<!tpu.dma_semaphore, #tpu.memory_space<semaphore_mem>>
        %dma_wait3A_732 = arith.constant 0 : i32
        %dma_wait3A_733 = arith.constant 0 : i32
        %dma_wait3A_734 = arith.constant 0 : i32
        %dma_wait3A_735 = tpu.memref_slice %arg4[%dma_wait3A_718, %dma_wait3A_732, %add3A, %dma_wait3A_733, %dma_wait3A_734] : memref<50x8x32x8x128xf32, #tpu.memory_space<hbm>> -> memref<1x8x1x8x128xf32, #tpu.memory_space<hbm>>
        %dma_wait3A_736 = tpu.memref_squeeze %dma_wait3A_735 : memref<1x8x1x8x128xf32, #tpu.memory_space<hbm>> -> memref<8x8x128xf32, #tpu.memory_space<hbm>>
        %dma_wait3A_737 = arith.constant 0 : i32
        %dma_wait3A_738 = arith.constant 0 : i32
        %dma_wait3A_739 = arith.constant 0 : i32
        %dma_wait3A_740 = tpu.memref_slice %arg8[%dma_wait3A_717, %dma_wait3A_737, %dma_wait3A_738, %dma_wait3A_739] : memref<5x8x8x129xf32, #tpu.memory_space<vmem>> -> memref<1x8x8x128xf32, #tpu.memory_space<vmem>>
        %dma_wait3A_741 = tpu.memref_squeeze %dma_wait3A_740 : memref<1x8x8x128xf32, #tpu.memory_space<vmem>> -> memref<8x8x128xf32, #tpu.memory_space<vmem>>
        tpu.wait_dma2 semaphore(%dma_wait3A_731 : memref<!tpu.dma_semaphore, #tpu.memory_space<semaphore_mem>>) src(%dma_wait3A_741 : memref<8x8x128xf32, #tpu.memory_space<vmem>>) dst(%dma_wait3A_736 : memref<8x8x128xf32, #tpu.memory_space<hbm>>)
      } else {
      }
      %parallel_loop3A_500 = arith.constant 0 : i32
      %parallel_loop3A_501 = arith.constant 128 : i32
      %parallel_loop3A_502 = arith.constant 1 : i32
      %parallel_loop3A_503 = arith.constant 1 : i32
      %parallel_loop3A_504 = arith.constant 1 : i32
      scf.for %parallel_loop3A_717 = %parallel_loop3A_500 to %parallel_loop3A_501 step %parallel_loop3A_502  : i32 {
        %parallel_loop3A_718 = arith.constant 0 : i32
        %parallel_loop3A_719 = vector.broadcast %parallel_loop3A_718 : i32 to vector<16xi32>
        %parallel_loop3A_720 = arith.muli %iota3A, %parallel_loop3A_719 : vector<16xi32>
        %parallel_loop3A_721 = vector.broadcast %parallel_loop3A_717 : i32 to vector<16xi32>
        %parallel_loop3A_722 = arith.addi %parallel_loop3A_720, %parallel_loop3A_721 : vector<16xi32>
        %parallel_loop3A_723 = arith.constant 0 : i32
        %parallel_loop3A_724 = arith.constant 0 : i32
        %parallel_loop3A_725 = tpu.memref_slice %arg7[%parallel_loop3A_503, %parallel_loop3A_723, %parallel_loop3A_724] : memref<5x128x64xf32, #tpu.memory_space<vmem>> -> memref<1x128x64xf32, #tpu.memory_space<vmem>>
        %parallel_loop3A_726 = tpu.memref_squeeze %parallel_loop3A_725 : memref<1x128x64xf32, #tpu.memory_space<vmem>> -> memref<128x64xf32, #tpu.memory_space<vmem>>
        %parallel_loop3A_727 = arith.index_cast %parallel_loop3A_717 : i32 to index
        %parallel_loop3A_728 = arith.constant 0 : index
        %parallel_loop3A_729 = tpu.vector_load %parallel_loop3A_726[%parallel_loop3A_727, %parallel_loop3A_728] {strides = array<i32>} : memref<128x64xf32, #tpu.memory_space<vmem>>, vector<16xf32>,
        %parallel_loop3A_730 = arith.constant 0 : i32
        %parallel_loop3A_731 = arith.constant 0 : i32
        %parallel_loop3A_732 = arith.constant 0 : i32
        %parallel_loop3A_733 = tpu.memref_slice %arg8[%parallel_loop3A_504, %parallel_loop3A_730, %parallel_loop3A_731, %parallel_loop3A_732] : memref<5x8x8x129xf32, #tpu.memory_space<vmem>> -> memref<1x8x8x129xf32, #tpu.memory_space<vmem>>
        %parallel_loop3A_734 = tpu.memref_squeeze %parallel_loop3A_733 : memref<1x8x8x129xf32, #tpu.memory_space<vmem>> -> memref<8x8x129xf32, #tpu.memory_space<vmem>>
        tpu.vector_store_idx %parallel_loop3A_734[%select_n3A, %select_n3A_153, %parallel_loop3A_722], %parallel_loop3A_729 : memref<8x8x129xf32, #tpu.memory_space<vmem>>[vector<16xi32>, vector<16xi32>, vector<16xi32>], vector<16xf32>,
        %parallel_loop3A_735 = arith.constant 0 : i32
        %parallel_loop3A_736 = arith.constant 0 : i32
        %parallel_loop3A_737 = tpu.memref_slice %arg7[%parallel_loop3A_503, %parallel_loop3A_735, %parallel_loop3A_736] : memref<5x128x64xf32, #tpu.memory_space<vmem>> -> memref<1x128x64xf32, #tpu.memory_space<vmem>>
        %parallel_loop3A_738 = tpu.memref_squeeze %parallel_loop3A_737 : memref<1x128x64xf32, #tpu.memory_space<vmem>> -> memref<128x64xf32, #tpu.memory_space<vmem>>
        %parallel_loop3A_739 = arith.index_cast %parallel_loop3A_717 : i32 to index
        %parallel_loop3A_740 = arith.constant 16 : index
        %parallel_loop3A_741 = tpu.vector_load %parallel_loop3A_738[%parallel_loop3A_739, %parallel_loop3A_740] {strides = array<i32>} : memref<128x64xf32, #tpu.memory_space<vmem>>, vector<16xf32>,
        %parallel_loop3A_742 = arith.constant 0 : i32
        %parallel_loop3A_743 = arith.constant 0 : i32
        %parallel_loop3A_744 = arith.constant 0 : i32
        %parallel_loop3A_745 = tpu.memref_slice %arg8[%parallel_loop3A_504, %parallel_loop3A_742, %parallel_loop3A_743, %parallel_loop3A_744] : memref<5x8x8x129xf32, #tpu.memory_space<vmem>> -> memref<1x8x8x129xf32, #tpu.memory_space<vmem>>
        %parallel_loop3A_746 = tpu.memref_squeeze %parallel_loop3A_745 : memref<1x8x8x129xf32, #tpu.memory_space<vmem>> -> memref<8x8x129xf32, #tpu.memory_space<vmem>>
        tpu.vector_store_idx %parallel_loop3A_746[%select_n3A_62, %select_n3A_178, %parallel_loop3A_722], %parallel_loop3A_741 : memref<8x8x129xf32, #tpu.memory_space<vmem>>[vector<16xi32>, vector<16xi32>, vector<16xi32>], vector<16xf32>,
        %parallel_loop3A_747 = arith.constant 0 : i32
        %parallel_loop3A_748 = arith.constant 0 : i32
        %parallel_loop3A_749 = tpu.memref_slice %arg7[%parallel_loop3A_503, %parallel_loop3A_747, %parallel_loop3A_748] : memref<5x128x64xf32, #tpu.memory_space<vmem>> -> memref<1x128x64xf32, #tpu.memory_space<vmem>>
        %parallel_loop3A_750 = tpu.memref_squeeze %parallel_loop3A_749 : memref<1x128x64xf32, #tpu.memory_space<vmem>> -> memref<128x64xf32, #tpu.memory_space<vmem>>
        %parallel_loop3A_751 = arith.index_cast %parallel_loop3A_717 : i32 to index
        %parallel_loop3A_752 = arith.constant 32 : index
        %parallel_loop3A_753 = tpu.vector_load %parallel_loop3A_750[%parallel_loop3A_751, %parallel_loop3A_752] {strides = array<i32>} : memref<128x64xf32, #tpu.memory_space<vmem>>, vector<16xf32>,
        %parallel_loop3A_754 = arith.constant 0 : i32
        %parallel_loop3A_755 = arith.constant 0 : i32
        %parallel_loop3A_756 = arith.constant 0 : i32
        %parallel_loop3A_757 = tpu.memref_slice %arg8[%parallel_loop3A_504, %parallel_loop3A_754, %parallel_loop3A_755, %parallel_loop3A_756] : memref<5x8x8x129xf32, #tpu.memory_space<vmem>> -> memref<1x8x8x129xf32, #tpu.memory_space<vmem>>
        %parallel_loop3A_758 = tpu.memref_squeeze %parallel_loop3A_757 : memref<1x8x8x129xf32, #tpu.memory_space<vmem>> -> memref<8x8x129xf32, #tpu.memory_space<vmem>>
        tpu.vector_store_idx %parallel_loop3A_758[%select_n3A_96, %select_n3A_203, %parallel_loop3A_722], %parallel_loop3A_753 : memref<8x8x129xf32, #tpu.memory_space<vmem>>[vector<16xi32>, vector<16xi32>, vector<16xi32>], vector<16xf32>,
        %parallel_loop3A_759 = arith.constant 0 : i32
        %parallel_loop3A_760 = arith.constant 0 : i32
        %parallel_loop3A_761 = tpu.memref_slice %arg7[%parallel_loop3A_503, %parallel_loop3A_759, %parallel_loop3A_760] : memref<5x128x64xf32, #tpu.memory_space<vmem>> -> memref<1x128x64xf32, #tpu.memory_space<vmem>>
        %parallel_loop3A_762 = tpu.memref_squeeze %parallel_loop3A_761 : memref<1x128x64xf32, #tpu.memory_space<vmem>> -> memref<128x64xf32, #tpu.memory_space<vmem>>
        %parallel_loop3A_763 = arith.index_cast %parallel_loop3A_717 : i32 to index
        %parallel_loop3A_764 = arith.constant 48 : index
        %parallel_loop3A_765 = tpu.vector_load %parallel_loop3A_762[%parallel_loop3A_763, %parallel_loop3A_764] {strides = array<i32>} : memref<128x64xf32, #tpu.memory_space<vmem>>, vector<16xf32>,
        %parallel_loop3A_766 = arith.constant 0 : i32
        %parallel_loop3A_767 = arith.constant 0 : i32
        %parallel_loop3A_768 = arith.constant 0 : i32
        %parallel_loop3A_769 = tpu.memref_slice %arg8[%parallel_loop3A_504, %parallel_loop3A_766, %parallel_loop3A_767, %parallel_loop3A_768] : memref<5x8x8x129xf32, #tpu.memory_space<vmem>> -> memref<1x8x8x129xf32, #tpu.memory_space<vmem>>
        %parallel_loop3A_770 = tpu.memref_squeeze %parallel_loop3A_769 : memref<1x8x8x129xf32, #tpu.memory_space<vmem>> -> memref<8x8x129xf32, #tpu.memory_space<vmem>>
        tpu.vector_store_idx %parallel_loop3A_770[%select_n3A_130, %select_n3A_228, %parallel_loop3A_722], %parallel_loop3A_765 : memref<8x8x129xf32, #tpu.memory_space<vmem>>[vector<16xi32>, vector<16xi32>, vector<16xi32>], vector<16xf32>,
      } {sc.loop_unroll_factor = 4 : i64, sc.parallel_access}
      %dma_start3A_505 = arith.constant 1 : i32
      %dma_start3A_506 = arith.constant 1 : i32
      %dma_start3A_507 = arith.constant 0 : i32
      %dma_start3A_508 = arith.constant 0 : i32
      %dma_start3A_509 = arith.constant 0 : i32
      %dma_start3A_510 = tpu.memref_slice %arg8[%dma_start3A_505, %dma_start3A_507, %dma_start3A_508, %dma_start3A_509] : memref<5x8x8x129xf32, #tpu.memory_space<vmem>> -> memref<1x8x8x128xf32, #tpu.memory_space<vmem>>
      %dma_start3A_511 = tpu.memref_squeeze %dma_start3A_510 : memref<1x8x8x128xf32, #tpu.memory_space<vmem>> -> memref<8x8x128xf32, #tpu.memory_space<vmem>>
      %dma_start3A_512 = arith.constant 0 : i32
      %dma_start3A_513 = arith.constant 0 : i32
      %dma_start3A_514 = arith.constant 0 : i32
      %dma_start3A_515 = tpu.memref_slice %arg4[%add3A_479, %dma_start3A_512, %add3A, %dma_start3A_513, %dma_start3A_514] : memref<50x8x32x8x128xf32, #tpu.memory_space<hbm>> -> memref<1x8x1x8x128xf32, #tpu.memory_space<hbm>>
      %dma_start3A_516 = tpu.memref_squeeze %dma_start3A_515 : memref<1x8x1x8x128xf32, #tpu.memory_space<hbm>> -> memref<8x8x128xf32, #tpu.memory_space<hbm>>
      %dma_start3A_517 = tpu.memref_slice %arg10[%dma_start3A_506] : memref<5x!tpu.dma_semaphore, #tpu.memory_space<semaphore_mem>> -> memref<1x!tpu.dma_semaphore, #tpu.memory_space<semaphore_mem>>
      %dma_start3A_518 = tpu.memref_squeeze %dma_start3A_517 : memref<1x!tpu.dma_semaphore, #tpu.memory_space<semaphore_mem>> -> memref<!tpu.dma_semaphore, #tpu.memory_space<semaphore_mem>>
      %dma_start3A_519 = arith.constant 0 : i32
      %dma_start3A_520 = arith.constant 0 : i32
      %dma_start3A_521 = arith.constant 0 : i32
      %dma_start3A_522 = tpu.memref_slice %arg4[%add3A_479, %dma_start3A_519, %add3A, %dma_start3A_520, %dma_start3A_521] : memref<50x8x32x8x128xf32, #tpu.memory_space<hbm>> -> memref<1x8x1x8x128xf32, #tpu.memory_space<hbm>>
      %dma_start3A_523 = tpu.memref_squeeze %dma_start3A_522 : memref<1x8x1x8x128xf32, #tpu.memory_space<hbm>> -> memref<8x8x128xf32, #tpu.memory_space<hbm>>
      %dma_start3A_524 = arith.constant 0 : i32
      %dma_start3A_525 = arith.constant 0 : i32
      %dma_start3A_526 = arith.constant 0 : i32
      %dma_start3A_527 = tpu.memref_slice %arg8[%dma_start3A_505, %dma_start3A_524, %dma_start3A_525, %dma_start3A_526] : memref<5x8x8x129xf32, #tpu.memory_space<vmem>> -> memref<1x8x8x128xf32, #tpu.memory_space<vmem>>
      %dma_start3A_528 = tpu.memref_squeeze %dma_start3A_527 : memref<1x8x8x128xf32, #tpu.memory_space<vmem>> -> memref<8x8x128xf32, #tpu.memory_space<vmem>>
      tpu.enqueue_dma source(%dma_start3A_528 : memref<8x8x128xf32, #tpu.memory_space<vmem>>) target(%dma_start3A_523 : memref<8x8x128xf32, #tpu.memory_space<hbm>>) target_semaphore(%dma_start3A_518 : memref<!tpu.dma_semaphore, #tpu.memory_space<semaphore_mem>>)
      %add3A_529 = arith.constant 3 : i32
      %add3A_530 = arith.addi %add3A_479, %add3A_529 : i32
      %lt3A_531 = arith.constant 50 : i32
      %lt3A_532 = arith.cmpi slt, %add3A_530, %lt3A_531 : i32
      %convert_element_type3A_533 = arith.extui %lt3A_532 : i1 to i32
      %cond3A_534 = arith.constant 0 : i32
      %cond3A_535 = arith.cmpi ne, %convert_element_type3A_533, %cond3A_534 : i32
      scf.if %cond3A_535 {
        %add3A_717 = arith.constant 3 : i32
        %add3A_718 = arith.addi %add3A_479, %add3A_717 : i32
        %dma_start3A_719 = arith.constant 4 : i32
        %dma_start3A_720 = arith.constant 4 : i32
        %dma_start3A_721 = arith.constant 0 : i32
        %dma_start3A_722 = arith.constant 0 : i32
        %dma_start3A_723 = tpu.memref_slice %arg7[%dma_start3A_719, %dma_start3A_721, %dma_start3A_722] : memref<5x128x64xf32, #tpu.memory_space<vmem>> -> memref<1x128x64xf32, #tpu.memory_space<vmem>>
        %dma_start3A_724 = tpu.memref_squeeze %dma_start3A_723 : memref<1x128x64xf32, #tpu.memory_space<vmem>> -> memref<128x64xf32, #tpu.memory_space<vmem>>
        %dma_start3A_725 = arith.constant 0 : i32
        %dma_start3A_726 = tpu.memref_slice %arg6[%add3A_718, %dma_start3A_725] : memref<64x129xi32, #tpu.memory_space<vmem>> -> memref<1x128xi32, #tpu.memory_space<vmem>>
        %dma_start3A_727 = tpu.memref_squeeze %dma_start3A_726 : memref<1x128xi32, #tpu.memory_space<vmem>> -> memref<128xi32, #tpu.memory_space<vmem>>
        %dma_start3A_728 = arith.constant 0 : i32
        %dma_start3A_729 = arith.constant 0 : i32
        %dma_start3A_730 = tpu.memref_slice %arg3[%dma_start3A_728, %dma_start3A_729] : memref<200000x64xf32, #tpu.memory_space<hbm>> -> memref<200000x64xf32, #tpu.memory_space<hbm>>
        %dma_start3A_731 = tpu.memref_slice %arg9[%dma_start3A_720] : memref<5x!tpu.dma_semaphore, #tpu.memory_space<semaphore_mem>> -> memref<1x!tpu.dma_semaphore, #tpu.memory_space<semaphore_mem>>
        %dma_start3A_732 = tpu.memref_squeeze %dma_start3A_731 : memref<1x!tpu.dma_semaphore, #tpu.memory_space<semaphore_mem>> -> memref<!tpu.dma_semaphore, #tpu.memory_space<semaphore_mem>>
        tpu.enqueue_indirect_dma source(%dma_start3A_730 : memref<200000x64xf32, #tpu.memory_space<hbm>>) target(%dma_start3A_724 : memref<128x64xf32, #tpu.memory_space<vmem>>) offsets(%dma_start3A_727 : memref<128xi32, #tpu.memory_space<vmem>>) semaphore(%dma_start3A_732 : memref<!tpu.dma_semaphore, #tpu.memory_space<semaphore_mem>>)
      } else {
      }
      %mul3A_536 = arith.constant 5 : i32
      %mul3A_537 = arith.muli %scan3A_417, %mul3A_536 : i32
      %add3A_538 = arith.constant 2 : i32
      %add3A_539 = arith.addi %mul3A_537, %add3A_538 : i32
      %dma_wait3A_540 = arith.constant 2 : i32
      %dma_wait3A_541 = arith.constant 2 : i32
      %dma_wait3A_542 = arith.constant 2 : i32
      %dma_wait3A_543 = arith.constant 0 : i32
      %dma_wait3A_544 = arith.constant 0 : i32
      %dma_wait3A_545 = tpu.memref_slice %arg7[%dma_wait3A_541, %dma_wait3A_543, %dma_wait3A_544] : memref<5x128x64xf32, #tpu.memory_space<vmem>> -> memref<1x128x64xf32, #tpu.memory_space<vmem>>
      %dma_wait3A_546 = tpu.memref_squeeze %dma_wait3A_545 : memref<1x128x64xf32, #tpu.memory_space<vmem>> -> memref<128x64xf32, #tpu.memory_space<vmem>>
      %dma_wait3A_547 = arith.constant 0 : i32
      %dma_wait3A_548 = tpu.memref_slice %arg6[%dma_wait3A_540, %dma_wait3A_547] : memref<64x129xi32, #tpu.memory_space<vmem>> -> memref<1x128xi32, #tpu.memory_space<vmem>>
      %dma_wait3A_549 = tpu.memref_squeeze %dma_wait3A_548 : memref<1x128xi32, #tpu.memory_space<vmem>> -> memref<128xi32, #tpu.memory_space<vmem>>
      %dma_wait3A_550 = arith.constant 0 : i32
      %dma_wait3A_551 = arith.constant 0 : i32
      %dma_wait3A_552 = tpu.memref_slice %arg3[%dma_wait3A_550, %dma_wait3A_551] : memref<200000x64xf32, #tpu.memory_space<hbm>> -> memref<200000x64xf32, #tpu.memory_space<hbm>>
      %dma_wait3A_553 = tpu.memref_slice %arg9[%dma_wait3A_542] : memref<5x!tpu.dma_semaphore, #tpu.memory_space<semaphore_mem>> -> memref<1x!tpu.dma_semaphore, #tpu.memory_space<semaphore_mem>>
      %dma_wait3A_554 = tpu.memref_squeeze %dma_wait3A_553 : memref<1x!tpu.dma_semaphore, #tpu.memory_space<semaphore_mem>> -> memref<!tpu.dma_semaphore, #tpu.memory_space<semaphore_mem>>
      tpu.wait_indirect_dma semaphore(%dma_wait3A_554 : memref<!tpu.dma_semaphore, #tpu.memory_space<semaphore_mem>>) src(%dma_wait3A_552 : memref<200000x64xf32, #tpu.memory_space<hbm>>) dst(%dma_wait3A_546 : memref<128x64xf32, #tpu.memory_space<vmem>>)
      %ge3A_555 = arith.constant 5 : i32
      %ge3A_556 = arith.cmpi sge, %add3A_539, %ge3A_555 : i32
      %convert_element_type3A_557 = arith.extui %ge3A_556 : i1 to i32
      %cond3A_558 = arith.constant 0 : i32
      %cond3A_559 = arith.cmpi ne, %convert_element_type3A_557, %cond3A_558 : i32
      scf.if %cond3A_559 {
        %dma_wait3A_717 = arith.constant 2 : i32
        %dma_wait3A_718 = arith.constant 0 : i32
        %dma_wait3A_719 = arith.constant 2 : i32
        %dma_wait3A_720 = arith.constant 0 : i32
        %dma_wait3A_721 = arith.constant 0 : i32
        %dma_wait3A_722 = arith.constant 0 : i32
        %dma_wait3A_723 = tpu.memref_slice %arg8[%dma_wait3A_717, %dma_wait3A_720, %dma_wait3A_721, %dma_wait3A_722] : memref<5x8x8x129xf32, #tpu.memory_space<vmem>> -> memref<1x8x8x128xf32, #tpu.memory_space<vmem>>
        %dma_wait3A_724 = tpu.memref_squeeze %dma_wait3A_723 : memref<1x8x8x128xf32, #tpu.memory_space<vmem>> -> memref<8x8x128xf32, #tpu.memory_space<vmem>>
        %dma_wait3A_725 = arith.constant 0 : i32
        %dma_wait3A_726 = arith.constant 0 : i32
        %dma_wait3A_727 = arith.constant 0 : i32
        %dma_wait3A_728 = tpu.memref_slice %arg4[%dma_wait3A_718, %dma_wait3A_725, %add3A, %dma_wait3A_726, %dma_wait3A_727] : memref<50x8x32x8x128xf32, #tpu.memory_space<hbm>> -> memref<1x8x1x8x128xf32, #tpu.memory_space<hbm>>
        %dma_wait3A_729 = tpu.memref_squeeze %dma_wait3A_728 : memref<1x8x1x8x128xf32, #tpu.memory_space<hbm>> -> memref<8x8x128xf32, #tpu.memory_space<hbm>>
        %dma_wait3A_730 = tpu.memref_slice %arg10[%dma_wait3A_719] : memref<5x!tpu.dma_semaphore, #tpu.memory_space<semaphore_mem>> -> memref<1x!tpu.dma_semaphore, #tpu.memory_space<semaphore_mem>>
        %dma_wait3A_731 = tpu.memref_squeeze %dma_wait3A_730 : memref<1x!tpu.dma_semaphore, #tpu.memory_space<semaphore_mem>> -> memref<!tpu.dma_semaphore, #tpu.memory_space<semaphore_mem>>
        %dma_wait3A_732 = arith.constant 0 : i32
        %dma_wait3A_733 = arith.constant 0 : i32
        %dma_wait3A_734 = arith.constant 0 : i32
        %dma_wait3A_735 = tpu.memref_slice %arg4[%dma_wait3A_718, %dma_wait3A_732, %add3A, %dma_wait3A_733, %dma_wait3A_734] : memref<50x8x32x8x128xf32, #tpu.memory_space<hbm>> -> memref<1x8x1x8x128xf32, #tpu.memory_space<hbm>>
        %dma_wait3A_736 = tpu.memref_squeeze %dma_wait3A_735 : memref<1x8x1x8x128xf32, #tpu.memory_space<hbm>> -> memref<8x8x128xf32, #tpu.memory_space<hbm>>
        %dma_wait3A_737 = arith.constant 0 : i32
        %dma_wait3A_738 = arith.constant 0 : i32
        %dma_wait3A_739 = arith.constant 0 : i32
        %dma_wait3A_740 = tpu.memref_slice %arg8[%dma_wait3A_717, %dma_wait3A_737, %dma_wait3A_738, %dma_wait3A_739] : memref<5x8x8x129xf32, #tpu.memory_space<vmem>> -> memref<1x8x8x128xf32, #tpu.memory_space<vmem>>
        %dma_wait3A_741 = tpu.memref_squeeze %dma_wait3A_740 : memref<1x8x8x128xf32, #tpu.memory_space<vmem>> -> memref<8x8x128xf32, #tpu.memory_space<vmem>>
        tpu.wait_dma2 semaphore(%dma_wait3A_731 : memref<!tpu.dma_semaphore, #tpu.memory_space<semaphore_mem>>) src(%dma_wait3A_741 : memref<8x8x128xf32, #tpu.memory_space<vmem>>) dst(%dma_wait3A_736 : memref<8x8x128xf32, #tpu.memory_space<hbm>>)
      } else {
      }
      %parallel_loop3A_560 = arith.constant 0 : i32
      %parallel_loop3A_561 = arith.constant 128 : i32
      %parallel_loop3A_562 = arith.constant 1 : i32
      %parallel_loop3A_563 = arith.constant 2 : i32
      %parallel_loop3A_564 = arith.constant 2 : i32
      scf.for %parallel_loop3A_717 = %parallel_loop3A_560 to %parallel_loop3A_561 step %parallel_loop3A_562  : i32 {
        %parallel_loop3A_718 = arith.constant 0 : i32
        %parallel_loop3A_719 = vector.broadcast %parallel_loop3A_718 : i32 to vector<16xi32>
        %parallel_loop3A_720 = arith.muli %iota3A, %parallel_loop3A_719 : vector<16xi32>
        %parallel_loop3A_721 = vector.broadcast %parallel_loop3A_717 : i32 to vector<16xi32>
        %parallel_loop3A_722 = arith.addi %parallel_loop3A_720, %parallel_loop3A_721 : vector<16xi32>
        %parallel_loop3A_723 = arith.constant 0 : i32
        %parallel_loop3A_724 = arith.constant 0 : i32
        %parallel_loop3A_725 = tpu.memref_slice %arg7[%parallel_loop3A_563, %parallel_loop3A_723, %parallel_loop3A_724] : memref<5x128x64xf32, #tpu.memory_space<vmem>> -> memref<1x128x64xf32, #tpu.memory_space<vmem>>
        %parallel_loop3A_726 = tpu.memref_squeeze %parallel_loop3A_725 : memref<1x128x64xf32, #tpu.memory_space<vmem>> -> memref<128x64xf32, #tpu.memory_space<vmem>>
        %parallel_loop3A_727 = arith.index_cast %parallel_loop3A_717 : i32 to index
        %parallel_loop3A_728 = arith.constant 0 : index
        %parallel_loop3A_729 = tpu.vector_load %parallel_loop3A_726[%parallel_loop3A_727, %parallel_loop3A_728] {strides = array<i32>} : memref<128x64xf32, #tpu.memory_space<vmem>>, vector<16xf32>,
        %parallel_loop3A_730 = arith.constant 0 : i32
        %parallel_loop3A_731 = arith.constant 0 : i32
        %parallel_loop3A_732 = arith.constant 0 : i32
        %parallel_loop3A_733 = tpu.memref_slice %arg8[%parallel_loop3A_564, %parallel_loop3A_730, %parallel_loop3A_731, %parallel_loop3A_732] : memref<5x8x8x129xf32, #tpu.memory_space<vmem>> -> memref<1x8x8x129xf32, #tpu.memory_space<vmem>>
        %parallel_loop3A_734 = tpu.memref_squeeze %parallel_loop3A_733 : memref<1x8x8x129xf32, #tpu.memory_space<vmem>> -> memref<8x8x129xf32, #tpu.memory_space<vmem>>
        tpu.vector_store_idx %parallel_loop3A_734[%select_n3A, %select_n3A_153, %parallel_loop3A_722], %parallel_loop3A_729 : memref<8x8x129xf32, #tpu.memory_space<vmem>>[vector<16xi32>, vector<16xi32>, vector<16xi32>], vector<16xf32>,
        %parallel_loop3A_735 = arith.constant 0 : i32
        %parallel_loop3A_736 = arith.constant 0 : i32
        %parallel_loop3A_737 = tpu.memref_slice %arg7[%parallel_loop3A_563, %parallel_loop3A_735, %parallel_loop3A_736] : memref<5x128x64xf32, #tpu.memory_space<vmem>> -> memref<1x128x64xf32, #tpu.memory_space<vmem>>
        %parallel_loop3A_738 = tpu.memref_squeeze %parallel_loop3A_737 : memref<1x128x64xf32, #tpu.memory_space<vmem>> -> memref<128x64xf32, #tpu.memory_space<vmem>>
        %parallel_loop3A_739 = arith.index_cast %parallel_loop3A_717 : i32 to index
        %parallel_loop3A_740 = arith.constant 16 : index
        %parallel_loop3A_741 = tpu.vector_load %parallel_loop3A_738[%parallel_loop3A_739, %parallel_loop3A_740] {strides = array<i32>} : memref<128x64xf32, #tpu.memory_space<vmem>>, vector<16xf32>,
        %parallel_loop3A_742 = arith.constant 0 : i32
        %parallel_loop3A_743 = arith.constant 0 : i32
        %parallel_loop3A_744 = arith.constant 0 : i32
        %parallel_loop3A_745 = tpu.memref_slice %arg8[%parallel_loop3A_564, %parallel_loop3A_742, %parallel_loop3A_743, %parallel_loop3A_744] : memref<5x8x8x129xf32, #tpu.memory_space<vmem>> -> memref<1x8x8x129xf32, #tpu.memory_space<vmem>>
        %parallel_loop3A_746 = tpu.memref_squeeze %parallel_loop3A_745 : memref<1x8x8x129xf32, #tpu.memory_space<vmem>> -> memref<8x8x129xf32, #tpu.memory_space<vmem>>
        tpu.vector_store_idx %parallel_loop3A_746[%select_n3A_62, %select_n3A_178, %parallel_loop3A_722], %parallel_loop3A_741 : memref<8x8x129xf32, #tpu.memory_space<vmem>>[vector<16xi32>, vector<16xi32>, vector<16xi32>], vector<16xf32>,
        %parallel_loop3A_747 = arith.constant 0 : i32
        %parallel_loop3A_748 = arith.constant 0 : i32
        %parallel_loop3A_749 = tpu.memref_slice %arg7[%parallel_loop3A_563, %parallel_loop3A_747, %parallel_loop3A_748] : memref<5x128x64xf32, #tpu.memory_space<vmem>> -> memref<1x128x64xf32, #tpu.memory_space<vmem>>
        %parallel_loop3A_750 = tpu.memref_squeeze %parallel_loop3A_749 : memref<1x128x64xf32, #tpu.memory_space<vmem>> -> memref<128x64xf32, #tpu.memory_space<vmem>>
        %parallel_loop3A_751 = arith.index_cast %parallel_loop3A_717 : i32 to index
        %parallel_loop3A_752 = arith.constant 32 : index
        %parallel_loop3A_753 = tpu.vector_load %parallel_loop3A_750[%parallel_loop3A_751, %parallel_loop3A_752] {strides = array<i32>} : memref<128x64xf32, #tpu.memory_space<vmem>>, vector<16xf32>,
        %parallel_loop3A_754 = arith.constant 0 : i32
        %parallel_loop3A_755 = arith.constant 0 : i32
        %parallel_loop3A_756 = arith.constant 0 : i32
        %parallel_loop3A_757 = tpu.memref_slice %arg8[%parallel_loop3A_564, %parallel_loop3A_754, %parallel_loop3A_755, %parallel_loop3A_756] : memref<5x8x8x129xf32, #tpu.memory_space<vmem>> -> memref<1x8x8x129xf32, #tpu.memory_space<vmem>>
        %parallel_loop3A_758 = tpu.memref_squeeze %parallel_loop3A_757 : memref<1x8x8x129xf32, #tpu.memory_space<vmem>> -> memref<8x8x129xf32, #tpu.memory_space<vmem>>
        tpu.vector_store_idx %parallel_loop3A_758[%select_n3A_96, %select_n3A_203, %parallel_loop3A_722], %parallel_loop3A_753 : memref<8x8x129xf32, #tpu.memory_space<vmem>>[vector<16xi32>, vector<16xi32>, vector<16xi32>], vector<16xf32>,
        %parallel_loop3A_759 = arith.constant 0 : i32
        %parallel_loop3A_760 = arith.constant 0 : i32
        %parallel_loop3A_761 = tpu.memref_slice %arg7[%parallel_loop3A_563, %parallel_loop3A_759, %parallel_loop3A_760] : memref<5x128x64xf32, #tpu.memory_space<vmem>> -> memref<1x128x64xf32, #tpu.memory_space<vmem>>
        %parallel_loop3A_762 = tpu.memref_squeeze %parallel_loop3A_761 : memref<1x128x64xf32, #tpu.memory_space<vmem>> -> memref<128x64xf32, #tpu.memory_space<vmem>>
        %parallel_loop3A_763 = arith.index_cast %parallel_loop3A_717 : i32 to index
        %parallel_loop3A_764 = arith.constant 48 : index
        %parallel_loop3A_765 = tpu.vector_load %parallel_loop3A_762[%parallel_loop3A_763, %parallel_loop3A_764] {strides = array<i32>} : memref<128x64xf32, #tpu.memory_space<vmem>>, vector<16xf32>,
        %parallel_loop3A_766 = arith.constant 0 : i32
        %parallel_loop3A_767 = arith.constant 0 : i32
        %parallel_loop3A_768 = arith.constant 0 : i32
        %parallel_loop3A_769 = tpu.memref_slice %arg8[%parallel_loop3A_564, %parallel_loop3A_766, %parallel_loop3A_767, %parallel_loop3A_768] : memref<5x8x8x129xf32, #tpu.memory_space<vmem>> -> memref<1x8x8x129xf32, #tpu.memory_space<vmem>>
        %parallel_loop3A_770 = tpu.memref_squeeze %parallel_loop3A_769 : memref<1x8x8x129xf32, #tpu.memory_space<vmem>> -> memref<8x8x129xf32, #tpu.memory_space<vmem>>
        tpu.vector_store_idx %parallel_loop3A_770[%select_n3A_130, %select_n3A_228, %parallel_loop3A_722], %parallel_loop3A_765 : memref<8x8x129xf32, #tpu.memory_space<vmem>>[vector<16xi32>, vector<16xi32>, vector<16xi32>], vector<16xf32>,
      } {sc.loop_unroll_factor = 4 : i64, sc.parallel_access}
      %dma_start3A_565 = arith.constant 2 : i32
      %dma_start3A_566 = arith.constant 2 : i32
      %dma_start3A_567 = arith.constant 0 : i32
      %dma_start3A_568 = arith.constant 0 : i32
      %dma_start3A_569 = arith.constant 0 : i32
      %dma_start3A_570 = tpu.memref_slice %arg8[%dma_start3A_565, %dma_start3A_567, %dma_start3A_568, %dma_start3A_569] : memref<5x8x8x129xf32, #tpu.memory_space<vmem>> -> memref<1x8x8x128xf32, #tpu.memory_space<vmem>>
      %dma_start3A_571 = tpu.memref_squeeze %dma_start3A_570 : memref<1x8x8x128xf32, #tpu.memory_space<vmem>> -> memref<8x8x128xf32, #tpu.memory_space<vmem>>
      %dma_start3A_572 = arith.constant 0 : i32
      %dma_start3A_573 = arith.constant 0 : i32
      %dma_start3A_574 = arith.constant 0 : i32
      %dma_start3A_575 = tpu.memref_slice %arg4[%add3A_539, %dma_start3A_572, %add3A, %dma_start3A_573, %dma_start3A_574] : memref<50x8x32x8x128xf32, #tpu.memory_space<hbm>> -> memref<1x8x1x8x128xf32, #tpu.memory_space<hbm>>
      %dma_start3A_576 = tpu.memref_squeeze %dma_start3A_575 : memref<1x8x1x8x128xf32, #tpu.memory_space<hbm>> -> memref<8x8x128xf32, #tpu.memory_space<hbm>>
      %dma_start3A_577 = tpu.memref_slice %arg10[%dma_start3A_566] : memref<5x!tpu.dma_semaphore, #tpu.memory_space<semaphore_mem>> -> memref<1x!tpu.dma_semaphore, #tpu.memory_space<semaphore_mem>>
      %dma_start3A_578 = tpu.memref_squeeze %dma_start3A_577 : memref<1x!tpu.dma_semaphore, #tpu.memory_space<semaphore_mem>> -> memref<!tpu.dma_semaphore, #tpu.memory_space<semaphore_mem>>
      %dma_start3A_579 = arith.constant 0 : i32
      %dma_start3A_580 = arith.constant 0 : i32
      %dma_start3A_581 = arith.constant 0 : i32
      %dma_start3A_582 = tpu.memref_slice %arg4[%add3A_539, %dma_start3A_579, %add3A, %dma_start3A_580, %dma_start3A_581] : memref<50x8x32x8x128xf32, #tpu.memory_space<hbm>> -> memref<1x8x1x8x128xf32, #tpu.memory_space<hbm>>
      %dma_start3A_583 = tpu.memref_squeeze %dma_start3A_582 : memref<1x8x1x8x128xf32, #tpu.memory_space<hbm>> -> memref<8x8x128xf32, #tpu.memory_space<hbm>>
      %dma_start3A_584 = arith.constant 0 : i32
      %dma_start3A_585 = arith.constant 0 : i32
      %dma_start3A_586 = arith.constant 0 : i32
      %dma_start3A_587 = tpu.memref_slice %arg8[%dma_start3A_565, %dma_start3A_584, %dma_start3A_585, %dma_start3A_586] : memref<5x8x8x129xf32, #tpu.memory_space<vmem>> -> memref<1x8x8x128xf32, #tpu.memory_space<vmem>>
      %dma_start3A_588 = tpu.memref_squeeze %dma_start3A_587 : memref<1x8x8x128xf32, #tpu.memory_space<vmem>> -> memref<8x8x128xf32, #tpu.memory_space<vmem>>
      tpu.enqueue_dma source(%dma_start3A_588 : memref<8x8x128xf32, #tpu.memory_space<vmem>>) target(%dma_start3A_583 : memref<8x8x128xf32, #tpu.memory_space<hbm>>) target_semaphore(%dma_start3A_578 : memref<!tpu.dma_semaphore, #tpu.memory_space<semaphore_mem>>)
      %add3A_589 = arith.constant 3 : i32
      %add3A_590 = arith.addi %add3A_539, %add3A_589 : i32
      %lt3A_591 = arith.constant 50 : i32
      %lt3A_592 = arith.cmpi slt, %add3A_590, %lt3A_591 : i32
      %convert_element_type3A_593 = arith.extui %lt3A_592 : i1 to i32
      %cond3A_594 = arith.constant 0 : i32
      %cond3A_595 = arith.cmpi ne, %convert_element_type3A_593, %cond3A_594 : i32
      scf.if %cond3A_595 {
        %add3A_717 = arith.constant 3 : i32
        %add3A_718 = arith.addi %add3A_539, %add3A_717 : i32
        %dma_start3A_719 = arith.constant 0 : i32
        %dma_start3A_720 = arith.constant 0 : i32
        %dma_start3A_721 = arith.constant 0 : i32
        %dma_start3A_722 = arith.constant 0 : i32
        %dma_start3A_723 = tpu.memref_slice %arg7[%dma_start3A_719, %dma_start3A_721, %dma_start3A_722] : memref<5x128x64xf32, #tpu.memory_space<vmem>> -> memref<1x128x64xf32, #tpu.memory_space<vmem>>
        %dma_start3A_724 = tpu.memref_squeeze %dma_start3A_723 : memref<1x128x64xf32, #tpu.memory_space<vmem>> -> memref<128x64xf32, #tpu.memory_space<vmem>>
        %dma_start3A_725 = arith.constant 0 : i32
        %dma_start3A_726 = tpu.memref_slice %arg6[%add3A_718, %dma_start3A_725] : memref<64x129xi32, #tpu.memory_space<vmem>> -> memref<1x128xi32, #tpu.memory_space<vmem>>
        %dma_start3A_727 = tpu.memref_squeeze %dma_start3A_726 : memref<1x128xi32, #tpu.memory_space<vmem>> -> memref<128xi32, #tpu.memory_space<vmem>>
        %dma_start3A_728 = arith.constant 0 : i32
        %dma_start3A_729 = arith.constant 0 : i32
        %dma_start3A_730 = tpu.memref_slice %arg3[%dma_start3A_728, %dma_start3A_729] : memref<200000x64xf32, #tpu.memory_space<hbm>> -> memref<200000x64xf32, #tpu.memory_space<hbm>>
        %dma_start3A_731 = tpu.memref_slice %arg9[%dma_start3A_720] : memref<5x!tpu.dma_semaphore, #tpu.memory_space<semaphore_mem>> -> memref<1x!tpu.dma_semaphore, #tpu.memory_space<semaphore_mem>>
        %dma_start3A_732 = tpu.memref_squeeze %dma_start3A_731 : memref<1x!tpu.dma_semaphore, #tpu.memory_space<semaphore_mem>> -> memref<!tpu.dma_semaphore, #tpu.memory_space<semaphore_mem>>
        tpu.enqueue_indirect_dma source(%dma_start3A_730 : memref<200000x64xf32, #tpu.memory_space<hbm>>) target(%dma_start3A_724 : memref<128x64xf32, #tpu.memory_space<vmem>>) offsets(%dma_start3A_727 : memref<128xi32, #tpu.memory_space<vmem>>) semaphore(%dma_start3A_732 : memref<!tpu.dma_semaphore, #tpu.memory_space<semaphore_mem>>)
      } else {
      }
      %mul3A_596 = arith.constant 5 : i32
      %mul3A_597 = arith.muli %scan3A_417, %mul3A_596 : i32
      %add3A_598 = arith.constant 3 : i32
      %add3A_599 = arith.addi %mul3A_597, %add3A_598 : i32
      %dma_wait3A_600 = arith.constant 3 : i32
      %dma_wait3A_601 = arith.constant 3 : i32
      %dma_wait3A_602 = arith.constant 3 : i32
      %dma_wait3A_603 = arith.constant 0 : i32
      %dma_wait3A_604 = arith.constant 0 : i32
      %dma_wait3A_605 = tpu.memref_slice %arg7[%dma_wait3A_601, %dma_wait3A_603, %dma_wait3A_604] : memref<5x128x64xf32, #tpu.memory_space<vmem>> -> memref<1x128x64xf32, #tpu.memory_space<vmem>>
      %dma_wait3A_606 = tpu.memref_squeeze %dma_wait3A_605 : memref<1x128x64xf32, #tpu.memory_space<vmem>> -> memref<128x64xf32, #tpu.memory_space<vmem>>
      %dma_wait3A_607 = arith.constant 0 : i32
      %dma_wait3A_608 = tpu.memref_slice %arg6[%dma_wait3A_600, %dma_wait3A_607] : memref<64x129xi32, #tpu.memory_space<vmem>> -> memref<1x128xi32, #tpu.memory_space<vmem>>
      %dma_wait3A_609 = tpu.memref_squeeze %dma_wait3A_608 : memref<1x128xi32, #tpu.memory_space<vmem>> -> memref<128xi32, #tpu.memory_space<vmem>>
      %dma_wait3A_610 = arith.constant 0 : i32
      %dma_wait3A_611 = arith.constant 0 : i32
      %dma_wait3A_612 = tpu.memref_slice %arg3[%dma_wait3A_610, %dma_wait3A_611] : memref<200000x64xf32, #tpu.memory_space<hbm>> -> memref<200000x64xf32, #tpu.memory_space<hbm>>
      %dma_wait3A_613 = tpu.memref_slice %arg9[%dma_wait3A_602] : memref<5x!tpu.dma_semaphore, #tpu.memory_space<semaphore_mem>> -> memref<1x!tpu.dma_semaphore, #tpu.memory_space<semaphore_mem>>
      %dma_wait3A_614 = tpu.memref_squeeze %dma_wait3A_613 : memref<1x!tpu.dma_semaphore, #tpu.memory_space<semaphore_mem>> -> memref<!tpu.dma_semaphore, #tpu.memory_space<semaphore_mem>>
      tpu.wait_indirect_dma semaphore(%dma_wait3A_614 : memref<!tpu.dma_semaphore, #tpu.memory_space<semaphore_mem>>) src(%dma_wait3A_612 : memref<200000x64xf32, #tpu.memory_space<hbm>>) dst(%dma_wait3A_606 : memref<128x64xf32, #tpu.memory_space<vmem>>)
      %ge3A_615 = arith.constant 5 : i32
      %ge3A_616 = arith.cmpi sge, %add3A_599, %ge3A_615 : i32
      %convert_element_type3A_617 = arith.extui %ge3A_616 : i1 to i32
      %cond3A_618 = arith.constant 0 : i32
      %cond3A_619 = arith.cmpi ne, %convert_element_type3A_617, %cond3A_618 : i32
      scf.if %cond3A_619 {
        %dma_wait3A_717 = arith.constant 3 : i32
        %dma_wait3A_718 = arith.constant 0 : i32
        %dma_wait3A_719 = arith.constant 3 : i32
        %dma_wait3A_720 = arith.constant 0 : i32
        %dma_wait3A_721 = arith.constant 0 : i32
        %dma_wait3A_722 = arith.constant 0 : i32
        %dma_wait3A_723 = tpu.memref_slice %arg8[%dma_wait3A_717, %dma_wait3A_720, %dma_wait3A_721, %dma_wait3A_722] : memref<5x8x8x129xf32, #tpu.memory_space<vmem>> -> memref<1x8x8x128xf32, #tpu.memory_space<vmem>>
        %dma_wait3A_724 = tpu.memref_squeeze %dma_wait3A_723 : memref<1x8x8x128xf32, #tpu.memory_space<vmem>> -> memref<8x8x128xf32, #tpu.memory_space<vmem>>
        %dma_wait3A_725 = arith.constant 0 : i32
        %dma_wait3A_726 = arith.constant 0 : i32
        %dma_wait3A_727 = arith.constant 0 : i32
        %dma_wait3A_728 = tpu.memref_slice %arg4[%dma_wait3A_718, %dma_wait3A_725, %add3A, %dma_wait3A_726, %dma_wait3A_727] : memref<50x8x32x8x128xf32, #tpu.memory_space<hbm>> -> memref<1x8x1x8x128xf32, #tpu.memory_space<hbm>>
        %dma_wait3A_729 = tpu.memref_squeeze %dma_wait3A_728 : memref<1x8x1x8x128xf32, #tpu.memory_space<hbm>> -> memref<8x8x128xf32, #tpu.memory_space<hbm>>
        %dma_wait3A_730 = tpu.memref_slice %arg10[%dma_wait3A_719] : memref<5x!tpu.dma_semaphore, #tpu.memory_space<semaphore_mem>> -> memref<1x!tpu.dma_semaphore, #tpu.memory_space<semaphore_mem>>
        %dma_wait3A_731 = tpu.memref_squeeze %dma_wait3A_730 : memref<1x!tpu.dma_semaphore, #tpu.memory_space<semaphore_mem>> -> memref<!tpu.dma_semaphore, #tpu.memory_space<semaphore_mem>>
        %dma_wait3A_732 = arith.constant 0 : i32
        %dma_wait3A_733 = arith.constant 0 : i32
        %dma_wait3A_734 = arith.constant 0 : i32
        %dma_wait3A_735 = tpu.memref_slice %arg4[%dma_wait3A_718, %dma_wait3A_732, %add3A, %dma_wait3A_733, %dma_wait3A_734] : memref<50x8x32x8x128xf32, #tpu.memory_space<hbm>> -> memref<1x8x1x8x128xf32, #tpu.memory_space<hbm>>
        %dma_wait3A_736 = tpu.memref_squeeze %dma_wait3A_735 : memref<1x8x1x8x128xf32, #tpu.memory_space<hbm>> -> memref<8x8x128xf32, #tpu.memory_space<hbm>>
        %dma_wait3A_737 = arith.constant 0 : i32
        %dma_wait3A_738 = arith.constant 0 : i32
        %dma_wait3A_739 = arith.constant 0 : i32
        %dma_wait3A_740 = tpu.memref_slice %arg8[%dma_wait3A_717, %dma_wait3A_737, %dma_wait3A_738, %dma_wait3A_739] : memref<5x8x8x129xf32, #tpu.memory_space<vmem>> -> memref<1x8x8x128xf32, #tpu.memory_space<vmem>>
        %dma_wait3A_741 = tpu.memref_squeeze %dma_wait3A_740 : memref<1x8x8x128xf32, #tpu.memory_space<vmem>> -> memref<8x8x128xf32, #tpu.memory_space<vmem>>
        tpu.wait_dma2 semaphore(%dma_wait3A_731 : memref<!tpu.dma_semaphore, #tpu.memory_space<semaphore_mem>>) src(%dma_wait3A_741 : memref<8x8x128xf32, #tpu.memory_space<vmem>>) dst(%dma_wait3A_736 : memref<8x8x128xf32, #tpu.memory_space<hbm>>)
      } else {
      }
      %parallel_loop3A_620 = arith.constant 0 : i32
      %parallel_loop3A_621 = arith.constant 128 : i32
      %parallel_loop3A_622 = arith.constant 1 : i32
      %parallel_loop3A_623 = arith.constant 3 : i32
      %parallel_loop3A_624 = arith.constant 3 : i32
      scf.for %parallel_loop3A_717 = %parallel_loop3A_620 to %parallel_loop3A_621 step %parallel_loop3A_622  : i32 {
        %parallel_loop3A_718 = arith.constant 0 : i32
        %parallel_loop3A_719 = vector.broadcast %parallel_loop3A_718 : i32 to vector<16xi32>
        %parallel_loop3A_720 = arith.muli %iota3A, %parallel_loop3A_719 : vector<16xi32>
        %parallel_loop3A_721 = vector.broadcast %parallel_loop3A_717 : i32 to vector<16xi32>
        %parallel_loop3A_722 = arith.addi %parallel_loop3A_720, %parallel_loop3A_721 : vector<16xi32>
        %parallel_loop3A_723 = arith.constant 0 : i32
        %parallel_loop3A_724 = arith.constant 0 : i32
        %parallel_loop3A_725 = tpu.memref_slice %arg7[%parallel_loop3A_623, %parallel_loop3A_723, %parallel_loop3A_724] : memref<5x128x64xf32, #tpu.memory_space<vmem>> -> memref<1x128x64xf32, #tpu.memory_space<vmem>>
        %parallel_loop3A_726 = tpu.memref_squeeze %parallel_loop3A_725 : memref<1x128x64xf32, #tpu.memory_space<vmem>> -> memref<128x64xf32, #tpu.memory_space<vmem>>
        %parallel_loop3A_727 = arith.index_cast %parallel_loop3A_717 : i32 to index
        %parallel_loop3A_728 = arith.constant 0 : index
        %parallel_loop3A_729 = tpu.vector_load %parallel_loop3A_726[%parallel_loop3A_727, %parallel_loop3A_728] {strides = array<i32>} : memref<128x64xf32, #tpu.memory_space<vmem>>, vector<16xf32>,
        %parallel_loop3A_730 = arith.constant 0 : i32
        %parallel_loop3A_731 = arith.constant 0 : i32
        %parallel_loop3A_732 = arith.constant 0 : i32
        %parallel_loop3A_733 = tpu.memref_slice %arg8[%parallel_loop3A_624, %parallel_loop3A_730, %parallel_loop3A_731, %parallel_loop3A_732] : memref<5x8x8x129xf32, #tpu.memory_space<vmem>> -> memref<1x8x8x129xf32, #tpu.memory_space<vmem>>
        %parallel_loop3A_734 = tpu.memref_squeeze %parallel_loop3A_733 : memref<1x8x8x129xf32, #tpu.memory_space<vmem>> -> memref<8x8x129xf32, #tpu.memory_space<vmem>>
        tpu.vector_store_idx %parallel_loop3A_734[%select_n3A, %select_n3A_153, %parallel_loop3A_722], %parallel_loop3A_729 : memref<8x8x129xf32, #tpu.memory_space<vmem>>[vector<16xi32>, vector<16xi32>, vector<16xi32>], vector<16xf32>,
        %parallel_loop3A_735 = arith.constant 0 : i32
        %parallel_loop3A_736 = arith.constant 0 : i32
        %parallel_loop3A_737 = tpu.memref_slice %arg7[%parallel_loop3A_623, %parallel_loop3A_735, %parallel_loop3A_736] : memref<5x128x64xf32, #tpu.memory_space<vmem>> -> memref<1x128x64xf32, #tpu.memory_space<vmem>>
        %parallel_loop3A_738 = tpu.memref_squeeze %parallel_loop3A_737 : memref<1x128x64xf32, #tpu.memory_space<vmem>> -> memref<128x64xf32, #tpu.memory_space<vmem>>
        %parallel_loop3A_739 = arith.index_cast %parallel_loop3A_717 : i32 to index
        %parallel_loop3A_740 = arith.constant 16 : index
        %parallel_loop3A_741 = tpu.vector_load %parallel_loop3A_738[%parallel_loop3A_739, %parallel_loop3A_740] {strides = array<i32>} : memref<128x64xf32, #tpu.memory_space<vmem>>, vector<16xf32>,
        %parallel_loop3A_742 = arith.constant 0 : i32
        %parallel_loop3A_743 = arith.constant 0 : i32
        %parallel_loop3A_744 = arith.constant 0 : i32
        %parallel_loop3A_745 = tpu.memref_slice %arg8[%parallel_loop3A_624, %parallel_loop3A_742, %parallel_loop3A_743, %parallel_loop3A_744] : memref<5x8x8x129xf32, #tpu.memory_space<vmem>> -> memref<1x8x8x129xf32, #tpu.memory_space<vmem>>
        %parallel_loop3A_746 = tpu.memref_squeeze %parallel_loop3A_745 : memref<1x8x8x129xf32, #tpu.memory_space<vmem>> -> memref<8x8x129xf32, #tpu.memory_space<vmem>>
        tpu.vector_store_idx %parallel_loop3A_746[%select_n3A_62, %select_n3A_178, %parallel_loop3A_722], %parallel_loop3A_741 : memref<8x8x129xf32, #tpu.memory_space<vmem>>[vector<16xi32>, vector<16xi32>, vector<16xi32>], vector<16xf32>,
        %parallel_loop3A_747 = arith.constant 0 : i32
        %parallel_loop3A_748 = arith.constant 0 : i32
        %parallel_loop3A_749 = tpu.memref_slice %arg7[%parallel_loop3A_623, %parallel_loop3A_747, %parallel_loop3A_748] : memref<5x128x64xf32, #tpu.memory_space<vmem>> -> memref<1x128x64xf32, #tpu.memory_space<vmem>>
        %parallel_loop3A_750 = tpu.memref_squeeze %parallel_loop3A_749 : memref<1x128x64xf32, #tpu.memory_space<vmem>> -> memref<128x64xf32, #tpu.memory_space<vmem>>
        %parallel_loop3A_751 = arith.index_cast %parallel_loop3A_717 : i32 to index
        %parallel_loop3A_752 = arith.constant 32 : index
        %parallel_loop3A_753 = tpu.vector_load %parallel_loop3A_750[%parallel_loop3A_751, %parallel_loop3A_752] {strides = array<i32>} : memref<128x64xf32, #tpu.memory_space<vmem>>, vector<16xf32>,
        %parallel_loop3A_754 = arith.constant 0 : i32
        %parallel_loop3A_755 = arith.constant 0 : i32
        %parallel_loop3A_756 = arith.constant 0 : i32
        %parallel_loop3A_757 = tpu.memref_slice %arg8[%parallel_loop3A_624, %parallel_loop3A_754, %parallel_loop3A_755, %parallel_loop3A_756] : memref<5x8x8x129xf32, #tpu.memory_space<vmem>> -> memref<1x8x8x129xf32, #tpu.memory_space<vmem>>
        %parallel_loop3A_758 = tpu.memref_squeeze %parallel_loop3A_757 : memref<1x8x8x129xf32, #tpu.memory_space<vmem>> -> memref<8x8x129xf32, #tpu.memory_space<vmem>>
        tpu.vector_store_idx %parallel_loop3A_758[%select_n3A_96, %select_n3A_203, %parallel_loop3A_722], %parallel_loop3A_753 : memref<8x8x129xf32, #tpu.memory_space<vmem>>[vector<16xi32>, vector<16xi32>, vector<16xi32>], vector<16xf32>,
        %parallel_loop3A_759 = arith.constant 0 : i32
        %parallel_loop3A_760 = arith.constant 0 : i32
        %parallel_loop3A_761 = tpu.memref_slice %arg7[%parallel_loop3A_623, %parallel_loop3A_759, %parallel_loop3A_760] : memref<5x128x64xf32, #tpu.memory_space<vmem>> -> memref<1x128x64xf32, #tpu.memory_space<vmem>>
        %parallel_loop3A_762 = tpu.memref_squeeze %parallel_loop3A_761 : memref<1x128x64xf32, #tpu.memory_space<vmem>> -> memref<128x64xf32, #tpu.memory_space<vmem>>
        %parallel_loop3A_763 = arith.index_cast %parallel_loop3A_717 : i32 to index
        %parallel_loop3A_764 = arith.constant 48 : index
        %parallel_loop3A_765 = tpu.vector_load %parallel_loop3A_762[%parallel_loop3A_763, %parallel_loop3A_764] {strides = array<i32>} : memref<128x64xf32, #tpu.memory_space<vmem>>, vector<16xf32>,
        %parallel_loop3A_766 = arith.constant 0 : i32
        %parallel_loop3A_767 = arith.constant 0 : i32
        %parallel_loop3A_768 = arith.constant 0 : i32
        %parallel_loop3A_769 = tpu.memref_slice %arg8[%parallel_loop3A_624, %parallel_loop3A_766, %parallel_loop3A_767, %parallel_loop3A_768] : memref<5x8x8x129xf32, #tpu.memory_space<vmem>> -> memref<1x8x8x129xf32, #tpu.memory_space<vmem>>
        %parallel_loop3A_770 = tpu.memref_squeeze %parallel_loop3A_769 : memref<1x8x8x129xf32, #tpu.memory_space<vmem>> -> memref<8x8x129xf32, #tpu.memory_space<vmem>>
        tpu.vector_store_idx %parallel_loop3A_770[%select_n3A_130, %select_n3A_228, %parallel_loop3A_722], %parallel_loop3A_765 : memref<8x8x129xf32, #tpu.memory_space<vmem>>[vector<16xi32>, vector<16xi32>, vector<16xi32>], vector<16xf32>,
      } {sc.loop_unroll_factor = 4 : i64, sc.parallel_access}
      %dma_start3A_625 = arith.constant 3 : i32
      %dma_start3A_626 = arith.constant 3 : i32
      %dma_start3A_627 = arith.constant 0 : i32
      %dma_start3A_628 = arith.constant 0 : i32
      %dma_start3A_629 = arith.constant 0 : i32
      %dma_start3A_630 = tpu.memref_slice %arg8[%dma_start3A_625, %dma_start3A_627, %dma_start3A_628, %dma_start3A_629] : memref<5x8x8x129xf32, #tpu.memory_space<vmem>> -> memref<1x8x8x128xf32, #tpu.memory_space<vmem>>
      %dma_start3A_631 = tpu.memref_squeeze %dma_start3A_630 : memref<1x8x8x128xf32, #tpu.memory_space<vmem>> -> memref<8x8x128xf32, #tpu.memory_space<vmem>>
      %dma_start3A_632 = arith.constant 0 : i32
      %dma_start3A_633 = arith.constant 0 : i32
      %dma_start3A_634 = arith.constant 0 : i32
      %dma_start3A_635 = tpu.memref_slice %arg4[%add3A_599, %dma_start3A_632, %add3A, %dma_start3A_633, %dma_start3A_634] : memref<50x8x32x8x128xf32, #tpu.memory_space<hbm>> -> memref<1x8x1x8x128xf32, #tpu.memory_space<hbm>>
      %dma_start3A_636 = tpu.memref_squeeze %dma_start3A_635 : memref<1x8x1x8x128xf32, #tpu.memory_space<hbm>> -> memref<8x8x128xf32, #tpu.memory_space<hbm>>
      %dma_start3A_637 = tpu.memref_slice %arg10[%dma_start3A_626] : memref<5x!tpu.dma_semaphore, #tpu.memory_space<semaphore_mem>> -> memref<1x!tpu.dma_semaphore, #tpu.memory_space<semaphore_mem>>
      %dma_start3A_638 = tpu.memref_squeeze %dma_start3A_637 : memref<1x!tpu.dma_semaphore, #tpu.memory_space<semaphore_mem>> -> memref<!tpu.dma_semaphore, #tpu.memory_space<semaphore_mem>>
      %dma_start3A_639 = arith.constant 0 : i32
      %dma_start3A_640 = arith.constant 0 : i32
      %dma_start3A_641 = arith.constant 0 : i32
      %dma_start3A_642 = tpu.memref_slice %arg4[%add3A_599, %dma_start3A_639, %add3A, %dma_start3A_640, %dma_start3A_641] : memref<50x8x32x8x128xf32, #tpu.memory_space<hbm>> -> memref<1x8x1x8x128xf32, #tpu.memory_space<hbm>>
      %dma_start3A_643 = tpu.memref_squeeze %dma_start3A_642 : memref<1x8x1x8x128xf32, #tpu.memory_space<hbm>> -> memref<8x8x128xf32, #tpu.memory_space<hbm>>
      %dma_start3A_644 = arith.constant 0 : i32
      %dma_start3A_645 = arith.constant 0 : i32
      %dma_start3A_646 = arith.constant 0 : i32
      %dma_start3A_647 = tpu.memref_slice %arg8[%dma_start3A_625, %dma_start3A_644, %dma_start3A_645, %dma_start3A_646] : memref<5x8x8x129xf32, #tpu.memory_space<vmem>> -> memref<1x8x8x128xf32, #tpu.memory_space<vmem>>
      %dma_start3A_648 = tpu.memref_squeeze %dma_start3A_647 : memref<1x8x8x128xf32, #tpu.memory_space<vmem>> -> memref<8x8x128xf32, #tpu.memory_space<vmem>>
      tpu.enqueue_dma source(%dma_start3A_648 : memref<8x8x128xf32, #tpu.memory_space<vmem>>) target(%dma_start3A_643 : memref<8x8x128xf32, #tpu.memory_space<hbm>>) target_semaphore(%dma_start3A_638 : memref<!tpu.dma_semaphore, #tpu.memory_space<semaphore_mem>>)
      %add3A_649 = arith.constant 3 : i32
      %add3A_650 = arith.addi %add3A_599, %add3A_649 : i32
      %lt3A_651 = arith.constant 50 : i32
      %lt3A_652 = arith.cmpi slt, %add3A_650, %lt3A_651 : i32
      %convert_element_type3A_653 = arith.extui %lt3A_652 : i1 to i32
      %cond3A_654 = arith.constant 0 : i32
      %cond3A_655 = arith.cmpi ne, %convert_element_type3A_653, %cond3A_654 : i32
      scf.if %cond3A_655 {
        %add3A_717 = arith.constant 3 : i32
        %add3A_718 = arith.addi %add3A_599, %add3A_717 : i32
        %dma_start3A_719 = arith.constant 1 : i32
        %dma_start3A_720 = arith.constant 1 : i32
        %dma_start3A_721 = arith.constant 0 : i32
        %dma_start3A_722 = arith.constant 0 : i32
        %dma_start3A_723 = tpu.memref_slice %arg7[%dma_start3A_719, %dma_start3A_721, %dma_start3A_722] : memref<5x128x64xf32, #tpu.memory_space<vmem>> -> memref<1x128x64xf32, #tpu.memory_space<vmem>>
        %dma_start3A_724 = tpu.memref_squeeze %dma_start3A_723 : memref<1x128x64xf32, #tpu.memory_space<vmem>> -> memref<128x64xf32, #tpu.memory_space<vmem>>
        %dma_start3A_725 = arith.constant 0 : i32
        %dma_start3A_726 = tpu.memref_slice %arg6[%add3A_718, %dma_start3A_725] : memref<64x129xi32, #tpu.memory_space<vmem>> -> memref<1x128xi32, #tpu.memory_space<vmem>>
        %dma_start3A_727 = tpu.memref_squeeze %dma_start3A_726 : memref<1x128xi32, #tpu.memory_space<vmem>> -> memref<128xi32, #tpu.memory_space<vmem>>
        %dma_start3A_728 = arith.constant 0 : i32
        %dma_start3A_729 = arith.constant 0 : i32
        %dma_start3A_730 = tpu.memref_slice %arg3[%dma_start3A_728, %dma_start3A_729] : memref<200000x64xf32, #tpu.memory_space<hbm>> -> memref<200000x64xf32, #tpu.memory_space<hbm>>
        %dma_start3A_731 = tpu.memref_slice %arg9[%dma_start3A_720] : memref<5x!tpu.dma_semaphore, #tpu.memory_space<semaphore_mem>> -> memref<1x!tpu.dma_semaphore, #tpu.memory_space<semaphore_mem>>
        %dma_start3A_732 = tpu.memref_squeeze %dma_start3A_731 : memref<1x!tpu.dma_semaphore, #tpu.memory_space<semaphore_mem>> -> memref<!tpu.dma_semaphore, #tpu.memory_space<semaphore_mem>>
        tpu.enqueue_indirect_dma source(%dma_start3A_730 : memref<200000x64xf32, #tpu.memory_space<hbm>>) target(%dma_start3A_724 : memref<128x64xf32, #tpu.memory_space<vmem>>) offsets(%dma_start3A_727 : memref<128xi32, #tpu.memory_space<vmem>>) semaphore(%dma_start3A_732 : memref<!tpu.dma_semaphore, #tpu.memory_space<semaphore_mem>>)
      } else {
      }
      %mul3A_656 = arith.constant 5 : i32
      %mul3A_657 = arith.muli %scan3A_417, %mul3A_656 : i32
      %add3A_658 = arith.constant 4 : i32
      %add3A_659 = arith.addi %mul3A_657, %add3A_658 : i32
      %dma_wait3A_660 = arith.constant 4 : i32
      %dma_wait3A_661 = arith.constant 4 : i32
      %dma_wait3A_662 = arith.constant 4 : i32
      %dma_wait3A_663 = arith.constant 0 : i32
      %dma_wait3A_664 = arith.constant 0 : i32
      %dma_wait3A_665 = tpu.memref_slice %arg7[%dma_wait3A_661, %dma_wait3A_663, %dma_wait3A_664] : memref<5x128x64xf32, #tpu.memory_space<vmem>> -> memref<1x128x64xf32, #tpu.memory_space<vmem>>
      %dma_wait3A_666 = tpu.memref_squeeze %dma_wait3A_665 : memref<1x128x64xf32, #tpu.memory_space<vmem>> -> memref<128x64xf32, #tpu.memory_space<vmem>>
      %dma_wait3A_667 = arith.constant 0 : i32
      %dma_wait3A_668 = tpu.memref_slice %arg6[%dma_wait3A_660, %dma_wait3A_667] : memref<64x129xi32, #tpu.memory_space<vmem>> -> memref<1x128xi32, #tpu.memory_space<vmem>>
      %dma_wait3A_669 = tpu.memref_squeeze %dma_wait3A_668 : memref<1x128xi32, #tpu.memory_space<vmem>> -> memref<128xi32, #tpu.memory_space<vmem>>
      %dma_wait3A_670 = arith.constant 0 : i32
      %dma_wait3A_671 = arith.constant 0 : i32
      %dma_wait3A_672 = tpu.memref_slice %arg3[%dma_wait3A_670, %dma_wait3A_671] : memref<200000x64xf32, #tpu.memory_space<hbm>> -> memref<200000x64xf32, #tpu.memory_space<hbm>>
      %dma_wait3A_673 = tpu.memref_slice %arg9[%dma_wait3A_662] : memref<5x!tpu.dma_semaphore, #tpu.memory_space<semaphore_mem>> -> memref<1x!tpu.dma_semaphore, #tpu.memory_space<semaphore_mem>>
      %dma_wait3A_674 = tpu.memref_squeeze %dma_wait3A_673 : memref<1x!tpu.dma_semaphore, #tpu.memory_space<semaphore_mem>> -> memref<!tpu.dma_semaphore, #tpu.memory_space<semaphore_mem>>
      tpu.wait_indirect_dma semaphore(%dma_wait3A_674 : memref<!tpu.dma_semaphore, #tpu.memory_space<semaphore_mem>>) src(%dma_wait3A_672 : memref<200000x64xf32, #tpu.memory_space<hbm>>) dst(%dma_wait3A_666 : memref<128x64xf32, #tpu.memory_space<vmem>>)
      %ge3A_675 = arith.constant 5 : i32
      %ge3A_676 = arith.cmpi sge, %add3A_659, %ge3A_675 : i32
      %convert_element_type3A_677 = arith.extui %ge3A_676 : i1 to i32
      %cond3A_678 = arith.constant 0 : i32
      %cond3A_679 = arith.cmpi ne, %convert_element_type3A_677, %cond3A_678 : i32
      scf.if %cond3A_679 {
        %dma_wait3A_717 = arith.constant 4 : i32
        %dma_wait3A_718 = arith.constant 0 : i32
        %dma_wait3A_719 = arith.constant 4 : i32
        %dma_wait3A_720 = arith.constant 0 : i32
        %dma_wait3A_721 = arith.constant 0 : i32
        %dma_wait3A_722 = arith.constant 0 : i32
        %dma_wait3A_723 = tpu.memref_slice %arg8[%dma_wait3A_717, %dma_wait3A_720, %dma_wait3A_721, %dma_wait3A_722] : memref<5x8x8x129xf32, #tpu.memory_space<vmem>> -> memref<1x8x8x128xf32, #tpu.memory_space<vmem>>
        %dma_wait3A_724 = tpu.memref_squeeze %dma_wait3A_723 : memref<1x8x8x128xf32, #tpu.memory_space<vmem>> -> memref<8x8x128xf32, #tpu.memory_space<vmem>>
        %dma_wait3A_725 = arith.constant 0 : i32
        %dma_wait3A_726 = arith.constant 0 : i32
        %dma_wait3A_727 = arith.constant 0 : i32
        %dma_wait3A_728 = tpu.memref_slice %arg4[%dma_wait3A_718, %dma_wait3A_725, %add3A, %dma_wait3A_726, %dma_wait3A_727] : memref<50x8x32x8x128xf32, #tpu.memory_space<hbm>> -> memref<1x8x1x8x128xf32, #tpu.memory_space<hbm>>
        %dma_wait3A_729 = tpu.memref_squeeze %dma_wait3A_728 : memref<1x8x1x8x128xf32, #tpu.memory_space<hbm>> -> memref<8x8x128xf32, #tpu.memory_space<hbm>>
        %dma_wait3A_730 = tpu.memref_slice %arg10[%dma_wait3A_719] : memref<5x!tpu.dma_semaphore, #tpu.memory_space<semaphore_mem>> -> memref<1x!tpu.dma_semaphore, #tpu.memory_space<semaphore_mem>>
        %dma_wait3A_731 = tpu.memref_squeeze %dma_wait3A_730 : memref<1x!tpu.dma_semaphore, #tpu.memory_space<semaphore_mem>> -> memref<!tpu.dma_semaphore, #tpu.memory_space<semaphore_mem>>
        %dma_wait3A_732 = arith.constant 0 : i32
        %dma_wait3A_733 = arith.constant 0 : i32
        %dma_wait3A_734 = arith.constant 0 : i32
        %dma_wait3A_735 = tpu.memref_slice %arg4[%dma_wait3A_718, %dma_wait3A_732, %add3A, %dma_wait3A_733, %dma_wait3A_734] : memref<50x8x32x8x128xf32, #tpu.memory_space<hbm>> -> memref<1x8x1x8x128xf32, #tpu.memory_space<hbm>>
        %dma_wait3A_736 = tpu.memref_squeeze %dma_wait3A_735 : memref<1x8x1x8x128xf32, #tpu.memory_space<hbm>> -> memref<8x8x128xf32, #tpu.memory_space<hbm>>
        %dma_wait3A_737 = arith.constant 0 : i32
        %dma_wait3A_738 = arith.constant 0 : i32
        %dma_wait3A_739 = arith.constant 0 : i32
        %dma_wait3A_740 = tpu.memref_slice %arg8[%dma_wait3A_717, %dma_wait3A_737, %dma_wait3A_738, %dma_wait3A_739] : memref<5x8x8x129xf32, #tpu.memory_space<vmem>> -> memref<1x8x8x128xf32, #tpu.memory_space<vmem>>
        %dma_wait3A_741 = tpu.memref_squeeze %dma_wait3A_740 : memref<1x8x8x128xf32, #tpu.memory_space<vmem>> -> memref<8x8x128xf32, #tpu.memory_space<vmem>>
        tpu.wait_dma2 semaphore(%dma_wait3A_731 : memref<!tpu.dma_semaphore, #tpu.memory_space<semaphore_mem>>) src(%dma_wait3A_741 : memref<8x8x128xf32, #tpu.memory_space<vmem>>) dst(%dma_wait3A_736 : memref<8x8x128xf32, #tpu.memory_space<hbm>>)
      } else {
      }
      %parallel_loop3A_680 = arith.constant 0 : i32
      %parallel_loop3A_681 = arith.constant 128 : i32
      %parallel_loop3A_682 = arith.constant 1 : i32
      %parallel_loop3A_683 = arith.constant 4 : i32
      %parallel_loop3A_684 = arith.constant 4 : i32
      scf.for %parallel_loop3A_717 = %parallel_loop3A_680 to %parallel_loop3A_681 step %parallel_loop3A_682  : i32 {
        %parallel_loop3A_718 = arith.constant 0 : i32
        %parallel_loop3A_719 = vector.broadcast %parallel_loop3A_718 : i32 to vector<16xi32>
        %parallel_loop3A_720 = arith.muli %iota3A, %parallel_loop3A_719 : vector<16xi32>
        %parallel_loop3A_721 = vector.broadcast %parallel_loop3A_717 : i32 to vector<16xi32>
        %parallel_loop3A_722 = arith.addi %parallel_loop3A_720, %parallel_loop3A_721 : vector<16xi32>
        %parallel_loop3A_723 = arith.constant 0 : i32
        %parallel_loop3A_724 = arith.constant 0 : i32
        %parallel_loop3A_725 = tpu.memref_slice %arg7[%parallel_loop3A_683, %parallel_loop3A_723, %parallel_loop3A_724] : memref<5x128x64xf32, #tpu.memory_space<vmem>> -> memref<1x128x64xf32, #tpu.memory_space<vmem>>
        %parallel_loop3A_726 = tpu.memref_squeeze %parallel_loop3A_725 : memref<1x128x64xf32, #tpu.memory_space<vmem>> -> memref<128x64xf32, #tpu.memory_space<vmem>>
        %parallel_loop3A_727 = arith.index_cast %parallel_loop3A_717 : i32 to index
        %parallel_loop3A_728 = arith.constant 0 : index
        %parallel_loop3A_729 = tpu.vector_load %parallel_loop3A_726[%parallel_loop3A_727, %parallel_loop3A_728] {strides = array<i32>} : memref<128x64xf32, #tpu.memory_space<vmem>>, vector<16xf32>,
        %parallel_loop3A_730 = arith.constant 0 : i32
        %parallel_loop3A_731 = arith.constant 0 : i32
        %parallel_loop3A_732 = arith.constant 0 : i32
        %parallel_loop3A_733 = tpu.memref_slice %arg8[%parallel_loop3A_684, %parallel_loop3A_730, %parallel_loop3A_731, %parallel_loop3A_732] : memref<5x8x8x129xf32, #tpu.memory_space<vmem>> -> memref<1x8x8x129xf32, #tpu.memory_space<vmem>>
        %parallel_loop3A_734 = tpu.memref_squeeze %parallel_loop3A_733 : memref<1x8x8x129xf32, #tpu.memory_space<vmem>> -> memref<8x8x129xf32, #tpu.memory_space<vmem>>
        tpu.vector_store_idx %parallel_loop3A_734[%select_n3A, %select_n3A_153, %parallel_loop3A_722], %parallel_loop3A_729 : memref<8x8x129xf32, #tpu.memory_space<vmem>>[vector<16xi32>, vector<16xi32>, vector<16xi32>], vector<16xf32>,
        %parallel_loop3A_735 = arith.constant 0 : i32
        %parallel_loop3A_736 = arith.constant 0 : i32
        %parallel_loop3A_737 = tpu.memref_slice %arg7[%parallel_loop3A_683, %parallel_loop3A_735, %parallel_loop3A_736] : memref<5x128x64xf32, #tpu.memory_space<vmem>> -> memref<1x128x64xf32, #tpu.memory_space<vmem>>
        %parallel_loop3A_738 = tpu.memref_squeeze %parallel_loop3A_737 : memref<1x128x64xf32, #tpu.memory_space<vmem>> -> memref<128x64xf32, #tpu.memory_space<vmem>>
        %parallel_loop3A_739 = arith.index_cast %parallel_loop3A_717 : i32 to index
        %parallel_loop3A_740 = arith.constant 16 : index
        %parallel_loop3A_741 = tpu.vector_load %parallel_loop3A_738[%parallel_loop3A_739, %parallel_loop3A_740] {strides = array<i32>} : memref<128x64xf32, #tpu.memory_space<vmem>>, vector<16xf32>,
        %parallel_loop3A_742 = arith.constant 0 : i32
        %parallel_loop3A_743 = arith.constant 0 : i32
        %parallel_loop3A_744 = arith.constant 0 : i32
        %parallel_loop3A_745 = tpu.memref_slice %arg8[%parallel_loop3A_684, %parallel_loop3A_742, %parallel_loop3A_743, %parallel_loop3A_744] : memref<5x8x8x129xf32, #tpu.memory_space<vmem>> -> memref<1x8x8x129xf32, #tpu.memory_space<vmem>>
        %parallel_loop3A_746 = tpu.memref_squeeze %parallel_loop3A_745 : memref<1x8x8x129xf32, #tpu.memory_space<vmem>> -> memref<8x8x129xf32, #tpu.memory_space<vmem>>
        tpu.vector_store_idx %parallel_loop3A_746[%select_n3A_62, %select_n3A_178, %parallel_loop3A_722], %parallel_loop3A_741 : memref<8x8x129xf32, #tpu.memory_space<vmem>>[vector<16xi32>, vector<16xi32>, vector<16xi32>], vector<16xf32>,
        %parallel_loop3A_747 = arith.constant 0 : i32
        %parallel_loop3A_748 = arith.constant 0 : i32
        %parallel_loop3A_749 = tpu.memref_slice %arg7[%parallel_loop3A_683, %parallel_loop3A_747, %parallel_loop3A_748] : memref<5x128x64xf32, #tpu.memory_space<vmem>> -> memref<1x128x64xf32, #tpu.memory_space<vmem>>
        %parallel_loop3A_750 = tpu.memref_squeeze %parallel_loop3A_749 : memref<1x128x64xf32, #tpu.memory_space<vmem>> -> memref<128x64xf32, #tpu.memory_space<vmem>>
        %parallel_loop3A_751 = arith.index_cast %parallel_loop3A_717 : i32 to index
        %parallel_loop3A_752 = arith.constant 32 : index
        %parallel_loop3A_753 = tpu.vector_load %parallel_loop3A_750[%parallel_loop3A_751, %parallel_loop3A_752] {strides = array<i32>} : memref<128x64xf32, #tpu.memory_space<vmem>>, vector<16xf32>,
        %parallel_loop3A_754 = arith.constant 0 : i32
        %parallel_loop3A_755 = arith.constant 0 : i32
        %parallel_loop3A_756 = arith.constant 0 : i32
        %parallel_loop3A_757 = tpu.memref_slice %arg8[%parallel_loop3A_684, %parallel_loop3A_754, %parallel_loop3A_755, %parallel_loop3A_756] : memref<5x8x8x129xf32, #tpu.memory_space<vmem>> -> memref<1x8x8x129xf32, #tpu.memory_space<vmem>>
        %parallel_loop3A_758 = tpu.memref_squeeze %parallel_loop3A_757 : memref<1x8x8x129xf32, #tpu.memory_space<vmem>> -> memref<8x8x129xf32, #tpu.memory_space<vmem>>
        tpu.vector_store_idx %parallel_loop3A_758[%select_n3A_96, %select_n3A_203, %parallel_loop3A_722], %parallel_loop3A_753 : memref<8x8x129xf32, #tpu.memory_space<vmem>>[vector<16xi32>, vector<16xi32>, vector<16xi32>], vector<16xf32>,
        %parallel_loop3A_759 = arith.constant 0 : i32
        %parallel_loop3A_760 = arith.constant 0 : i32
        %parallel_loop3A_761 = tpu.memref_slice %arg7[%parallel_loop3A_683, %parallel_loop3A_759, %parallel_loop3A_760] : memref<5x128x64xf32, #tpu.memory_space<vmem>> -> memref<1x128x64xf32, #tpu.memory_space<vmem>>
        %parallel_loop3A_762 = tpu.memref_squeeze %parallel_loop3A_761 : memref<1x128x64xf32, #tpu.memory_space<vmem>> -> memref<128x64xf32, #tpu.memory_space<vmem>>
        %parallel_loop3A_763 = arith.index_cast %parallel_loop3A_717 : i32 to index
        %parallel_loop3A_764 = arith.constant 48 : index
        %parallel_loop3A_765 = tpu.vector_load %parallel_loop3A_762[%parallel_loop3A_763, %parallel_loop3A_764] {strides = array<i32>} : memref<128x64xf32, #tpu.memory_space<vmem>>, vector<16xf32>,
        %parallel_loop3A_766 = arith.constant 0 : i32
        %parallel_loop3A_767 = arith.constant 0 : i32
        %parallel_loop3A_768 = arith.constant 0 : i32
        %parallel_loop3A_769 = tpu.memref_slice %arg8[%parallel_loop3A_684, %parallel_loop3A_766, %parallel_loop3A_767, %parallel_loop3A_768] : memref<5x8x8x129xf32, #tpu.memory_space<vmem>> -> memref<1x8x8x129xf32, #tpu.memory_space<vmem>>
        %parallel_loop3A_770 = tpu.memref_squeeze %parallel_loop3A_769 : memref<1x8x8x129xf32, #tpu.memory_space<vmem>> -> memref<8x8x129xf32, #tpu.memory_space<vmem>>
        tpu.vector_store_idx %parallel_loop3A_770[%select_n3A_130, %select_n3A_228, %parallel_loop3A_722], %parallel_loop3A_765 : memref<8x8x129xf32, #tpu.memory_space<vmem>>[vector<16xi32>, vector<16xi32>, vector<16xi32>], vector<16xf32>,
      } {sc.loop_unroll_factor = 4 : i64, sc.parallel_access}
      %dma_start3A_685 = arith.constant 4 : i32
      %dma_start3A_686 = arith.constant 4 : i32
      %dma_start3A_687 = arith.constant 0 : i32
      %dma_start3A_688 = arith.constant 0 : i32
      %dma_start3A_689 = arith.constant 0 : i32
      %dma_start3A_690 = tpu.memref_slice %arg8[%dma_start3A_685, %dma_start3A_687, %dma_start3A_688, %dma_start3A_689] : memref<5x8x8x129xf32, #tpu.memory_space<vmem>> -> memref<1x8x8x128xf32, #tpu.memory_space<vmem>>
      %dma_start3A_691 = tpu.memref_squeeze %dma_start3A_690 : memref<1x8x8x128xf32, #tpu.memory_space<vmem>> -> memref<8x8x128xf32, #tpu.memory_space<vmem>>
      %dma_start3A_692 = arith.constant 0 : i32
      %dma_start3A_693 = arith.constant 0 : i32
      %dma_start3A_694 = arith.constant 0 : i32
      %dma_start3A_695 = tpu.memref_slice %arg4[%add3A_659, %dma_start3A_692, %add3A, %dma_start3A_693, %dma_start3A_694] : memref<50x8x32x8x128xf32, #tpu.memory_space<hbm>> -> memref<1x8x1x8x128xf32, #tpu.memory_space<hbm>>
      %dma_start3A_696 = tpu.memref_squeeze %dma_start3A_695 : memref<1x8x1x8x128xf32, #tpu.memory_space<hbm>> -> memref<8x8x128xf32, #tpu.memory_space<hbm>>
      %dma_start3A_697 = tpu.memref_slice %arg10[%dma_start3A_686] : memref<5x!tpu.dma_semaphore, #tpu.memory_space<semaphore_mem>> -> memref<1x!tpu.dma_semaphore, #tpu.memory_space<semaphore_mem>>
      %dma_start3A_698 = tpu.memref_squeeze %dma_start3A_697 : memref<1x!tpu.dma_semaphore, #tpu.memory_space<semaphore_mem>> -> memref<!tpu.dma_semaphore, #tpu.memory_space<semaphore_mem>>
      %dma_start3A_699 = arith.constant 0 : i32
      %dma_start3A_700 = arith.constant 0 : i32
      %dma_start3A_701 = arith.constant 0 : i32
      %dma_start3A_702 = tpu.memref_slice %arg4[%add3A_659, %dma_start3A_699, %add3A, %dma_start3A_700, %dma_start3A_701] : memref<50x8x32x8x128xf32, #tpu.memory_space<hbm>> -> memref<1x8x1x8x128xf32, #tpu.memory_space<hbm>>
      %dma_start3A_703 = tpu.memref_squeeze %dma_start3A_702 : memref<1x8x1x8x128xf32, #tpu.memory_space<hbm>> -> memref<8x8x128xf32, #tpu.memory_space<hbm>>
      %dma_start3A_704 = arith.constant 0 : i32
      %dma_start3A_705 = arith.constant 0 : i32
      %dma_start3A_706 = arith.constant 0 : i32
      %dma_start3A_707 = tpu.memref_slice %arg8[%dma_start3A_685, %dma_start3A_704, %dma_start3A_705, %dma_start3A_706] : memref<5x8x8x129xf32, #tpu.memory_space<vmem>> -> memref<1x8x8x128xf32, #tpu.memory_space<vmem>>
      %dma_start3A_708 = tpu.memref_squeeze %dma_start3A_707 : memref<1x8x8x128xf32, #tpu.memory_space<vmem>> -> memref<8x8x128xf32, #tpu.memory_space<vmem>>
      tpu.enqueue_dma source(%dma_start3A_708 : memref<8x8x128xf32, #tpu.memory_space<vmem>>) target(%dma_start3A_703 : memref<8x8x128xf32, #tpu.memory_space<hbm>>) target_semaphore(%dma_start3A_698 : memref<!tpu.dma_semaphore, #tpu.memory_space<semaphore_mem>>)
      %add3A_709 = arith.constant 3 : i32
      %add3A_710 = arith.addi %add3A_659, %add3A_709 : i32
      %lt3A_711 = arith.constant 50 : i32
      %lt3A_712 = arith.cmpi slt, %add3A_710, %lt3A_711 : i32
      %convert_element_type3A_713 = arith.extui %lt3A_712 : i1 to i32
      %cond3A_714 = arith.constant 0 : i32
      %cond3A_715 = arith.cmpi ne, %convert_element_type3A_713, %cond3A_714 : i32
      scf.if %cond3A_715 {
        %add3A_717 = arith.constant 3 : i32
        %add3A_718 = arith.addi %add3A_659, %add3A_717 : i32
        %dma_start3A_719 = arith.constant 2 : i32
        %dma_start3A_720 = arith.constant 2 : i32
        %dma_start3A_721 = arith.constant 0 : i32
        %dma_start3A_722 = arith.constant 0 : i32
        %dma_start3A_723 = tpu.memref_slice %arg7[%dma_start3A_719, %dma_start3A_721, %dma_start3A_722] : memref<5x128x64xf32, #tpu.memory_space<vmem>> -> memref<1x128x64xf32, #tpu.memory_space<vmem>>
        %dma_start3A_724 = tpu.memref_squeeze %dma_start3A_723 : memref<1x128x64xf32, #tpu.memory_space<vmem>> -> memref<128x64xf32, #tpu.memory_space<vmem>>
        %dma_start3A_725 = arith.constant 0 : i32
        %dma_start3A_726 = tpu.memref_slice %arg6[%add3A_718, %dma_start3A_725] : memref<64x129xi32, #tpu.memory_space<vmem>> -> memref<1x128xi32, #tpu.memory_space<vmem>>
        %dma_start3A_727 = tpu.memref_squeeze %dma_start3A_726 : memref<1x128xi32, #tpu.memory_space<vmem>> -> memref<128xi32, #tpu.memory_space<vmem>>
        %dma_start3A_728 = arith.constant 0 : i32
        %dma_start3A_729 = arith.constant 0 : i32
        %dma_start3A_730 = tpu.memref_slice %arg3[%dma_start3A_728, %dma_start3A_729] : memref<200000x64xf32, #tpu.memory_space<hbm>> -> memref<200000x64xf32, #tpu.memory_space<hbm>>
        %dma_start3A_731 = tpu.memref_slice %arg9[%dma_start3A_720] : memref<5x!tpu.dma_semaphore, #tpu.memory_space<semaphore_mem>> -> memref<1x!tpu.dma_semaphore, #tpu.memory_space<semaphore_mem>>
        %dma_start3A_732 = tpu.memref_squeeze %dma_start3A_731 : memref<1x!tpu.dma_semaphore, #tpu.memory_space<semaphore_mem>> -> memref<!tpu.dma_semaphore, #tpu.memory_space<semaphore_mem>>
        tpu.enqueue_indirect_dma source(%dma_start3A_730 : memref<200000x64xf32, #tpu.memory_space<hbm>>) target(%dma_start3A_724 : memref<128x64xf32, #tpu.memory_space<vmem>>) offsets(%dma_start3A_727 : memref<128xi32, #tpu.memory_space<vmem>>) semaphore(%dma_start3A_732 : memref<!tpu.dma_semaphore, #tpu.memory_space<semaphore_mem>>)
      } else {
      }
      %scan3A_716 = arith.constant 0 : i32
      scf.yield %scan3A_716 : i32
    }
    %scan3A_292 = arith.constant 10 : i32
    %dma_wait3A = arith.constant 0 : i32
    %dma_wait3A_293 = arith.constant 0 : i32
    %dma_wait3A_294 = arith.constant 0 : i32
    %dma_wait3A_295 = arith.constant 0 : i32
    %dma_wait3A_296 = arith.constant 0 : i32
    %dma_wait3A_297 = arith.constant 0 : i32
    %dma_wait3A_298 = tpu.memref_slice %arg8[%dma_wait3A, %dma_wait3A_295, %dma_wait3A_296, %dma_wait3A_297] : memref<5x8x8x129xf32, #tpu.memory_space<vmem>> -> memref<1x8x8x128xf32, #tpu.memory_space<vmem>>
    %dma_wait3A_299 = tpu.memref_squeeze %dma_wait3A_298 : memref<1x8x8x128xf32, #tpu.memory_space<vmem>> -> memref<8x8x128xf32, #tpu.memory_space<vmem>>
    %dma_wait3A_300 = arith.constant 0 : i32
    %dma_wait3A_301 = arith.constant 0 : i32
    %dma_wait3A_302 = arith.constant 0 : i32
    %dma_wait3A_303 = tpu.memref_slice %arg4[%dma_wait3A_293, %dma_wait3A_300, %add3A, %dma_wait3A_301, %dma_wait3A_302] : memref<50x8x32x8x128xf32, #tpu.memory_space<hbm>> -> memref<1x8x1x8x128xf32, #tpu.memory_space<hbm>>
    %dma_wait3A_304 = tpu.memref_squeeze %dma_wait3A_303 : memref<1x8x1x8x128xf32, #tpu.memory_space<hbm>> -> memref<8x8x128xf32, #tpu.memory_space<hbm>>
    %dma_wait3A_305 = tpu.memref_slice %arg10[%dma_wait3A_294] : memref<5x!tpu.dma_semaphore, #tpu.memory_space<semaphore_mem>> -> memref<1x!tpu.dma_semaphore, #tpu.memory_space<semaphore_mem>>
    %dma_wait3A_306 = tpu.memref_squeeze %dma_wait3A_305 : memref<1x!tpu.dma_semaphore, #tpu.memory_space<semaphore_mem>> -> memref<!tpu.dma_semaphore, #tpu.memory_space<semaphore_mem>>
    %dma_wait3A_307 = arith.constant 0 : i32
    %dma_wait3A_308 = arith.constant 0 : i32
    %dma_wait3A_309 = arith.constant 0 : i32
    %dma_wait3A_310 = tpu.memref_slice %arg4[%dma_wait3A_293, %dma_wait3A_307, %add3A, %dma_wait3A_308, %dma_wait3A_309] : memref<50x8x32x8x128xf32, #tpu.memory_space<hbm>> -> memref<1x8x1x8x128xf32, #tpu.memory_space<hbm>>
    %dma_wait3A_311 = tpu.memref_squeeze %dma_wait3A_310 : memref<1x8x1x8x128xf32, #tpu.memory_space<hbm>> -> memref<8x8x128xf32, #tpu.memory_space<hbm>>
    %dma_wait3A_312 = arith.constant 0 : i32
    %dma_wait3A_313 = arith.constant 0 : i32
    %dma_wait3A_314 = arith.constant 0 : i32
    %dma_wait3A_315 = tpu.memref_slice %arg8[%dma_wait3A, %dma_wait3A_312, %dma_wait3A_313, %dma_wait3A_314] : memref<5x8x8x129xf32, #tpu.memory_space<vmem>> -> memref<1x8x8x128xf32, #tpu.memory_space<vmem>>
    %dma_wait3A_316 = tpu.memref_squeeze %dma_wait3A_315 : memref<1x8x8x128xf32, #tpu.memory_space<vmem>> -> memref<8x8x128xf32, #tpu.memory_space<vmem>>
    tpu.wait_dma2 semaphore(%dma_wait3A_306 : memref<!tpu.dma_semaphore, #tpu.memory_space<semaphore_mem>>) src(%dma_wait3A_316 : memref<8x8x128xf32, #tpu.memory_space<vmem>>) dst(%dma_wait3A_311 : memref<8x8x128xf32, #tpu.memory_space<hbm>>)
    %dma_wait3A_317 = arith.constant 1 : i32
    %dma_wait3A_318 = arith.constant 0 : i32
    %dma_wait3A_319 = arith.constant 1 : i32
    %dma_wait3A_320 = arith.constant 0 : i32
    %dma_wait3A_321 = arith.constant 0 : i32
    %dma_wait3A_322 = arith.constant 0 : i32
    %dma_wait3A_323 = tpu.memref_slice %arg8[%dma_wait3A_317, %dma_wait3A_320, %dma_wait3A_321, %dma_wait3A_322] : memref<5x8x8x129xf32, #tpu.memory_space<vmem>> -> memref<1x8x8x128xf32, #tpu.memory_space<vmem>>
    %dma_wait3A_324 = tpu.memref_squeeze %dma_wait3A_323 : memref<1x8x8x128xf32, #tpu.memory_space<vmem>> -> memref<8x8x128xf32, #tpu.memory_space<vmem>>
    %dma_wait3A_325 = arith.constant 0 : i32
    %dma_wait3A_326 = arith.constant 0 : i32
    %dma_wait3A_327 = arith.constant 0 : i32
    %dma_wait3A_328 = tpu.memref_slice %arg4[%dma_wait3A_318, %dma_wait3A_325, %add3A, %dma_wait3A_326, %dma_wait3A_327] : memref<50x8x32x8x128xf32, #tpu.memory_space<hbm>> -> memref<1x8x1x8x128xf32, #tpu.memory_space<hbm>>
    %dma_wait3A_329 = tpu.memref_squeeze %dma_wait3A_328 : memref<1x8x1x8x128xf32, #tpu.memory_space<hbm>> -> memref<8x8x128xf32, #tpu.memory_space<hbm>>
    %dma_wait3A_330 = tpu.memref_slice %arg10[%dma_wait3A_319] : memref<5x!tpu.dma_semaphore, #tpu.memory_space<semaphore_mem>> -> memref<1x!tpu.dma_semaphore, #tpu.memory_space<semaphore_mem>>
    %dma_wait3A_331 = tpu.memref_squeeze %dma_wait3A_330 : memref<1x!tpu.dma_semaphore, #tpu.memory_space<semaphore_mem>> -> memref<!tpu.dma_semaphore, #tpu.memory_space<semaphore_mem>>
    %dma_wait3A_332 = arith.constant 0 : i32
    %dma_wait3A_333 = arith.constant 0 : i32
    %dma_wait3A_334 = arith.constant 0 : i32
    %dma_wait3A_335 = tpu.memref_slice %arg4[%dma_wait3A_318, %dma_wait3A_332, %add3A, %dma_wait3A_333, %dma_wait3A_334] : memref<50x8x32x8x128xf32, #tpu.memory_space<hbm>> -> memref<1x8x1x8x128xf32, #tpu.memory_space<hbm>>
    %dma_wait3A_336 = tpu.memref_squeeze %dma_wait3A_335 : memref<1x8x1x8x128xf32, #tpu.memory_space<hbm>> -> memref<8x8x128xf32, #tpu.memory_space<hbm>>
    %dma_wait3A_337 = arith.constant 0 : i32
    %dma_wait3A_338 = arith.constant 0 : i32
    %dma_wait3A_339 = arith.constant 0 : i32
    %dma_wait3A_340 = tpu.memref_slice %arg8[%dma_wait3A_317, %dma_wait3A_337, %dma_wait3A_338, %dma_wait3A_339] : memref<5x8x8x129xf32, #tpu.memory_space<vmem>> -> memref<1x8x8x128xf32, #tpu.memory_space<vmem>>
    %dma_wait3A_341 = tpu.memref_squeeze %dma_wait3A_340 : memref<1x8x8x128xf32, #tpu.memory_space<vmem>> -> memref<8x8x128xf32, #tpu.memory_space<vmem>>
    tpu.wait_dma2 semaphore(%dma_wait3A_331 : memref<!tpu.dma_semaphore, #tpu.memory_space<semaphore_mem>>) src(%dma_wait3A_341 : memref<8x8x128xf32, #tpu.memory_space<vmem>>) dst(%dma_wait3A_336 : memref<8x8x128xf32, #tpu.memory_space<hbm>>)
    %dma_wait3A_342 = arith.constant 2 : i32
    %dma_wait3A_343 = arith.constant 0 : i32
    %dma_wait3A_344 = arith.constant 2 : i32
    %dma_wait3A_345 = arith.constant 0 : i32
    %dma_wait3A_346 = arith.constant 0 : i32
    %dma_wait3A_347 = arith.constant 0 : i32
    %dma_wait3A_348 = tpu.memref_slice %arg8[%dma_wait3A_342, %dma_wait3A_345, %dma_wait3A_346, %dma_wait3A_347] : memref<5x8x8x129xf32, #tpu.memory_space<vmem>> -> memref<1x8x8x128xf32, #tpu.memory_space<vmem>>
    %dma_wait3A_349 = tpu.memref_squeeze %dma_wait3A_348 : memref<1x8x8x128xf32, #tpu.memory_space<vmem>> -> memref<8x8x128xf32, #tpu.memory_space<vmem>>
    %dma_wait3A_350 = arith.constant 0 : i32
    %dma_wait3A_351 = arith.constant 0 : i32
    %dma_wait3A_352 = arith.constant 0 : i32
    %dma_wait3A_353 = tpu.memref_slice %arg4[%dma_wait3A_343, %dma_wait3A_350, %add3A, %dma_wait3A_351, %dma_wait3A_352] : memref<50x8x32x8x128xf32, #tpu.memory_space<hbm>> -> memref<1x8x1x8x128xf32, #tpu.memory_space<hbm>>
    %dma_wait3A_354 = tpu.memref_squeeze %dma_wait3A_353 : memref<1x8x1x8x128xf32, #tpu.memory_space<hbm>> -> memref<8x8x128xf32, #tpu.memory_space<hbm>>
    %dma_wait3A_355 = tpu.memref_slice %arg10[%dma_wait3A_344] : memref<5x!tpu.dma_semaphore, #tpu.memory_space<semaphore_mem>> -> memref<1x!tpu.dma_semaphore, #tpu.memory_space<semaphore_mem>>
    %dma_wait3A_356 = tpu.memref_squeeze %dma_wait3A_355 : memref<1x!tpu.dma_semaphore, #tpu.memory_space<semaphore_mem>> -> memref<!tpu.dma_semaphore, #tpu.memory_space<semaphore_mem>>
    %dma_wait3A_357 = arith.constant 0 : i32
    %dma_wait3A_358 = arith.constant 0 : i32
    %dma_wait3A_359 = arith.constant 0 : i32
    %dma_wait3A_360 = tpu.memref_slice %arg4[%dma_wait3A_343, %dma_wait3A_357, %add3A, %dma_wait3A_358, %dma_wait3A_359] : memref<50x8x32x8x128xf32, #tpu.memory_space<hbm>> -> memref<1x8x1x8x128xf32, #tpu.memory_space<hbm>>
    %dma_wait3A_361 = tpu.memref_squeeze %dma_wait3A_360 : memref<1x8x1x8x128xf32, #tpu.memory_space<hbm>> -> memref<8x8x128xf32, #tpu.memory_space<hbm>>
    %dma_wait3A_362 = arith.constant 0 : i32
    %dma_wait3A_363 = arith.constant 0 : i32
    %dma_wait3A_364 = arith.constant 0 : i32
    %dma_wait3A_365 = tpu.memref_slice %arg8[%dma_wait3A_342, %dma_wait3A_362, %dma_wait3A_363, %dma_wait3A_364] : memref<5x8x8x129xf32, #tpu.memory_space<vmem>> -> memref<1x8x8x128xf32, #tpu.memory_space<vmem>>
    %dma_wait3A_366 = tpu.memref_squeeze %dma_wait3A_365 : memref<1x8x8x128xf32, #tpu.memory_space<vmem>> -> memref<8x8x128xf32, #tpu.memory_space<vmem>>
    tpu.wait_dma2 semaphore(%dma_wait3A_356 : memref<!tpu.dma_semaphore, #tpu.memory_space<semaphore_mem>>) src(%dma_wait3A_366 : memref<8x8x128xf32, #tpu.memory_space<vmem>>) dst(%dma_wait3A_361 : memref<8x8x128xf32, #tpu.memory_space<hbm>>)
    %dma_wait3A_367 = arith.constant 3 : i32
    %dma_wait3A_368 = arith.constant 0 : i32
    %dma_wait3A_369 = arith.constant 3 : i32
    %dma_wait3A_370 = arith.constant 0 : i32
    %dma_wait3A_371 = arith.constant 0 : i32
    %dma_wait3A_372 = arith.constant 0 : i32
    %dma_wait3A_373 = tpu.memref_slice %arg8[%dma_wait3A_367, %dma_wait3A_370, %dma_wait3A_371, %dma_wait3A_372] : memref<5x8x8x129xf32, #tpu.memory_space<vmem>> -> memref<1x8x8x128xf32, #tpu.memory_space<vmem>>
    %dma_wait3A_374 = tpu.memref_squeeze %dma_wait3A_373 : memref<1x8x8x128xf32, #tpu.memory_space<vmem>> -> memref<8x8x128xf32, #tpu.memory_space<vmem>>
    %dma_wait3A_375 = arith.constant 0 : i32
    %dma_wait3A_376 = arith.constant 0 : i32
    %dma_wait3A_377 = arith.constant 0 : i32
    %dma_wait3A_378 = tpu.memref_slice %arg4[%dma_wait3A_368, %dma_wait3A_375, %add3A, %dma_wait3A_376, %dma_wait3A_377] : memref<50x8x32x8x128xf32, #tpu.memory_space<hbm>> -> memref<1x8x1x8x128xf32, #tpu.memory_space<hbm>>
    %dma_wait3A_379 = tpu.memref_squeeze %dma_wait3A_378 : memref<1x8x1x8x128xf32, #tpu.memory_space<hbm>> -> memref<8x8x128xf32, #tpu.memory_space<hbm>>
    %dma_wait3A_380 = tpu.memref_slice %arg10[%dma_wait3A_369] : memref<5x!tpu.dma_semaphore, #tpu.memory_space<semaphore_mem>> -> memref<1x!tpu.dma_semaphore, #tpu.memory_space<semaphore_mem>>
    %dma_wait3A_381 = tpu.memref_squeeze %dma_wait3A_380 : memref<1x!tpu.dma_semaphore, #tpu.memory_space<semaphore_mem>> -> memref<!tpu.dma_semaphore, #tpu.memory_space<semaphore_mem>>
    %dma_wait3A_382 = arith.constant 0 : i32
    %dma_wait3A_383 = arith.constant 0 : i32
    %dma_wait3A_384 = arith.constant 0 : i32
    %dma_wait3A_385 = tpu.memref_slice %arg4[%dma_wait3A_368, %dma_wait3A_382, %add3A, %dma_wait3A_383, %dma_wait3A_384] : memref<50x8x32x8x128xf32, #tpu.memory_space<hbm>> -> memref<1x8x1x8x128xf32, #tpu.memory_space<hbm>>
    %dma_wait3A_386 = tpu.memref_squeeze %dma_wait3A_385 : memref<1x8x1x8x128xf32, #tpu.memory_space<hbm>> -> memref<8x8x128xf32, #tpu.memory_space<hbm>>
    %dma_wait3A_387 = arith.constant 0 : i32
    %dma_wait3A_388 = arith.constant 0 : i32
    %dma_wait3A_389 = arith.constant 0 : i32
    %dma_wait3A_390 = tpu.memref_slice %arg8[%dma_wait3A_367, %dma_wait3A_387, %dma_wait3A_388, %dma_wait3A_389] : memref<5x8x8x129xf32, #tpu.memory_space<vmem>> -> memref<1x8x8x128xf32, #tpu.memory_space<vmem>>
    %dma_wait3A_391 = tpu.memref_squeeze %dma_wait3A_390 : memref<1x8x8x128xf32, #tpu.memory_space<vmem>> -> memref<8x8x128xf32, #tpu.memory_space<vmem>>
    tpu.wait_dma2 semaphore(%dma_wait3A_381 : memref<!tpu.dma_semaphore, #tpu.memory_space<semaphore_mem>>) src(%dma_wait3A_391 : memref<8x8x128xf32, #tpu.memory_space<vmem>>) dst(%dma_wait3A_386 : memref<8x8x128xf32, #tpu.memory_space<hbm>>)
    %dma_wait3A_392 = arith.constant 4 : i32
    %dma_wait3A_393 = arith.constant 0 : i32
    %dma_wait3A_394 = arith.constant 4 : i32
    %dma_wait3A_395 = arith.constant 0 : i32
    %dma_wait3A_396 = arith.constant 0 : i32
    %dma_wait3A_397 = arith.constant 0 : i32
    %dma_wait3A_398 = tpu.memref_slice %arg8[%dma_wait3A_392, %dma_wait3A_395, %dma_wait3A_396, %dma_wait3A_397] : memref<5x8x8x129xf32, #tpu.memory_space<vmem>> -> memref<1x8x8x128xf32, #tpu.memory_space<vmem>>
    %dma_wait3A_399 = tpu.memref_squeeze %dma_wait3A_398 : memref<1x8x8x128xf32, #tpu.memory_space<vmem>> -> memref<8x8x128xf32, #tpu.memory_space<vmem>>
    %dma_wait3A_400 = arith.constant 0 : i32
    %dma_wait3A_401 = arith.constant 0 : i32
    %dma_wait3A_402 = arith.constant 0 : i32
    %dma_wait3A_403 = tpu.memref_slice %arg4[%dma_wait3A_393, %dma_wait3A_400, %add3A, %dma_wait3A_401, %dma_wait3A_402] : memref<50x8x32x8x128xf32, #tpu.memory_space<hbm>> -> memref<1x8x1x8x128xf32, #tpu.memory_space<hbm>>
    %dma_wait3A_404 = tpu.memref_squeeze %dma_wait3A_403 : memref<1x8x1x8x128xf32, #tpu.memory_space<hbm>> -> memref<8x8x128xf32, #tpu.memory_space<hbm>>
    %dma_wait3A_405 = tpu.memref_slice %arg10[%dma_wait3A_394] : memref<5x!tpu.dma_semaphore, #tpu.memory_space<semaphore_mem>> -> memref<1x!tpu.dma_semaphore, #tpu.memory_space<semaphore_mem>>
    %dma_wait3A_406 = tpu.memref_squeeze %dma_wait3A_405 : memref<1x!tpu.dma_semaphore, #tpu.memory_space<semaphore_mem>> -> memref<!tpu.dma_semaphore, #tpu.memory_space<semaphore_mem>>
    %dma_wait3A_407 = arith.constant 0 : i32
    %dma_wait3A_408 = arith.constant 0 : i32
    %dma_wait3A_409 = arith.constant 0 : i32
    %dma_wait3A_410 = tpu.memref_slice %arg4[%dma_wait3A_393, %dma_wait3A_407, %add3A, %dma_wait3A_408, %dma_wait3A_409] : memref<50x8x32x8x128xf32, #tpu.memory_space<hbm>> -> memref<1x8x1x8x128xf32, #tpu.memory_space<hbm>>
    %dma_wait3A_411 = tpu.memref_squeeze %dma_wait3A_410 : memref<1x8x1x8x128xf32, #tpu.memory_space<hbm>> -> memref<8x8x128xf32, #tpu.memory_space<hbm>>
    %dma_wait3A_412 = arith.constant 0 : i32
    %dma_wait3A_413 = arith.constant 0 : i32
    %dma_wait3A_414 = arith.constant 0 : i32
    %dma_wait3A_415 = tpu.memref_slice %arg8[%dma_wait3A_392, %dma_wait3A_412, %dma_wait3A_413, %dma_wait3A_414] : memref<5x8x8x129xf32, #tpu.memory_space<vmem>> -> memref<1x8x8x128xf32, #tpu.memory_space<vmem>>
    %dma_wait3A_416 = tpu.memref_squeeze %dma_wait3A_415 : memref<1x8x8x128xf32, #tpu.memory_space<vmem>> -> memref<8x8x128xf32, #tpu.memory_space<vmem>>
    tpu.wait_dma2 semaphore(%dma_wait3A_406 : memref<!tpu.dma_semaphore, #tpu.memory_space<semaphore_mem>>) src(%dma_wait3A_416 : memref<8x8x128xf32, #tpu.memory_space<vmem>>) dst(%dma_wait3A_411 : memref<8x8x128xf32, #tpu.memory_space<hbm>>)
    return
  }
}

</mosaic_0001>

<sc_bundles>
// kernel: kernel.3.cloned.1.call-start
scs
__scs_entry_jumppad:
0x0: {  	(pc) =	sbr.rel $0x88, $3  }
0x1: {  	(tag) =	ssettag $0x0;
	lr =	simm.s32 $0x1  }
0x2: {  	[smem:$0x3F9F] =	sst lr;
	_ =	strace $0xD0000000  }
0x3: {  	_ = 	snop  }
0x4: {  	_ = 	snop  }
0x5: {  	_ = 	snop  }
0x6: {  	_ = 	snop  }
0x7: {  	_ = 	snop  }
__scs_overlays_trampoline_lowered:
0x8: {  	[smem:$0x3FAE] =	sst s0  }
0x9: {  	[smem:$0x3FAF] =	sst s1  }
0xa: {  	[smem:$0x3FB0] =	sst s2  }
0xb: {  	[smem:$0x3FB1] =	sst s3  }
0xc: {  	[smem:$0x3FB2] =	sst s4  }
0xd: {  	[smem:$0x3FB3] =	sst s5  }
0xe: {  	[smem:$0x3FB4] =	sst s6  }
0xf: {  	[smem:$0x3FB5] =	sst s7  }
0x10: {  	[smem:$0x3FB6] =	sst s8  }
0x11: {  	[smem:$0x3FB7] =	sst s9;
	s0 =	simm.s32 @!p0 $0x0  }
0x12: {  	s1 =	sld [smem:$0x3F9D];
	s0 =	simm.s32 @p0 $0x1  }
0x13: {  	[smem:$0x3FB8] =	sst s0;
	s0 =	simm.s32 @!p1 $0x0  }
0x14: {  	s2 =	sld [smem:$0x3F9C];
	s0 =	simm.s32 @p1 $0x1  }
0x15: {  	[smem:$0x3FB9] =	sst s0;
	s0 =	simm.s32 @!p2 $0x0  }
0x16: {  	s3 =	sld [smem:$0x3FDB];
	s0 =	simm.s32 @p2 $0x1  }
0x17: {  	s4 =	simm.s32 $0x1BF5;
	[smem:$0x3FBB] =	sst s0  }
0x18: {  	s0 =	sld [smem:$0x3F9E];
	_ =	swait.ge [sflag:s4], $0x0  }
0x19: {  	s7 =	sld [smem:$0x3F9F]  }
0x1a: {  	s8 =	sadd.s32 $0xFFFFE003, lr  }
0x1b: {  	s9 =	sadd.s32 $0xFFFFFEF7, lr;
	s5 =	simm.s32 $0xFFFFFFFF;
	p2 =	slt.u32 s8, $0xFFFFF086  }
0x1c: {  	p1 =	slt.u32 s9, $0xF7A;
	s5 =	simm.s32 @!p2 $0x0  }
0x1d: {  	s5 =	simm.s32 @p1 $0x1;
	p0 =	seq.s32 s7, s2  }
0x1e: {  	s7 =	smul.u32 @!p0 $0xF7A, s2;
	p2 =	seq.s32 @!p0 s5, $0x0  }
0x1f: {  	s9 =	smul.u32 $0xF7A, s1;
	s8 =	simm.s32 @!p0 $0x1BF5;
	p2 =	por !p2, p0  }
0x20: {  	[sflag:s8] =	ssyncset.s32 @!p0 $0xFFFFF086;
	s6 =	sadd.s32 @!p0 s3, s7;
	s7 =	simm.s32 @!p0 $0x108  }
0x21: {  	s3 =	sadd.s32 s3, s9;
	s6 =	sadd.s32 @!p0 $0x88, s6;
	s7 =	simm.s32 @p2 $0x1082  }
0x22: {  	[simem:s7], [sflag:s8] =	dma.local @!p0 [hbm:s6], $0xF7A  }
0x23: {  	s9 =	sor.u32 $0xD0000000, s2;
	s6 =	simm.s32 $0x108;
	_ =	swait.ge @!p0 [sflag:s8], $0x0  }
0x24: {  	s3 =	sadd.s32 $0x88, s3;
	s6 =	simm.s32 @!p1 $0x1082;
	[sflag:s4] =	ssyncset.s32 $0xFFFFF086  }
0x25: {  	[simem:s6], [sflag:s4] =	dma.local [hbm:s3], $0xF7A  }
0x26: {  	[smem:$0x3F9F] =	sst s1;
	(tag) =	ssettag s2;
	_ =	strace s9  }
0x27: {  	s1 =	sld [smem:$0x3FAF]  }
0x28: {  	s2 =	sld [smem:$0x3FB0]  }
0x29: {  	s4 =	sld [smem:$0x3FB2]  }
0x2a: {  	p0 =	seq.s32 s5, $0x0;
	s5 =	sld [smem:$0x3FB3]  }
0x2b: {  	s6 =	sld [smem:$0x3FB4]  }
0x2c: {  	s7 =	sld [smem:$0x3FB5]  }
0x2d: {  	s3 =	simm.s32 $0x108;
	s8 =	sld [smem:$0x3FB6]  }
0x2e: {  	s3 =	simm.s32 @!p0 $0x1082;
	s9 =	sld [smem:$0x3FB7]  }
0x2f: {  	lr =	sadd.s32 s0, s3;
	s0 =	sld [smem:$0x3FAE]  }
0x30: {  	s3 =	sld [smem:$0x3FB1]  }
0x31: {  	[smem:$0x3FBA] =	sst s10  }
0x32: {  	s10 =	sld [smem:$0x3FB8];
	_ =	sdelay $0x3  }
0x33: {  	p0 =	seq.s32 s10, $0x1;
	s10 =	sld [smem:$0x3FBA];
	_ =	sdelay $0x3  }
0x34: {  	[smem:$0x3FBA] =	sst s10  }
0x35: {  	s10 =	sld [smem:$0x3FB9];
	_ =	sdelay $0x3  }
0x36: {  	p1 =	seq.s32 s10, $0x1;
	s10 =	sld [smem:$0x3FBA];
	_ =	sdelay $0x3  }
0x37: {  	[smem:$0x3FBA] =	sst s10  }
0x38: {  	s10 =	sld [smem:$0x3FBB]  }
0x39: {  	_ = 	snop;
	(pc) =	sbr.ind lr, $3  }
0x3a: {  	_ = 	snop  }
0x3b: {  	_ = 	snop  }
0x3c: {  	p2 =	seq.s32 s10, $0x1;
	s10 =	sld [smem:$0x3FBA]  }
0x3d: {  	_ =	shalt  }
0x3e: {  	_ =	shalt  }
0x3f: {  	_ =	shalt  }
0x40: {  	_ =	shalt  }
0x41: {  	_ =	shalt  }
0x42: {  	_ =	shalt  }
0x43: {  	_ =	shalt  }
0x44: {  	_ =	shalt  }
0x45: {  	_ =	shalt  }
0x46: {  	_ =	shalt  }
0x47: {  	_ =	shalt  }
0x48: {  	_ =	shalt  }
0x49: {  	_ =	shalt  }
0x4a: {  	_ =	shalt  }
0x4b: {  	_ =	shalt  }
0x4c: {  	_ =	shalt  }
0x4d: {  	_ =	shalt  }
0x4e: {  	_ =	shalt  }
0x4f: {  	_ =	shalt  }
0x50: {  	_ =	shalt  }
0x51: {  	_ =	shalt  }
0x52: {  	_ =	shalt  }
0x53: {  	_ =	shalt  }
0x54: {  	_ =	shalt  }
0x55: {  	_ =	shalt  }
0x56: {  	_ =	shalt  }
0x57: {  	_ =	shalt  }
0x58: {  	_ =	shalt  }
0x59: {  	_ =	shalt  }
0x5a: {  	_ =	shalt  }
0x5b: {  	_ =	shalt  }
0x5c: {  	_ =	shalt  }
0x5d: {  	_ =	shalt  }
0x5e: {  	_ =	shalt  }
0x5f: {  	_ =	shalt  }
0x60: {  	_ =	shalt  }
0x61: {  	_ =	shalt  }
0x62: {  	_ =	shalt  }
0x63: {  	_ =	shalt  }
0x64: {  	_ =	shalt  }
0x65: {  	_ =	shalt  }
0x66: {  	_ =	shalt  }
0x67: {  	_ =	shalt  }
0x68: {  	_ =	shalt  }
0x69: {  	_ =	shalt  }
0x6a: {  	_ =	shalt  }
0x6b: {  	_ =	shalt  }
0x6c: {  	_ =	shalt  }
0x6d: {  	_ =	shalt  }
0x6e: {  	_ =	shalt  }
0x6f: {  	_ =	shalt  }
0x70: {  	_ =	shalt  }
0x71: {  	_ =	shalt  }
0x72: {  	_ =	shalt  }
0x73: {  	_ =	shalt  }
0x74: {  	_ =	shalt  }
0x75: {  	_ =	shalt  }
0x76: {  	_ =	shalt  }
0x77: {  	_ =	shalt  }
0x78: {  	_ =	shalt  }
0x79: {  	_ =	shalt  }
0x7a: {  	_ =	shalt  }
0x7b: {  	_ =	shalt  }
0x7c: {  	_ =	shalt  }
0x7d: {  	_ =	shalt  }
0x7e: {  	_ =	shalt  }
0x7f: {  	_ =	shalt  }
0x80: {  	_ =	shalt  }
0x81: {  	_ =	shalt  }
0x82: {  	_ =	shalt  }
0x83: {  	_ =	shalt  }
0x84: {  	_ =	shalt  }
0x85: {  	_ =	shalt  }
0x86: {  	_ =	shalt  }
0x87: {  	_ =	shalt  }
.Lfunc_end0:
.L_simem_size_0:
called_computation_lowered:
.L_overlay_start_0:
0x88: {  	s2 =	sld [smem:$0x3FD9]  }
0x89: {  	s3 =	sld [smem:$0x3FFE];
	_ =	sdelay $0x1  }
0x8a: {  	s1 =	srdreg.scid  }
0x8b: {  	s0 =	sand.u32 $0x1, s1  }
0x8c: {  	s17 =	sshll.u32 s0, $0xA;
	s2 =	sadd.s32 s3, s2  }
0x8d: {  	s2 =	sadd.s32 s2, s17  }
0x8e: {  	[smem:$0x3FC6] =	sst s2  }
0x8f: {  	_ = 	snop  }
0x90: {  	s2 =	sld [smem:$0x3FD0];
	(tm) =	ssettm $0x1  }
0x91: {  	s18 =	sld [smem:$0x3FFB];
	_ =	sdelay $0x3  }
0x92: {  	_ =	strace s18  }
0x93: {  	s3 =	sld [smem:$0x3FFC];
	_ =	sdelay $0x3  }
0x94: {  	_ =	strace s3  }
0x95: {  	s3 =	sld [smem:$0x3FFD];
	_ =	sdelay $0x3  }
0x96: {  	_ =	strace s3  }
0x97: {  	_ =	strace $0x8FFFFFFF  }
0x98: {  	s19 =	sld [smem:$0x3FDB];
	_ =	sdelay $0x1  }
0x99: {  	s4 =	simm.s32 $_scs_section_size  }
0x9a: {  	s5 =	simm.s32 $_size__tile_overlayer_lowered;
	s6 =	simm.s32 $_tile_overlayer_lowered  }
0x9b: {  	s22 =	simm.s32 $0x1BFF;
	s21 =	sshll.u32 s6, $0x1;
	s3 =	sadd.s32 s4, s19  }
0x9c: {  	s7 =	simm.s32 $0x0;
	s20 =	sshll.u32 s5, $0x1;
	s5 =	sadd.s32 s21, s3  }
0x9d: {  	[timem:s7], [sflag:s22] =	dma.local [hbm:s5], s20  }
0x9e: {  	_ =	swait.ge [sflag:s22], s20  }
0x9f: {  	s4 =	ssub.s32 $0x0, s20;
	[sflag:s22] =	ssyncset.done $0x0  }
0xa0: {  	[sflag:s22] =	ssyncadd.s32 s4;
	_ =	sdelay $0x1  }
0xa1: {  	s23 =	simm.s32 $0x1B8B  }
0xa2: {  	_ =	swait.ge [sflag:s23], $0x1  }
0xa3: {  	[sflag:s23] =	ssyncset.done $0x0  }
0xa4: {  	s25 =	simm.s32 $0x1B8E;
	s24 =	sld [smem:$0x3FFE];
	[sflag:s23] =	ssyncadd.s32 $0xFFFFFFFF  }
0xa5: {  	s26 =	simm.s32 $execute0_lowered;
	[smem:$0x3FD2] =	sst s25  }
0xa6: {  	s5 =	sshll.u32 s26, $0x1;
	_ =	strace $0x80000046;
	[dreg:$0x1] =	wrdreg $0xFFFFFFFF  }
0xa7: {  	s28 =	simm.s32 $_size_execute0_lowered;
	s3 =	sadd.s32 s3, s5;
	[dreg:$0x0] =	wrdreg $0x0  }
0xa8: {  	s5 =	sshll.u32 s28, $0x1;
	[dreg:$0x2] =	wrdreg s3  }
0xa9: {  	[dreg:$0x3] =	wrdreg s5  }
0xaa: {  	[dreg:$0x4] =	wrdreg $0xC0  }
0xab: {  	_ =	task [dreg:s7], $0x5FFFF  }
0xac: {  	[dreg:$0x1] =	wrdreg $0xFFFFFFFF  }
0xad: {  	[dreg:$0x0] =	wrdreg $0x60  }
0xae: {  	[dreg:$0x2] =	wrdreg s24  }
0xaf: {  	[dreg:$0x3] =	wrdreg s2  }
0xb0: {  	[dreg:$0x4] =	wrdreg $0x9  }
0xb1: {  	_ =	task.clear_ibuf [dreg:s7], $0x5FFFF;
	_ =	strace $0x90000046  }
0xb2: {  	s29 =	simm.s32 $0x9;
	_ =	strace $0x80000048  }
0xb3: {  	_ =	swait.ge [sflag:s29], $0x1  }
0xb4: {  	[sflag:s29] =	ssyncadd.s32 $0xFFFFFFFF  }
0xb5: {  	_ =	strace $0x90000048  }
0xb6: {  	_ =	sfence  }
0xb7: {  	s30 =	sld [smem:$0x0];
	_ =	sdelay $0x2  }
0xb8: {  	s31 =	sshll.u32 s1, $0xD;
	s1 =	sshrl.u32 s1, $0x2  }
0xb9: {  	s3 =	sand.u32 $0x4000, s31;
	s1 =	sadd.s32 s1, s30  }
0xba: {  	s0 =	sor.u32 s3, s0;
	s1 =	sshll.u32 s1, $0x11  }
0xbb: {  	s0 =	sor.u32 s1, s0  }
0xbc: {  	s0 =	sadd.s32 $0x8F2B, s0  }
0xbd: {  	[sflag:s0] =	ssyncadd.remote.s32 $0x1  }
0xbe: {  	_ =	sfence.sel $0xFFFF  }
0xbf: {  	[dreg:$0x0] =	wrdreg $0xFFFFFFFF;
	(pc) =	sbr.abs _section_cstart, $3  }
0xc0: {  	[dreg:$0x1] =	wrdreg $0xFFFFFFFF  }
0xc1: {  	_ =	task.clear_ibuf [dreg:s7], $0x2FFFF;
	_ =	strace $0x9FFFFFFF  }
0xc2: {  	(tm) =	ssettm $0x7FFFFFFF  }
0xc3: {  	_ =	shalt  }
tec
execute0_lowered:
.L_overlay_start_1:
0x0: {  	(tag) =	ssettag $0x1  }
0x1: {  	s0 =	rddreg [dreg:$0x0];
	s1 =	srdreg.scid  }
0x2: {  	s3 =	stileid.u32;
	s2 =	rddreg [dreg:$0x1]  }
0x3: {  	s11 =	simm.s32 $0x4000;
	s12 =	simm.s32 $0x80;
	s19 =	simm.s32 $0x10200  }
0x4: {  	s22 =	simm.s32 $0x12400;
	s24 =	simm.s32 $0x3;
	s25 =	simm.s32 $0x14600  }
0x5: {  	s26 =	simm.s32 $0x4;
	s29 =	simm.s32 $0x16800;
	s30 =	simm.s32 $0x5  }
0x6: {  	s1 =	sand.u32 $0x1, s1;
	s4 =	sshll.u32 s3, $0x1;
	s3 =	simm.s32 $0x0  }
0x7: {  	s5 =	sor.u32 s1, s4;
	[smem:$0x7FF] =	sst s3;
	s1 =	ssub.s32 $0x2, s1  }
0x8: {  	s4 =	sshll.u32 s5, $0xB;
	_ =	strace $0x80000047;
	s5 =	sshll.u32 s5, $0xA  }
.Ltmp0:
0x9: {  	s7 =	sshrl.u32 s1, $0x1;
	s20 =	sor.u32 $0x40000, s5;
	(pc) =	sbr.rel .LBB2_1-.Ltmp0, $4  }
0xa: {  	v0 =	vlaneseq.u32;
	s6 =	sadd.s32 s4, s0;
	s21 =	sor.u32 $0x80000, s5;
	[dreg:$0x4] =	wrdreg s20  }
0xb: {  	v0 =	vmul.u32 $0x88, v0;
	s28 =	ssub.s32 s1, s7;
	s31 =	sadd.s32 $0x400, s6;
	[dreg:$0x5] =	wrdreg s21  }
0xc: {  	s4 =	sadd.s32 $0x10400, s0;
	s0 =	smax.u32 s28, $0x1;
	[dreg:$0x3] =	wrdreg s31  }
0xd: {  	v1 =	vadd.s32 $0x880, v0;
	v2 =	vadd.s32 $0x1100, v0;
	v3 =	vadd.s32 $0x1980, v0;
	s1 =	simm.s32 $0x18A00;
	s7 =	simm.s32 $0x0;
	[dreg:$0x6] =	wrdreg s0  }
.LBB2_34:
0xe: {  	s0 =	simm.s32 $0x6  }
0xf: {  	_ =	swait.ge [sflag:s0], $0x2000  }
0x10: {  	[sflag:s0] =	ssyncset.done $0x0  }
0x11: {  	s21 =	simm.s32 $0x7;
	[sflag:s0] =	ssyncadd.s32 $0xFFFFE000  }
0x12: {  	_ =	swait.ge [sflag:s21], $0x2000  }
0x13: {  	[sflag:s21] =	ssyncset.done $0x0  }
0x14: {  	s23 =	simm.s32 $0x8;
	[sflag:s21] =	ssyncadd.s32 $0xFFFFE000  }
0x15: {  	_ =	swait.ge [sflag:s23], $0x2000  }
0x16: {  	[sflag:s23] =	ssyncset.done $0x0  }
0x17: {  	s28 =	simm.s32 $0x9;
	[sflag:s23] =	ssyncadd.s32 $0xFFFFE000  }
0x18: {  	_ =	swait.ge [sflag:s28], $0x2000  }
0x19: {  	[sflag:s28] =	ssyncset.done $0x0  }
0x1a: {  	s6 =	simm.s32 $0xA;
	[sflag:s28] =	ssyncadd.s32 $0xFFFFE000  }
0x1b: {  	_ =	swait.ge [sflag:s6], $0x2000  }
0x1c: {  	s7 =	rddreg [dreg:$0x7]  }
0x1d: {  	s31 =	rddreg [dreg:$0x6];
	s7 =	sadd.s32 $0x1, s7  }
0x1e: {  	p0 =	sne.s32 s7, s31  }
.Ltmp1:
0x1f: {  	_ = 	snop;
	(pc) =	sbr.rel @!p0 .LBB2_35-.Ltmp1, $3  }
0x20: {  	_ =	sdelay $0x1  }
0x21: {  	[sflag:s6] =	ssyncset.done $0x0  }
0x22: {  	[sflag:s6] =	ssyncadd.s32 $0xFFFFE000  }
.LBB2_1:
0x23: {  	[dreg:$0x7] =	wrdreg s7  }
0x24: {  	s0 =	rddreg [dreg:$0x3];
	s13 =	simm.s32 $0xB;
	s6 =	simm.s32 $0x20  }
0x25: {  	[tilespmem:s3], [sflag:$0xB] =	stream.linear.gather [hbm4b:s0+s3], $0x4000, $0x38;
	[tilespmem:$0x1AC00] =	vst v63  }
0x26: {  	s14 =	simm.s32 $0x0;
	s15 =	simm.s32 $0x80;
	_ =	swait.ge [sflag:s13], $0x4000  }
0x27: {  	s9 =	simm.s32 $0x100;
	s10 =	simm.s32 $0x2;
	[sflag:s13] =	ssyncset.done $0x0  }
0x28: {  	v4 =	vmov s3;
	s0 =	sand.u32 $0x3C00, s14;
	s9 =	sand.u32 $0x300, s9;
	[sflag:s13] =	ssyncadd.s32 $0xFFFFC000  }
0x29: {  	v8 =	vand.u32 $0x7C, v4;
	s7 =	sand.u32 $0x280, s15;
	v5 =	vmov s10;
	s15 =	sor.u32 s9, s0;
	s13 =	simm.s32 $0x1;
	v4 =	vld [tilespmem:s6+$0xFFFFFFE0]  }
0x2a: {  	s16 =	simm.s32 $0x180;
	v6 =	vadd.s32 v0, v8;
	s20 =	sor.u32 s7, s0;
	v10 =	vand.u32 $0x7E, v5;
	v7 =	vmov s13;
	v9 =	vld [tilespmem:s15+$0x0]  }
0x2b: {  	s18 =	simm.s32 $0x3;
	s17 =	sand.u32 $0x380, s16;
	v5 =	vadd.s32 v0, v10;
	v12 =	vand.u32 $0x7D, v7;
	v7 =	vld [tilespmem:s20+$0x0]  }
0x2c: {  	v11 =	vmov s18;
	s17 =	sor.u32 s17, s0;
	v13 =	vadd.s32 v0, v12  }
0x2d: {  	s28 =	simm.s32 $0x200;
	s31 =	simm.s32 $0x300;
	v14 =	vand.u32 $0x7F, v11;
	v11 =	vld [tilespmem:s17+$0x0]  }
0x2e: {  	s8 =	sand.u32 $0x3C00, s28;
	s0 =	sand.u32 $0x300, s31;
	v15 =	vadd.s32 v0, v14;
	v4 =	vshll.u32 v4, $0x1  }
0x2f: {  	s0 =	sor.u32 s0, s8;
	[tilespmem:v6+s11+$0x0] =	vst.idx.msk $0xffff, v4;
	v4 =	vshll.u32 v9, $0x1  }
0x30: {  	v19 =	vld [tilespmem:s0+$0x0];
	[tilespmem:v5+s11+$0x0] =	vst.idx.msk $0xffff, v4;
	v4 =	vshll.u32 v7, $0x1  }
0x31: {  	s21 =	simm.s32 $0x4;
	v6 =	vld [tilespmem:s6+$0xFFFFFFF0];
	[tilespmem:v13+s11+$0x0] =	vst.idx.msk $0xffff, v4  }
0x32: {  	s23 =	simm.s32 $0x380;
	s14 =	simm.s32 $0x220;
	v9 =	vmov s21;
	v5 =	vadd.s32 v1, v8;
	v4 =	vshll.u32 v11, $0x1;
	v11 =	vld [tilespmem:s20+$0x10]  }
0x33: {  	s18 =	simm.s32 $0x6;
	s7 =	sand.u32 $0x380, s23;
	v13 =	vadd.s32 v1, v12;
	[tilespmem:v15+s11+$0x0] =	vst.idx.msk $0xffff, v4;
	v15 =	vand.u32 $0x7C, v9;
	v9 =	vld [tilespmem:s14+$0xFFFFFFE0]  }
0x34: {  	s9 =	sor.u32 s7, s8;
	s21 =	simm.s32 $0x280;
	v4 =	vmov s18;
	v16 =	vld [tilespmem:s17+$0x10];
	v17 =	vadd.s32 v0, v15  }
0x35: {  	s16 =	simm.s32 $0x7;
	v18 =	vadd.s32 v1, v14;
	v21 =	vld [tilespmem:s9+$0x0];
	s23 =	sand.u32 $0x280, s21;
	v4 =	vand.u32 $0x7E, v4  }
0x36: {  	v20 =	vmov s16;
	v7 =	vld [tilespmem:s15+$0x10];
	s10 =	sor.u32 s23, s8;
	v22 =	vadd.s32 v0, v4;
	v6 =	vshll.u32 v6, $0x1  }
0x37: {  	s28 =	simm.s32 $0x5;
	v24 =	vld [tilespmem:s10+$0x0];
	[tilespmem:v5+s11+$0x0] =	vst.idx.msk $0xffff, v6;
	v5 =	vand.u32 $0x7F, v20;
	v20 =	vadd.s32 v1, v10;
	v6 =	vshll.u32 v11, $0x1  }
0x38: {  	v23 =	vld [tilespmem:s6+$0x0];
	v11 =	vadd.s32 v0, v5;
	v9 =	vshll.u32 v9, $0x1;
	[tilespmem:v13+s11+$0x0] =	vst.idx.msk $0xffff, v6;
	v6 =	vmov s28  }
0x39: {  	v13 =	vshll.u32 v16, $0x1;
	[tilespmem:v17+s11+$0x0] =	vst.idx.msk $0xffff, v9;
	v9 =	vadd.s32 v2, v8;
	v16 =	vld [tilespmem:s20+$0x20];
	v6 =	vand.u32 $0x7D, v6  }
0x3a: {  	[tilespmem:v18+s11+$0x0] =	vst.idx.msk $0xffff, v13;
	v13 =	vshll.u32 v19, $0x1;
	v17 =	vld [tilespmem:s14+$0xFFFFFFF0];
	v18 =	vadd.s32 v0, v6  }
0x3b: {  	v7 =	vshll.u32 v7, $0x1;
	v19 =	vadd.s32 v2, v12;
	[tilespmem:v22+s11+$0x0] =	vst.idx.msk $0xffff, v13;
	v13 =	vld [tilespmem:s17+$0x20]  }
0x3c: {  	[tilespmem:v20+s11+$0x0] =	vst.idx.msk $0xffff, v7;
	v20 =	vld [tilespmem:s0+$0x10];
	v7 =	vshll.u32 v21, $0x1;
	v21 =	vadd.s32 v2, v14  }
0x3d: {  	v29 =	vadd.s32 v1, v4;
	v22 =	vshll.u32 v23, $0x1;
	[tilespmem:v11+s11+$0x0] =	vst.idx.msk $0xffff, v7;
	v11 =	vld [tilespmem:s15+$0x20]  }
0x3e: {  	v23 =	vadd.s32 v2, v10;
	v25 =	vld [tilespmem:s9+$0x10];
	[tilespmem:v9+s11+$0x0] =	vst.idx.msk $0xffff, v22;
	v9 =	vshll.u32 v24, $0x1  }
0x3f: {  	s31 =	simm.s32 $0x400;
	s16 =	simm.s32 $0x420;
	s8 =	simm.s32 $0x500;
	v22 =	vadd.s32 v1, v15;
	v24 =	vld [tilespmem:s6+$0x10];
	[tilespmem:v18+s11+$0x0] =	vst.idx.msk $0xffff, v9;
	v9 =	vshll.u32 v16, $0x1  }
0x40: {  	s7 =	sand.u32 $0x3C00, s31;
	s23 =	simm.s32 $0x8;
	s13 =	sand.u32 $0x300, s8;
	v27 =	vadd.s32 v1, v5;
	v26 =	vadd.s32 v1, v6;
	v18 =	vld [tilespmem:s16+$0xFFFFFFE0];
	v13 =	vshll.u32 v13, $0x1;
	[tilespmem:v19+s11+$0x0] =	vst.idx.msk $0xffff, v9  }
0x41: {  	s18 =	simm.s32 $0x580;
	s6 =	sor.u32 s13, s7;
	v16 =	vadd.s32 v3, v8;
	v8 =	vmov s23;
	v19 =	vld [tilespmem:s10+$0x10];
	[tilespmem:v21+s11+$0x0] =	vst.idx.msk $0xffff, v13;
	v20 =	vshll.u32 v20, $0x1  }
0x42: {  	s8 =	simm.s32 $0xA;
	v7 =	vadd.s32 v2, v5;
	s13 =	sand.u32 $0x380, s18;
	v28 =	vld [tilespmem:s6+$0x0];
	v9 =	vand.u32 $0x7C, v8;
	v8 =	vshll.u32 v11, $0x1;
	[tilespmem:v29+s11+$0x0] =	vst.idx.msk $0xffff, v20  }
0x43: {  	s13 =	sor.u32 s13, s7;
	v13 =	vshll.u32 v17, $0x1;
	v17 =	vmov s8;
	v30 =	vld [tilespmem:s20+$0x30];
	v21 =	vadd.s32 v0, v9;
	[tilespmem:v23+s11+$0x0] =	vst.idx.msk $0xffff, v8  }
0x44: {  	s21 =	simm.s32 $0xB;
	v31 =	vld [tilespmem:s13+$0x0];
	v29 =	vadd.s32 v3, v12;
	v8 =	vand.u32 $0x7E, v17;
	[tilespmem:v22+s11+$0x0] =	vst.idx.msk $0xffff, v13;
	v13 =	vshll.u32 v25, $0x1  }
0x45: {  	s31 =	simm.s32 $0x9;
	s28 =	simm.s32 $0x480;
	v11 =	vmov s21;
	v17 =	vadd.s32 v0, v8;
	[tilespmem:v27+s11+$0x0] =	vst.idx.msk $0xffff, v13;
	v13 =	vshll.u32 v24, $0x1;
	v22 =	vld [tilespmem:s15+$0x30]  }
0x46: {  	s8 =	sand.u32 $0x280, s28;
	v32 =	vld [tilespmem:s17+$0x30];
	v11 =	vand.u32 $0x7F, v11;
	v23 =	vmov s31;
	[tilespmem:v16+s11+$0x0] =	vst.idx.msk $0xffff, v13;
	v13 =	vshll.u32 v19, $0x1  }
0x47: {  	v25 =	vld [tilespmem:s14+$0x0];
	v27 =	vadd.s32 v3, v10;
	s15 =	sor.u32 s8, s7;
	v10 =	vand.u32 $0x7D, v23;
	v18 =	vshll.u32 v18, $0x1;
	[tilespmem:v26+s11+$0x0] =	vst.idx.msk $0xffff, v13  }
0x48: {  	v23 =	vld [tilespmem:s15+$0x0];
	v19 =	vadd.s32 v0, v11;
	[tilespmem:v21+s11+$0x0] =	vst.idx.msk $0xffff, v18;
	v21 =	vshll.u32 v28, $0x1;
	v28 =	vshll.u32 v30, $0x1  }
0x49: {  	v12 =	vadd.s32 v2, v11;
	v24 =	vadd.s32 v2, v15;
	v20 =	vld [tilespmem:s10+$0x20];
	[tilespmem:v29+s11+$0x0] =	vst.idx.msk $0xffff, v28  }
0x4a: {  	v16 =	vadd.s32 v0, v10;
	v13 =	vadd.s32 v1, v10;
	v18 =	vld [tilespmem:s16+$0xFFFFFFF0];
	[tilespmem:v17+s11+$0x0] =	vst.idx.msk $0xffff, v21;
	v22 =	vshll.u32 v22, $0x1  }
0x4b: {  	v17 =	vadd.s32 v3, v14;
	v14 =	vadd.s32 v3, v15;
	v21 =	vadd.s32 v2, v6;
	v15 =	vld [tilespmem:s9+$0x20]  }
0x4c: {  	s23 =	simm.s32 $0x620;
	s17 =	simm.s32 $0xC;
	s20 =	simm.s32 $0x780;
	v26 =	vshll.u32 v25, $0x1;
	v25 =	vshll.u32 v32, $0x1;
	[tilespmem:v27+s11+$0x0] =	vst.idx.msk $0xffff, v22;
	v22 =	vld [tilespmem:s6+$0x10];
	v27 =	vshll.u32 v31, $0x1  }
.LBB2_2:
0x4d: {  	s7 =	sadd.s32 $0xFFFFFE80, s20;
	s8 =	sadd.s32 $0xFFFFFF00, s20;
	s28 =	sand.u32 $0x380, s20;
	[tilespmem:v19+s11+$0x0] =	vst.idx.msk $0xffff, v27;
	v27 =	vadd.s32 v1, v11;
	v19 =	vld [tilespmem:s0+$0x20];
	v28 =	vadd.s32 v2, v4;
	v29 =	vmov v11  }
0x4e: {  	v11 =	vmov s17;
	s18 =	sadd.s32 $0x3, s17;
	v30 =	vadd.s32 v1, v9;
	v23 =	vshll.u32 v23, $0x1;
	s31 =	sand.u32 $0x3C00, s7;
	s7 =	sadd.s32 $0xFFFFFF80, s20;
	v31 =	vld [tilespmem:s13+$0x10];
	[tilespmem:v24+s11+$0x0] =	vst.idx.msk $0xffff, v26  }
0x4f: {  	v32 =	vand.u32 $0x7C, v11;
	s8 =	sand.u32 $0x280, s8;
	v11 =	vmov s18;
	s21 =	sand.u32 $0x300, s7;
	s7 =	sor.u32 s28, s31;
	[tilespmem:v16+s11+$0x0] =	vst.idx.msk $0xffff, v23;
	v23 =	vld [tilespmem:s14+$0x10];
	v16 =	vshll.u32 v20, $0x1  }
0x50: {  	v24 =	vadd.s32 v0, v32;
	s14 =	sadd.s32 $0x1, s17;
	s8 =	sor.u32 s8, s31;
	v11 =	vand.u32 $0x7F, v11;
	v18 =	vshll.u32 v18, $0x1;
	v20 =	vld [tilespmem:s23+$0xFFFFFFE0];
	s18 =	sor.u32 s21, s31;
	[tilespmem:v21+s11+$0x0] =	vst.idx.msk $0xffff, v16  }
0x51: {  	p0 =	slt.u32 s17, $0x7C;
	v16 =	vmov s14;
	v15 =	vshll.u32 v15, $0x1;
	s14 =	smov.u32 s17;
	s17 =	sadd.s32 $0x4, s17;
	v21 =	vld [tilespmem:s18+$0x0];
	v22 =	vshll.u32 v22, $0x1;
	[tilespmem:v17+s11+$0x0] =	vst.idx.msk $0xffff, v25  }
0x52: {  	v26 =	vadd.s32 v1, v8;
	v17 =	vand.u32 $0x7D, v16;
	s21 =	sadd.s32 $0x2, s14;
	s14 =	smov.u32 s16;
	s16 =	smov.u32 s23;
	v25 =	vld [tilespmem:s15+$0x10];
	v19 =	vshll.u32 v19, $0x1;
	[tilespmem:v7+s11+$0x0] =	vst.idx.msk $0xffff, v15;
	v7 =	vmovc v12  }
0x53: {  	v16 =	vadd.s32 v0, v17;
	v15 =	vmov s21;
	v12 =	vadd.s32 v2, v11;
	v33 =	vld [tilespmem:s10+$0x30];
	[tilespmem:v28+s11+$0x0] =	vst.idx.msk $0xffff, v19;
	s10 =	smov.u32 s15;
	s15 =	smov.u32 s8  }
0x54: {  	v15 =	vand.u32 $0x7E, v15;
	v28 =	vld [tilespmem:s7+$0x0];
	[tilespmem:v30+s11+$0x0] =	vst.idx.msk $0xffff, v18;
	v18 =	vshll.u32 v31, $0x1  }
0x55: {  	v19 =	vadd.s32 v0, v11;
	v30 =	vadd.s32 v0, v15;
	[tilespmem:v27+s11+$0x0] =	vst.idx.msk $0xffff, v18;
	v18 =	vshll.u32 v23, $0x1;
	v27 =	vld [tilespmem:s0+$0x30];
	s0 =	smov.u32 s6;
	s6 =	smov.u32 s18  }
0x56: {  	v34 =	vadd.s32 v3, v4;
	v4 =	vmov v8;
	v8 =	vmov v15;
	v31 =	vld [tilespmem:s14+$0x0];
	[tilespmem:v14+s11+$0x0] =	vst.idx.msk $0xffff, v18  }
0x57: {  	v14 =	vshll.u32 v25, $0x1;
	[tilespmem:v26+s11+$0x0] =	vst.idx.msk $0xffff, v22;
	v25 =	vadd.s32 v3, v6;
	v35 =	vld [tilespmem:s9+$0x30];
	v6 =	vmovc v10;
	v10 =	vmov v17;
	s9 =	smov.u32 s13;
	s13 =	smov.u32 s7  }
.Ltmp2:
0x58: {  	v15 =	vshll.u32 v20, $0x1;
	v23 =	vld [tilespmem:s15+$0x0];
	[tilespmem:v13+s11+$0x0] =	vst.idx.msk $0xffff, v14;
	(pc) =	sbr.rel @p0 .LBB2_2-.Ltmp2, $4  }
0x59: {  	v14 =	vshll.u32 v21, $0x1;
	[tilespmem:v24+s11+$0x0] =	vst.idx.msk $0xffff, v15;
	v24 =	vadd.s32 v2, v9;
	v20 =	vld [tilespmem:s10+$0x20]  }
0x5a: {  	v17 =	vadd.s32 v3, v5;
	v13 =	vadd.s32 v1, v10;
	v18 =	vld [tilespmem:s23+$0xFFFFFFF0];
	[tilespmem:v30+s11+$0x0] =	vst.idx.msk $0xffff, v14;
	v22 =	vshll.u32 v27, $0x1  }
0x5b: {  	v21 =	vadd.s32 v2, v6;
	v14 =	vadd.s32 v3, v9;
	v30 =	vshll.u32 v33, $0x1;
	v15 =	vld [tilespmem:s9+$0x20];
	[tilespmem:v34+s11+$0x0] =	vst.idx.msk $0xffff, v22  }
0x5c: {  	s20 =	sadd.s32 $0x200, s20;
	v5 =	vmovc v29;
	v27 =	vshll.u32 v28, $0x1;
	s23 =	sadd.s32 $0x200, s23;
	v9 =	vmovc v32;
	v26 =	vshll.u32 v31, $0x1;
	v22 =	vld [tilespmem:s6+$0x10];
	[tilespmem:v25+s11+$0x0] =	vst.idx.msk $0xffff, v30;
	v25 =	vshll.u32 v35, $0x1  }
0x5d: {  	_ =	sdelay $0x2  }
0x5e: {  	v23 =	vshll.u32 v23, $0x1  }
0x5f: {  	v28 =	vadd.s32 v1, v9;
	[tilespmem:v16+s11+$0x0] =	vst.idx.msk $0xffff, v23  }
0x60: {  	[tilespmem:v19+s11+$0x0] =	vst.idx.msk $0xffff, v27;
	v32 =	vadd.s32 v1, v8;
	v16 =	vld [tilespmem:s15+$0x10]  }
0x61: {  	[tilespmem:v24+s11+$0x0] =	vst.idx.msk $0xffff, v26;
	v33 =	vld [tilespmem:s13+$0x10]  }
0x62: {  	v34 =	vadd.s32 v1, v11;
	v35 =	vld [tilespmem:s0+$0x20];
	[tilespmem:v17+s11+$0x0] =	vst.idx.msk $0xffff, v25;
	v20 =	vshll.u32 v20, $0x1  }
0x63: {  	v36 =	vadd.s32 v2, v4;
	[tilespmem:v21+s11+$0x0] =	vst.idx.msk $0xffff, v20;
	v18 =	vshll.u32 v18, $0x1  }
0x64: {  	v37 =	vld [tilespmem:s14+$0x10];
	v38 =	vshll.u32 v22, $0x1;
	[tilespmem:v28+s11+$0x0] =	vst.idx.msk $0xffff, v18  }
0x65: {  	[tilespmem:v32+s11+$0x0] =	vst.idx.msk $0xffff, v38;
	v18 =	vld [tilespmem:s16+$0x0];
	v16 =	vshll.u32 v16, $0x1  }
0x66: {  	v40 =	vadd.s32 v2, v9;
	v39 =	vshll.u32 v33, $0x1;
	v41 =	vld [tilespmem:s6+$0x20];
	[tilespmem:v13+s11+$0x0] =	vst.idx.msk $0xffff, v16  }
0x67: {  	v44 =	vadd.s32 v2, v8;
	v42 =	vshll.u32 v35, $0x1;
	[tilespmem:v34+s11+$0x0] =	vst.idx.msk $0xffff, v39;
	v43 =	vld [tilespmem:s15+$0x20]  }
0x68: {  	v45 =	vadd.s32 v2, v10;
	v15 =	vshll.u32 v15, $0x1;
	[tilespmem:v36+s11+$0x0] =	vst.idx.msk $0xffff, v42;
	v46 =	vld [tilespmem:s13+$0x20]  }
0x69: {  	[tilespmem:v7+s11+$0x0] =	vst.idx.msk $0xffff, v15;
	v47 =	vshll.u32 v37, $0x1;
	v48 =	vld [tilespmem:s0+$0x30]  }
0x6a: {  	v4 =	vadd.s32 v3, v4;
	v49 =	vld [tilespmem:s10+$0x30];
	[tilespmem:v14+s11+$0x0] =	vst.idx.msk $0xffff, v47;
	v50 =	vshll.u32 v18, $0x1  }
0x6b: {  	v6 =	vadd.s32 v3, v6;
	v51 =	vld [tilespmem:s9+$0x30];
	v52 =	vshll.u32 v41, $0x1;
	[tilespmem:v40+s11+$0x0] =	vst.idx.msk $0xffff, v50  }
0x6c: {  	v5 =	vadd.s32 v3, v5;
	[tilespmem:v44+s11+$0x0] =	vst.idx.msk $0xffff, v52;
	v13 =	vld [tilespmem:s16+$0x10];
	v53 =	vshll.u32 v43, $0x1  }
0x6d: {  	v54 =	vadd.s32 v3, v9;
	v55 =	vshll.u32 v46, $0x1;
	v56 =	vld [tilespmem:s6+$0x30];
	[tilespmem:v45+s11+$0x0] =	vst.idx.msk $0xffff, v53  }
0x6e: {  	v58 =	vadd.s32 v3, v8;
	v15 =	vshll.u32 v48, $0x1;
	[tilespmem:v12+s11+$0x0] =	vst.idx.msk $0xffff, v55;
	v57 =	vld [tilespmem:s15+$0x30]  }
0x6f: {  	v59 =	vshll.u32 v49, $0x1;
	[tilespmem:v4+s11+$0x0] =	vst.idx.msk $0xffff, v15;
	v4 =	vadd.s32 v3, v10;
	v60 =	vld [tilespmem:s13+$0x30]  }
0x70: {  	v62 =	vadd.s32 v3, v11;
	[tilespmem:v6+s11+$0x0] =	vst.idx.msk $0xffff, v59;
	v61 =	vshll.u32 v51, $0x1  }
0x71: {  	[tilespmem:v5+s11+$0x0] =	vst.idx.msk $0xffff, v61;
	v5 =	vshll.u32 v13, $0x1  }
0x72: {  	[tilespmem:v54+s11+$0x0] =	vst.idx.msk $0xffff, v5;
	v5 =	vshll.u32 v56, $0x1  }
0x73: {  	[tilespmem:v58+s11+$0x0] =	vst.idx.msk $0xffff, v5;
	v63 =	vshll.u32 v57, $0x1  }
0x74: {  	[tilespmem:v4+s11+$0x0] =	vst.idx.msk $0xffff, v63;
	v4 =	vshll.u32 v60, $0x1  }
0x75: {  	s23 =	simm.s32 $0x6200;
	[tilespmem:v62+s11+$0x0] =	vst.idx.msk $0xffff, v4  }
0x76: {  	[tilespmem:s23], [sflag:$0x1] =	stream.indirect.gather [hbm4b:s4+s12], $0x40, s11, s12, $0xb8;
	[tilespmem:$0x1AC00] =	vst v63  }
0x77: {  	s20 =	simm.s32 $0x4088;
	s28 =	simm.s32 $0x8200  }
0x78: {  	[tilespmem:s28], [sflag:$0x2] =	stream.indirect.gather [hbm4b:s4+s12], $0x40, s20, s12, $0xb8;
	[tilespmem:$0x1AC00] =	vst v63  }
0x79: {  	s21 =	simm.s32 $0x4110;
	s31 =	simm.s32 $0xA200;
	s20 =	rddreg [dreg:$0x4]  }
0x7a: {  	[tilespmem:s31], [sflag:$0x3] =	stream.indirect.gather [hbm4b:s4+s12], $0x40, s21, s12, $0xb8;
	[tilespmem:$0x1AC00] =	vst v63  }
0x7b: {  	s10 =	simm.s32 $0x0;
	s9 =	simm.s32 $0x0;
	s21 =	rddreg [dreg:$0x5]  }
.LBB2_4:
0x7c: {  	s0 =	simm.s32 $0x1  }
0x7d: {  	_ =	swait.ge [sflag:s0], $0x2000  }
0x7e: {  	p0 =	seq.s32 s10, $0x0;
	[sflag:s0] =	ssyncset.done $0x0  }
0x7f: {  	[sflag:s0] =	ssyncadd.s32 $0xFFFFE000;
	s0 =	simm.s32 @!p0 $0x6  }
0x80: {  	s6 =	simm.s32 $0x3;
	_ =	swait.ge @!p0 [sflag:s0], $0x2000  }
0x81: {  	v4 =	vmov s6;
	[sflag:s0] =	ssyncset.done @!p0 $0x0  }
0x82: {  	s13 =	simm.s32 $0x6280;
	s8 =	simm.s32 $0x1;
	v5 =	vand.u32 $0x7F, v4;
	v4 =	vmov s9;
	[sflag:s0] =	ssyncadd.s32 @!p0 $0xFFFFE000  }
0x83: {  	v8 =	vadd.s32 v0, v5;
	v6 =	vand.u32 $0x7C, v4;
	v4 =	vmov s8;
	v7 =	vld [tilespmem:s13+$0x40]  }
0x84: {  	v10 =	vadd.s32 v0, v6;
	v11 =	vand.u32 $0x7D, v4;
	v9 =	vld [tilespmem:s13+$0xFFFFFF80]  }
0x85: {  	s14 =	simm.s32 $0x2;
	v12 =	vadd.s32 v0, v11;
	v4 =	vld [tilespmem:s13+$0xFFFFFFC0]  }
0x86: {  	v13 =	vmov s14  }
0x87: {  	v13 =	vand.u32 $0x7E, v13  }
0x88: {  	v15 =	vadd.s32 v0, v13;
	v14 =	vld [tilespmem:s13+$0x0];
	[tilespmem:v8+s19+$0x0] =	vst.idx.msk $0xffff, v7  }
0x89: {  	v8 =	vadd.s32 v1, v5;
	[tilespmem:v10+s19+$0x0] =	vst.idx.msk $0xffff, v9;
	v7 =	vld [tilespmem:s13+$0x50]  }
0x8a: {  	v10 =	vadd.s32 v1, v6;
	[tilespmem:v12+s19+$0x0] =	vst.idx.msk $0xffff, v4;
	v9 =	vld [tilespmem:s13+$0xFFFFFF90]  }
0x8b: {  	v12 =	vadd.s32 v1, v11;
	v4 =	vld [tilespmem:s13+$0xFFFFFFD0];
	_ =	sdelay $0x1  }
0x8c: {  	[tilespmem:v15+s19+$0x0] =	vst.idx.msk $0xffff, v14  }
0x8d: {  	v16 =	vadd.s32 v1, v13;
	v15 =	vld [tilespmem:s13+$0x10];
	[tilespmem:v8+s19+$0x0] =	vst.idx.msk $0xffff, v7  }
0x8e: {  	s15 =	simm.s32 $0x7;
	v14 =	vadd.s32 v2, v5;
	[tilespmem:v10+s19+$0x0] =	vst.idx.msk $0xffff, v9;
	v7 =	vld [tilespmem:s13+$0x60]  }
0x8f: {  	v10 =	vadd.s32 v2, v6;
	v8 =	vmov s15;
	[tilespmem:v12+s19+$0x0] =	vst.idx.msk $0xffff, v4;
	v9 =	vld [tilespmem:s13+$0xFFFFFFA0]  }
0x90: {  	s6 =	simm.s32 $0x6380;
	v17 =	vadd.s32 v2, v11;
	v8 =	vand.u32 $0x7F, v8;
	v12 =	vld [tilespmem:s13+$0xFFFFFFE0]  }
0x91: {  	s16 =	simm.s32 $0x4;
	v18 =	vld [tilespmem:s6+$0x40];
	v19 =	vadd.s32 v0, v8  }
0x92: {  	s17 =	simm.s32 $0x5;
	v4 =	vmov s16;
	[tilespmem:v16+s19+$0x0] =	vst.idx.msk $0xffff, v15  }
0x93: {  	v22 =	vmov s17;
	v4 =	vand.u32 $0x7C, v4;
	[tilespmem:v14+s19+$0x0] =	vst.idx.msk $0xffff, v7  }
0x94: {  	s18 =	simm.s32 $0x6;
	v20 =	vld [tilespmem:s6+$0xFFFFFF80];
	v21 =	vadd.s32 v0, v4;
	v7 =	vand.u32 $0x7D, v22;
	[tilespmem:v10+s19+$0x0] =	vst.idx.msk $0xffff, v9  }
0x95: {  	v14 =	vmov s18;
	v9 =	vld [tilespmem:s6+$0xFFFFFFC0];
	[tilespmem:v17+s19+$0x0] =	vst.idx.msk $0xffff, v12;
	v10 =	vadd.s32 v0, v7  }
0x96: {  	v16 =	vadd.s32 v3, v5;
	v12 =	vld [tilespmem:s13+$0x20];
	v5 =	vand.u32 $0x7E, v14;
	[tilespmem:v19+s19+$0x0] =	vst.idx.msk $0xffff, v18;
	v18 =	vadd.s32 v2, v13  }
0x97: {  	v14 =	vld [tilespmem:s6+$0x0];
	v63 =	vadd.s32 v0, v5  }
0x98: {  	v15 =	vld [tilespmem:s13+$0x70]  }
0x99: {  	[tilespmem:v21+s19+$0x0] =	vst.idx.msk $0xffff, v20;
	v20 =	vadd.s32 v1, v8;
	v19 =	vld [tilespmem:s6+$0x50]  }
0x9a: {  	v23 =	vadd.s32 v1, v4;
	v21 =	vld [tilespmem:s6+$0xFFFFFF90];
	[tilespmem:v10+s19+$0x0] =	vst.idx.msk $0xffff, v9  }
0x9b: {  	v25 =	vadd.s32 v3, v11;
	v24 =	vld [tilespmem:s13+$0xFFFFFFF0];
	[tilespmem:v18+s19+$0x0] =	vst.idx.msk $0xffff, v12  }
0x9c: {  	v18 =	vadd.s32 v1, v7;
	v17 =	vld [tilespmem:s6+$0xFFFFFFD0];
	[tilespmem:v63+s19+$0x0] =	vst.idx.msk $0xffff, v14  }
0x9d: {  	[tilespmem:v16+s19+$0x0] =	vst.idx.msk $0xffff, v15;
	v16 =	vadd.s32 v1, v5;
	v14 =	vld [tilespmem:s6+$0x10]  }
0x9e: {  	v15 =	vadd.s32 v3, v13;
	[tilespmem:v20+s19+$0x0] =	vst.idx.msk $0xffff, v19;
	v10 =	vld [tilespmem:s13+$0x30]  }
0x9f: {  	s7 =	simm.s32 $0xB;
	v12 =	vadd.s32 v2, v8;
	[tilespmem:v23+s19+$0x0] =	vst.idx.msk $0xffff, v21;
	v9 =	vld [tilespmem:s6+$0x60]  }
0xa0: {  	s14 =	simm.s32 $0x8;
	s0 =	smul.u32 $0x5, s10;
	s15 =	simm.s32 $0xC;
	v13 =	vadd.s32 v2, v4;
	[tilespmem:v25+s19+$0x0] =	vst.idx.msk $0xffff, v24;
	v11 =	vld [tilespmem:s6+$0xFFFFFFA0]  }
.LBB2_5:
0xa1: {  	p1 =	slt.u32 s15, $0x7C;
	v19 =	vmov s7;
	[tilespmem:v18+s19+$0x0] =	vst.idx.msk $0xffff, v17;
	v17 =	vld [tilespmem:s13+$0xFFFFFFB0];
	v18 =	vadd.s32 v3, v6;
	v6 =	vmov v4;
	s13 =	smov.u32 s6  }
0xa2: {  	v4 =	vmov s14;
	v21 =	vadd.s32 v2, v7;
	s6 =	sadd.s32 $0x100, s6;
	v19 =	vand.u32 $0x7F, v19;
	v20 =	vld [tilespmem:s13+$0xFFFFFFE0];
	[tilespmem:v16+s19+$0x0] =	vst.idx.msk $0xffff, v14  }
0xa3: {  	s7 =	sadd.s32 $0x1, s14;
	v4 =	vand.u32 $0x7C, v4;
	v14 =	vld [tilespmem:s6+$0x40];
	v16 =	vadd.s32 v0, v19;
	[tilespmem:v15+s19+$0x0] =	vst.idx.msk $0xffff, v10  }
0xa4: {  	v22 =	vmov s7;
	s7 =	sadd.s32 $0x2, s14;
	s14 =	smov.u32 s15;
	v15 =	vadd.s32 v0, v4;
	v10 =	vld [tilespmem:s6+$0xFFFFFF80];
	[tilespmem:v12+s19+$0x0] =	vst.idx.msk $0xffff, v9  }
0xa5: {  	v9 =	vand.u32 $0x7D, v22;
	v12 =	vmov s7;
	[tilespmem:v13+s19+$0x0] =	vst.idx.msk $0xffff, v11;
	v11 =	vld [tilespmem:s13+$0x70];
	v13 =	vadd.s32 v3, v8;
	v8 =	vmovc v19  }
0xa6: {  	v22 =	vadd.s32 v0, v9;
	v12 =	vand.u32 $0x7E, v12;
	v19 =	vld [tilespmem:s6+$0xFFFFFFC0];
	[tilespmem:v18+s19+$0x0] =	vst.idx.msk $0xffff, v17  }
0xa7: {  	v24 =	vadd.s32 v0, v12;
	v23 =	vld [tilespmem:s6+$0x0];
	[tilespmem:v21+s19+$0x0] =	vst.idx.msk $0xffff, v20  }
0xa8: {  	v21 =	vadd.s32 v2, v5;
	[tilespmem:v16+s19+$0x0] =	vst.idx.msk $0xffff, v14;
	v20 =	vld [tilespmem:s13+$0x20]  }
0xa9: {  	[tilespmem:v15+s19+$0x0] =	vst.idx.msk $0xffff, v10;
	v10 =	vld [tilespmem:s6+$0x50];
	v15 =	vadd.s32 v1, v8  }
0xaa: {  	v26 =	vadd.s32 v1, v4;
	v25 =	vld [tilespmem:s6+$0xFFFFFF90];
	[tilespmem:v13+s19+$0x0] =	vst.idx.msk $0xffff, v11  }
0xab: {  	[tilespmem:v22+s19+$0x0] =	vst.idx.msk $0xffff, v19;
	v19 =	vld [tilespmem:s13+$0xFFFFFFF0];
	v22 =	vadd.s32 v3, v7;
	v7 =	vmov v9  }
.Ltmp3:
0xac: {  	v17 =	vld [tilespmem:s6+$0xFFFFFFD0];
	v18 =	vadd.s32 v1, v7;
	[tilespmem:v24+s19+$0x0] =	vst.idx.msk $0xffff, v23;
	(pc) =	sbr.rel @p1 .LBB2_5-.Ltmp3, $4  }
0xad: {  	v16 =	vadd.s32 v1, v12;
	v14 =	vld [tilespmem:s6+$0x10];
	[tilespmem:v21+s19+$0x0] =	vst.idx.msk $0xffff, v20  }
0xae: {  	[tilespmem:v15+s19+$0x0] =	vst.idx.msk $0xffff, v10;
	v10 =	vld [tilespmem:s13+$0x30];
	v15 =	vadd.s32 v3, v5;
	v5 =	vmov v12  }
0xaf: {  	v12 =	vadd.s32 v2, v8;
	[tilespmem:v26+s19+$0x0] =	vst.idx.msk $0xffff, v25;
	v9 =	vld [tilespmem:s6+$0x60]  }
0xb0: {  	s15 =	sadd.s32 $0x4, s15;
	s7 =	sadd.s32 $0x3, s14;
	v13 =	vadd.s32 v2, v4;
	v11 =	vld [tilespmem:s6+$0xFFFFFFA0];
	[tilespmem:v22+s19+$0x0] =	vst.idx.msk $0xffff, v19  }
0xb1: {  	_ =	sdelay $0x2  }
0xb2: {  	v19 =	vmov s7  }
0xb3: {  	s8 =	sadd.s32 $0x1, s14;
	[tilespmem:v18+s19+$0x0] =	vst.idx.msk $0xffff, v17;
	v30 =	vld [tilespmem:s13+$0xFFFFFFB0];
	v6 =	vadd.s32 v3, v6;
	s15 =	sadd.s32 $0x100, s6;
	v21 =	vmov s14;
	v31 =	vand.u32 $0x7F, v19  }
0xb4: {  	s16 =	sadd.s32 $0x2, s14;
	v32 =	vmov s8;
	[tilespmem:v16+s19+$0x0] =	vst.idx.msk $0xffff, v14;
	v33 =	vld [tilespmem:s15+$0x40];
	v21 =	vand.u32 $0x7C, v21;
	v34 =	vadd.s32 v0, v31  }
0xb5: {  	v20 =	vmov s16;
	v22 =	vld [tilespmem:s15+$0xFFFFFF80];
	v19 =	vand.u32 $0x7D, v32;
	[tilespmem:v15+s19+$0x0] =	vst.idx.msk $0xffff, v10;
	v39 =	vadd.s32 v0, v21  }
0xb6: {  	v35 =	vld [tilespmem:s15+$0xFFFFFFC0];
	v20 =	vand.u32 $0x7E, v20;
	v36 =	vadd.s32 v0, v19;
	[tilespmem:v12+s19+$0x0] =	vst.idx.msk $0xffff, v9  }
0xb7: {  	v37 =	vld [tilespmem:s15+$0x0];
	v38 =	vadd.s32 v0, v20;
	[tilespmem:v13+s19+$0x0] =	vst.idx.msk $0xffff, v11  }
0xb8: {  	v41 =	vadd.s32 v2, v7;
	v40 =	vld [tilespmem:s6+$0xFFFFFFE0];
	[tilespmem:v6+s19+$0x0] =	vst.idx.msk $0xffff, v30  }
0xb9: {  	v49 =	vadd.s32 v2, v5;
	v48 =	vld [tilespmem:s6+$0x20];
	[tilespmem:v34+s19+$0x0] =	vst.idx.msk $0xffff, v33  }
0xba: {  	v43 =	vadd.s32 v1, v31;
	[tilespmem:v39+s19+$0x0] =	vst.idx.msk $0xffff, v22;
	v14 =	vld [tilespmem:s15+$0x50]  }
0xbb: {  	v47 =	vadd.s32 v1, v21;
	[tilespmem:v36+s19+$0x0] =	vst.idx.msk $0xffff, v35;
	v46 =	vld [tilespmem:s15+$0xFFFFFF90]  }
0xbc: {  	v44 =	vadd.s32 v1, v19;
	[tilespmem:v38+s19+$0x0] =	vst.idx.msk $0xffff, v37;
	v10 =	vld [tilespmem:s15+$0xFFFFFFD0]  }
0xbd: {  	v45 =	vadd.s32 v1, v20;
	[tilespmem:v41+s19+$0x0] =	vst.idx.msk $0xffff, v40;
	v9 =	vld [tilespmem:s15+$0x10]  }
0xbe: {  	v8 =	vadd.s32 v3, v8;
	v42 =	vld [tilespmem:s6+$0x70];
	[tilespmem:v49+s19+$0x0] =	vst.idx.msk $0xffff, v48  }
0xbf: {  	v5 =	vadd.s32 v3, v5;
	v13 =	vld [tilespmem:s6+$0x30];
	[tilespmem:v43+s19+$0x0] =	vst.idx.msk $0xffff, v14  }
0xc0: {  	v52 =	vadd.s32 v2, v31;
	[tilespmem:v47+s19+$0x0] =	vst.idx.msk $0xffff, v46;
	v14 =	vld [tilespmem:s15+$0x60]  }
0xc1: {  	v57 =	vadd.s32 v2, v21;
	[tilespmem:v44+s19+$0x0] =	vst.idx.msk $0xffff, v10;
	v56 =	vld [tilespmem:s15+$0xFFFFFFA0]  }
0xc2: {  	v53 =	vadd.s32 v2, v19;
	[tilespmem:v45+s19+$0x0] =	vst.idx.msk $0xffff, v9;
	v10 =	vld [tilespmem:s15+$0xFFFFFFE0]  }
0xc3: {  	v55 =	vadd.s32 v2, v20;
	[tilespmem:v8+s19+$0x0] =	vst.idx.msk $0xffff, v42;
	v54 =	vld [tilespmem:s15+$0x20]  }
0xc4: {  	v4 =	vadd.s32 v3, v4;
	v58 =	vld [tilespmem:s6+$0xFFFFFFB0];
	[tilespmem:v5+s19+$0x0] =	vst.idx.msk $0xffff, v13  }
0xc5: {  	v51 =	vadd.s32 v3, v7;
	v50 =	vld [tilespmem:s6+$0xFFFFFFF0];
	[tilespmem:v52+s19+$0x0] =	vst.idx.msk $0xffff, v14  }
0xc6: {  	v60 =	vadd.s32 v3, v31;
	[tilespmem:v57+s19+$0x0] =	vst.idx.msk $0xffff, v56;
	v59 =	vld [tilespmem:s15+$0x70]  }
0xc7: {  	v63 =	vadd.s32 v3, v21;
	[tilespmem:v53+s19+$0x0] =	vst.idx.msk $0xffff, v10;
	v5 =	vld [tilespmem:s15+$0xFFFFFFB0]  }
0xc8: {  	v61 =	vadd.s32 v3, v19;
	[tilespmem:v55+s19+$0x0] =	vst.idx.msk $0xffff, v54;
	v10 =	vld [tilespmem:s15+$0xFFFFFFF0]  }
0xc9: {  	v62 =	vadd.s32 v3, v20;
	[tilespmem:v4+s19+$0x0] =	vst.idx.msk $0xffff, v58;
	v6 =	vld [tilespmem:s15+$0x30]  }
0xca: {  	s16 =	smul.u32 $0x140000, s10;
	[tilespmem:v51+s19+$0x0] =	vst.idx.msk $0xffff, v50  }
0xcb: {  	[tilespmem:v60+s19+$0x0] =	vst.idx.msk $0xffff, v59  }
0xcc: {  	s17 =	sor.u32 s5, s16;
	[tilespmem:v63+s19+$0x0] =	vst.idx.msk $0xffff, v5  }
0xcd: {  	s6 =	sshrl.u32 s17, $0x3;
	[tilespmem:v61+s19+$0x0] =	vst.idx.msk $0xffff, v10  }
0xce: {  	s18 =	simm.s32 $0x10200;
	s8 =	sadd.s32 s2, s6;
	[tilespmem:v62+s19+$0x0] =	vst.idx.msk $0xffff, v6  }
0xcf: {  	[hbm4b:s8+s3] =	stream.linear.scatter [tilespmem:s18], [sflag:$0x6], $0x80, $0x38;
	[tilespmem:$0x1AC00] =	vst v63  }
0xd0: {  	s7 =	simm.s32 $0x10288;
	s13 =	sadd.s32 $0x10, s8  }
0xd1: {  	[hbm4b:s13+s3] =	stream.linear.scatter [tilespmem:s7], [sflag:$0x6], $0x80, $0x38;
	[tilespmem:$0x1AC00] =	vst v63  }
0xd2: {  	s14 =	simm.s32 $0x10310;
	s17 =	simm.s32 $0x10398;
	s15 =	sadd.s32 $0x20, s8  }
0xd3: {  	[hbm4b:s15+s3] =	stream.linear.scatter [tilespmem:s14], [sflag:$0x6], $0x80, $0x38;
	[tilespmem:$0x1AC00] =	vst v63  }
0xd4: {  	s6 =	simm.s32 $0x440;
	s18 =	sadd.s32 $0x30, s8;
	s7 =	simm.s32 $0x10420  }
0xd5: {  	[hbm4b:s18+s3] =	stream.linear.scatter [tilespmem:s17], [sflag:$0x6], $0x80, $0x38;
	[tilespmem:$0x1AC00] =	vst v63  }
0xd6: {  	s13 =	sadd.s32 $0x40, s8;
	s14 =	simm.s32 $0x104A8;
	s15 =	sadd.s32 $0x50, s8  }
0xd7: {  	[hbm4b:s13+s3] =	stream.linear.scatter [tilespmem:s7], [sflag:$0x6], $0x80, $0x38;
	[tilespmem:$0x1AC00] =	vst v63  }
0xd8: {  	s17 =	simm.s32 $0x10530;
	s18 =	sadd.s32 $0x60, s8;
	s7 =	simm.s32 $0x2200  }
0xd9: {  	[hbm4b:s15+s3] =	stream.linear.scatter [tilespmem:s14], [sflag:$0x6], $0x80, $0x38;
	[tilespmem:$0x1AC00] =	vst v63  }
0xda: {  	s13 =	sadd.s32 $0x1000, s8;
	s14 =	simm.s32 $0x105B8;
	s15 =	sadd.s32 $0x70, s8  }
0xdb: {  	[hbm4b:s18+s3] =	stream.linear.scatter [tilespmem:s17], [sflag:$0x6], $0x80, $0x38;
	[tilespmem:$0x1AC00] =	vst v63  }
.LBB2_7:
0xdc: {  	[hbm4b:s15+s3] =	stream.linear.scatter [tilespmem:s14], [sflag:$0x6], $0x80, $0x38;
	[tilespmem:$0x1AC00] =	vst v63  }
0xdd: {  	s8 =	smov.u32 s6;
	s6 =	smov.u32 s7  }
0xde: {  	s17 =	sadd.s32 $0x1100, s7;
	s6 =	sshra.s32 s6, $0x2;
	s14 =	sadd.s32 $0x10200, s8  }
0xdf: {  	[hbm4b:s13+s3] =	stream.linear.scatter [tilespmem:s14], [sflag:$0x6], $0x80, $0x38;
	[tilespmem:$0x1AC00] =	vst v63  }
0xe0: {  	p1 =	sne.s32 s7, $0x7700;
	s7 =	sadd.s32 $0x10288, s8;
	s14 =	sadd.s32 $0x10, s13  }
0xe1: {  	[hbm4b:s14+s3] =	stream.linear.scatter [tilespmem:s7], [sflag:$0x6], $0x80, $0x38;
	[tilespmem:$0x1AC00] =	vst v63  }
0xe2: {  	s7 =	sadd.s32 $0x10310, s8;
	s14 =	sadd.s32 $0x20, s13  }
0xe3: {  	[hbm4b:s14+s3] =	stream.linear.scatter [tilespmem:s7], [sflag:$0x6], $0x80, $0x38;
	[tilespmem:$0x1AC00] =	vst v63  }
0xe4: {  	s7 =	sadd.s32 $0x10398, s8;
	s14 =	sadd.s32 $0x30, s13  }
0xe5: {  	[hbm4b:s14+s3] =	stream.linear.scatter [tilespmem:s7], [sflag:$0x6], $0x80, $0x38;
	[tilespmem:$0x1AC00] =	vst v63  }
0xe6: {  	s7 =	sadd.s32 $0x10420, s8;
	s14 =	sadd.s32 $0x40, s13  }
0xe7: {  	[hbm4b:s14+s3] =	stream.linear.scatter [tilespmem:s7], [sflag:$0x6], $0x80, $0x38;
	[tilespmem:$0x1AC00] =	vst v63  }
.Ltmp4:
0xe8: {  	s7 =	sadd.s32 $0x104A8, s8;
	s14 =	sadd.s32 $0x50, s13;
	(pc) =	sbr.rel @p1 .LBB2_7-.Ltmp4, $4  }
0xe9: {  	[hbm4b:s14+s3] =	stream.linear.scatter [tilespmem:s7], [sflag:$0x6], $0x80, $0x38;
	[tilespmem:$0x1AC00] =	vst v63  }
0xea: {  	s15 =	sadd.s32 $0x70, s13;
	s7 =	sadd.s32 $0x10530, s8;
	s14 =	sadd.s32 $0x60, s13  }
0xeb: {  	[hbm4b:s14+s3] =	stream.linear.scatter [tilespmem:s7], [sflag:$0x6], $0x80, $0x38;
	[tilespmem:$0x1AC00] =	vst v63  }
0xec: {  	s13 =	sadd.s32 $0x1000, s13;
	s14 =	sadd.s32 $0x105B8, s8;
	s7 =	smov.u32 s17  }
0xed: {  	[hbm4b:s15+s3] =	stream.linear.scatter [tilespmem:s14], [sflag:$0x6], $0x80, $0x38;
	[tilespmem:$0x1AC00] =	vst v63  }
0xee: {  	s7 =	sadd.s32 $0x10200, s6  }
0xef: {  	[hbm4b:s13+s3] =	stream.linear.scatter [tilespmem:s7], [sflag:$0x6], $0x80, $0x38;
	[tilespmem:$0x1AC00] =	vst v63  }
0xf0: {  	s18 =	sadd.s32 $0x10288, s6;
	s8 =	sadd.s32 $0x10, s13  }
0xf1: {  	[hbm4b:s8+s3] =	stream.linear.scatter [tilespmem:s18], [sflag:$0x6], $0x80, $0x38;
	[tilespmem:$0x1AC00] =	vst v63  }
0xf2: {  	s14 =	sadd.s32 $0x10310, s6;
	s15 =	sadd.s32 $0x20, s13  }
0xf3: {  	[hbm4b:s15+s3] =	stream.linear.scatter [tilespmem:s14], [sflag:$0x6], $0x80, $0x38;
	[tilespmem:$0x1AC00] =	vst v63  }
0xf4: {  	s17 =	sadd.s32 $0x10398, s6;
	s18 =	sadd.s32 $0x30, s13  }
0xf5: {  	[hbm4b:s18+s3] =	stream.linear.scatter [tilespmem:s17], [sflag:$0x6], $0x80, $0x38;
	[tilespmem:$0x1AC00] =	vst v63  }
0xf6: {  	s14 =	sadd.s32 $0x10420, s6;
	s15 =	sadd.s32 $0x40, s13  }
0xf7: {  	[hbm4b:s15+s3] =	stream.linear.scatter [tilespmem:s14], [sflag:$0x6], $0x80, $0x38;
	[tilespmem:$0x1AC00] =	vst v63  }
0xf8: {  	s17 =	sadd.s32 $0x104A8, s6;
	s18 =	sadd.s32 $0x50, s13  }
0xf9: {  	[hbm4b:s18+s3] =	stream.linear.scatter [tilespmem:s17], [sflag:$0x6], $0x80, $0x38;
	[tilespmem:$0x1AC00] =	vst v63  }
0xfa: {  	s8 =	sadd.s32 $0x10530, s6;
	s14 =	sadd.s32 $0x60, s13  }
0xfb: {  	[hbm4b:s14+s3] =	stream.linear.scatter [tilespmem:s8], [sflag:$0x6], $0x80, $0x38;
	[tilespmem:$0x1AC00] =	vst v63  }
0xfc: {  	s14 =	sadd.s32 $0x3, s0  }
0xfd: {  	s15 =	sadd.s32 $0x105B8, s6;
	s17 =	sadd.s32 $0x70, s13;
	s18 =	smul.u32 $0x220, s14  }
0xfe: {  	[hbm4b:s17+s3] =	stream.linear.scatter [tilespmem:s15], [sflag:$0x6], $0x80, $0x38;
	[tilespmem:$0x1AC00] =	vst v63  }
0xff: {  	s7 =	sshra.s32 s18, $0x2  }
0x100: {  	s13 =	simm.s32 $0x2;
	s8 =	simm.s32 $0xC200;
	s6 =	sadd.s32 $0x4000, s7  }
0x101: {  	[tilespmem:s8], [sflag:$0x4] =	stream.indirect.gather [hbm4b:s4+s12], $0x40, s6, s12, $0xb8;
	[tilespmem:$0x1AC00] =	vst v63  }
0x102: {  	_ =	swait.ge [sflag:s13], $0x2000  }
0x103: {  	[sflag:s13] =	ssyncset.done $0x0  }
0x104: {  	s6 =	simm.s32 @!p0 $0x7;
	[sflag:s13] =	ssyncadd.s32 $0xFFFFE000  }
0x105: {  	s15 =	simm.s32 $0x3;
	_ =	swait.ge @!p0 [sflag:s6], $0x2000  }
0x106: {  	s17 =	simm.s32 $0x0;
	v4 =	vmov s15;
	[sflag:s6] =	ssyncset.done @!p0 $0x0  }
0x107: {  	s18 =	simm.s32 $0x1;
	v5 =	vand.u32 $0x7F, v4;
	v4 =	vmov s17;
	s13 =	simm.s32 $0x82F0;
	[sflag:s6] =	ssyncadd.s32 @!p0 $0xFFFFE000  }
0x108: {  	v8 =	vadd.s32 v0, v5;
	v6 =	vand.u32 $0x7C, v4;
	v4 =	vmov s18;
	v7 =	vld [tilespmem:s13+$0xFFFFFFD0]  }
0x109: {  	v10 =	vadd.s32 v0, v6;
	v11 =	vand.u32 $0x7D, v4;
	v9 =	vld [tilespmem:s13+$0xFFFFFF10]  }
0x10a: {  	s7 =	simm.s32 $0x2;
	v12 =	vadd.s32 v0, v11;
	v4 =	vld [tilespmem:s13+$0xFFFFFF50]  }
0x10b: {  	v13 =	vmov s7  }
0x10c: {  	v13 =	vand.u32 $0x7E, v13  }
0x10d: {  	v15 =	vadd.s32 v0, v13;
	v14 =	vld [tilespmem:s13+$0xFFFFFF90];
	[tilespmem:v8+s22+$0x0] =	vst.idx.msk $0xffff, v7  }
0x10e: {  	v8 =	vadd.s32 v1, v5;
	[tilespmem:v10+s22+$0x0] =	vst.idx.msk $0xffff, v9;
	v7 =	vld [tilespmem:s13+$0xFFFFFFE0]  }
0x10f: {  	v10 =	vadd.s32 v1, v6;
	[tilespmem:v12+s22+$0x0] =	vst.idx.msk $0xffff, v4;
	v9 =	vld [tilespmem:s13+$0xFFFFFF20]  }
0x110: {  	v12 =	vadd.s32 v1, v11;
	v4 =	vld [tilespmem:s13+$0xFFFFFF60];
	_ =	sdelay $0x1  }
0x111: {  	[tilespmem:v15+s22+$0x0] =	vst.idx.msk $0xffff, v14  }
0x112: {  	v16 =	vadd.s32 v1, v13;
	v15 =	vld [tilespmem:s13+$0xFFFFFFA0];
	[tilespmem:v8+s22+$0x0] =	vst.idx.msk $0xffff, v7  }
0x113: {  	s8 =	simm.s32 $0x7;
	v14 =	vadd.s32 v2, v5;
	[tilespmem:v10+s22+$0x0] =	vst.idx.msk $0xffff, v9;
	v7 =	vld [tilespmem:s13+$0xFFFFFFF0]  }
0x114: {  	v10 =	vadd.s32 v2, v6;
	v8 =	vmov s8;
	[tilespmem:v12+s22+$0x0] =	vst.idx.msk $0xffff, v4;
	v9 =	vld [tilespmem:s13+$0xFFFFFF30]  }
0x115: {  	v17 =	vadd.s32 v2, v11;
	s6 =	simm.s32 $0x83F0;
	v8 =	vand.u32 $0x7F, v8;
	v12 =	vld [tilespmem:s13+$0xFFFFFF70]  }
0x116: {  	s15 =	simm.s32 $0x4;
	v18 =	vld [tilespmem:s6+$0xFFFFFFD0];
	v19 =	vadd.s32 v0, v8  }
0x117: {  	s17 =	simm.s32 $0x5;
	v4 =	vmov s15;
	[tilespmem:v16+s22+$0x0] =	vst.idx.msk $0xffff, v15  }
0x118: {  	v22 =	vmov s17;
	v4 =	vand.u32 $0x7C, v4;
	[tilespmem:v14+s22+$0x0] =	vst.idx.msk $0xffff, v7  }
0x119: {  	s18 =	simm.s32 $0x6;
	v20 =	vld [tilespmem:s6+$0xFFFFFF10];
	v21 =	vadd.s32 v0, v4;
	v7 =	vand.u32 $0x7D, v22;
	[tilespmem:v10+s22+$0x0] =	vst.idx.msk $0xffff, v9  }
0x11a: {  	v14 =	vmov s18;
	v9 =	vld [tilespmem:s6+$0xFFFFFF50];
	[tilespmem:v17+s22+$0x0] =	vst.idx.msk $0xffff, v12;
	v10 =	vadd.s32 v0, v7  }
0x11b: {  	v16 =	vadd.s32 v3, v5;
	v12 =	vld [tilespmem:s13+$0xFFFFFFB0];
	v5 =	vand.u32 $0x7E, v14;
	[tilespmem:v19+s22+$0x0] =	vst.idx.msk $0xffff, v18;
	v18 =	vadd.s32 v2, v13  }
0x11c: {  	v14 =	vld [tilespmem:s6+$0xFFFFFF90];
	v63 =	vadd.s32 v0, v5  }
0x11d: {  	v15 =	vld [tilespmem:s13+$0x0]  }
0x11e: {  	[tilespmem:v21+s22+$0x0] =	vst.idx.msk $0xffff, v20;
	v20 =	vadd.s32 v1, v8;
	v19 =	vld [tilespmem:s6+$0xFFFFFFE0]  }
0x11f: {  	v23 =	vadd.s32 v1, v4;
	v21 =	vld [tilespmem:s6+$0xFFFFFF20];
	[tilespmem:v10+s22+$0x0] =	vst.idx.msk $0xffff, v9  }
0x120: {  	v25 =	vadd.s32 v3, v11;
	v24 =	vld [tilespmem:s13+$0xFFFFFF80];
	[tilespmem:v18+s22+$0x0] =	vst.idx.msk $0xffff, v12  }
0x121: {  	v18 =	vadd.s32 v1, v7;
	v17 =	vld [tilespmem:s6+$0xFFFFFF60];
	[tilespmem:v63+s22+$0x0] =	vst.idx.msk $0xffff, v14  }
0x122: {  	[tilespmem:v16+s22+$0x0] =	vst.idx.msk $0xffff, v15;
	v16 =	vadd.s32 v1, v5;
	v15 =	vld [tilespmem:s6+$0xFFFFFFA0]  }
0x123: {  	[tilespmem:v20+s22+$0x0] =	vst.idx.msk $0xffff, v19;
	v11 =	vld [tilespmem:s13+$0xFFFFFFC0];
	v14 =	vadd.s32 v3, v13  }
0x124: {  	v12 =	vadd.s32 v2, v8;
	[tilespmem:v23+s22+$0x0] =	vst.idx.msk $0xffff, v21;
	v9 =	vld [tilespmem:s6+$0xFFFFFFF0]  }
0x125: {  	s7 =	simm.s32 $0xB;
	s17 =	simm.s32 $0xC;
	s15 =	simm.s32 $0x8;
	[tilespmem:v25+s22+$0x0] =	vst.idx.msk $0xffff, v24;
	v13 =	vadd.s32 v2, v4;
	v10 =	vld [tilespmem:s6+$0xFFFFFF30]  }
.LBB2_9:
0x126: {  	p1 =	slt.u32 s17, $0x7C;
	v19 =	vmov s7;
	[tilespmem:v18+s22+$0x0] =	vst.idx.msk $0xffff, v17;
	v17 =	vld [tilespmem:s13+$0xFFFFFF40];
	v18 =	vadd.s32 v3, v6;
	v6 =	vmov v4;
	s13 =	smov.u32 s6  }
0x127: {  	v4 =	vmov s15;
	v21 =	vadd.s32 v2, v7;
	s6 =	sadd.s32 $0x100, s6;
	v19 =	vand.u32 $0x7F, v19;
	v20 =	vld [tilespmem:s13+$0xFFFFFF70];
	[tilespmem:v16+s22+$0x0] =	vst.idx.msk $0xffff, v15  }
0x128: {  	s7 =	sadd.s32 $0x1, s15;
	v4 =	vand.u32 $0x7C, v4;
	v15 =	vld [tilespmem:s6+$0xFFFFFFD0];
	v16 =	vadd.s32 v0, v19;
	[tilespmem:v14+s22+$0x0] =	vst.idx.msk $0xffff, v11  }
0x129: {  	v22 =	vmov s7;
	s7 =	sadd.s32 $0x2, s15;
	s15 =	smov.u32 s17;
	v14 =	vadd.s32 v0, v4;
	v11 =	vld [tilespmem:s6+$0xFFFFFF10];
	[tilespmem:v12+s22+$0x0] =	vst.idx.msk $0xffff, v9  }
0x12a: {  	v9 =	vand.u32 $0x7D, v22;
	v12 =	vmov s7;
	[tilespmem:v13+s22+$0x0] =	vst.idx.msk $0xffff, v10;
	v10 =	vld [tilespmem:s13+$0x0];
	v13 =	vadd.s32 v3, v8;
	v8 =	vmovc v19  }
0x12b: {  	v22 =	vadd.s32 v0, v9;
	v12 =	vand.u32 $0x7E, v12;
	v19 =	vld [tilespmem:s6+$0xFFFFFF50];
	[tilespmem:v18+s22+$0x0] =	vst.idx.msk $0xffff, v17  }
0x12c: {  	v24 =	vadd.s32 v0, v12;
	v23 =	vld [tilespmem:s6+$0xFFFFFF90];
	[tilespmem:v21+s22+$0x0] =	vst.idx.msk $0xffff, v20  }
0x12d: {  	v21 =	vadd.s32 v2, v5;
	[tilespmem:v16+s22+$0x0] =	vst.idx.msk $0xffff, v15;
	v20 =	vld [tilespmem:s13+$0xFFFFFFB0]  }
0x12e: {  	[tilespmem:v14+s22+$0x0] =	vst.idx.msk $0xffff, v11;
	v11 =	vld [tilespmem:s6+$0xFFFFFFE0];
	v14 =	vadd.s32 v1, v8  }
0x12f: {  	v26 =	vadd.s32 v1, v4;
	v25 =	vld [tilespmem:s6+$0xFFFFFF20];
	[tilespmem:v13+s22+$0x0] =	vst.idx.msk $0xffff, v10  }
0x130: {  	[tilespmem:v22+s22+$0x0] =	vst.idx.msk $0xffff, v19;
	v19 =	vld [tilespmem:s13+$0xFFFFFF80];
	v22 =	vadd.s32 v3, v7;
	v7 =	vmov v9  }
.Ltmp5:
0x131: {  	v17 =	vld [tilespmem:s6+$0xFFFFFF60];
	v18 =	vadd.s32 v1, v7;
	[tilespmem:v24+s22+$0x0] =	vst.idx.msk $0xffff, v23;
	(pc) =	sbr.rel @p1 .LBB2_9-.Ltmp5, $4  }
0x132: {  	v16 =	vadd.s32 v1, v12;
	v15 =	vld [tilespmem:s6+$0xFFFFFFA0];
	[tilespmem:v21+s22+$0x0] =	vst.idx.msk $0xffff, v20  }
0x133: {  	[tilespmem:v14+s22+$0x0] =	vst.idx.msk $0xffff, v11;
	v11 =	vld [tilespmem:s13+$0xFFFFFFC0];
	v14 =	vadd.s32 v3, v5;
	v5 =	vmov v12  }
0x134: {  	v12 =	vadd.s32 v2, v8;
	[tilespmem:v26+s22+$0x0] =	vst.idx.msk $0xffff, v25;
	v9 =	vld [tilespmem:s6+$0xFFFFFFF0]  }
0x135: {  	s17 =	sadd.s32 $0x4, s17;
	s7 =	sadd.s32 $0x3, s15;
	v13 =	vadd.s32 v2, v4;
	v10 =	vld [tilespmem:s6+$0xFFFFFF30];
	[tilespmem:v22+s22+$0x0] =	vst.idx.msk $0xffff, v19  }
0x136: {  	_ =	sdelay $0x2  }
0x137: {  	v19 =	vmov s7  }
0x138: {  	s18 =	sadd.s32 $0x1, s15;
	[tilespmem:v18+s22+$0x0] =	vst.idx.msk $0xffff, v17;
	v30 =	vld [tilespmem:s13+$0xFFFFFF40];
	v6 =	vadd.s32 v3, v6;
	s8 =	sadd.s32 $0x100, s6;
	v21 =	vmov s15;
	v31 =	vand.u32 $0x7F, v19  }
0x139: {  	s17 =	sadd.s32 $0x2, s15;
	v32 =	vmov s18;
	[tilespmem:v16+s22+$0x0] =	vst.idx.msk $0xffff, v15;
	v33 =	vld [tilespmem:s8+$0xFFFFFFD0];
	v21 =	vand.u32 $0x7C, v21;
	v34 =	vadd.s32 v0, v31  }
0x13a: {  	v20 =	vmov s17;
	v22 =	vld [tilespmem:s8+$0xFFFFFF10];
	v19 =	vand.u32 $0x7D, v32;
	[tilespmem:v14+s22+$0x0] =	vst.idx.msk $0xffff, v11;
	v39 =	vadd.s32 v0, v21  }
0x13b: {  	v35 =	vld [tilespmem:s8+$0xFFFFFF50];
	v20 =	vand.u32 $0x7E, v20;
	v36 =	vadd.s32 v0, v19;
	[tilespmem:v12+s22+$0x0] =	vst.idx.msk $0xffff, v9  }
0x13c: {  	v37 =	vld [tilespmem:s8+$0xFFFFFF90];
	v38 =	vadd.s32 v0, v20;
	[tilespmem:v13+s22+$0x0] =	vst.idx.msk $0xffff, v10  }
0x13d: {  	v41 =	vadd.s32 v2, v7;
	v40 =	vld [tilespmem:s6+$0xFFFFFF70];
	[tilespmem:v6+s22+$0x0] =	vst.idx.msk $0xffff, v30  }
0x13e: {  	v49 =	vadd.s32 v2, v5;
	v48 =	vld [tilespmem:s6+$0xFFFFFFB0];
	[tilespmem:v34+s22+$0x0] =	vst.idx.msk $0xffff, v33  }
0x13f: {  	v43 =	vadd.s32 v1, v31;
	[tilespmem:v39+s22+$0x0] =	vst.idx.msk $0xffff, v22;
	v15 =	vld [tilespmem:s8+$0xFFFFFFE0]  }
0x140: {  	v47 =	vadd.s32 v1, v21;
	[tilespmem:v36+s22+$0x0] =	vst.idx.msk $0xffff, v35;
	v46 =	vld [tilespmem:s8+$0xFFFFFF20]  }
0x141: {  	v44 =	vadd.s32 v1, v19;
	[tilespmem:v38+s22+$0x0] =	vst.idx.msk $0xffff, v37;
	v11 =	vld [tilespmem:s8+$0xFFFFFF60]  }
0x142: {  	v45 =	vadd.s32 v1, v20;
	[tilespmem:v41+s22+$0x0] =	vst.idx.msk $0xffff, v40;
	v9 =	vld [tilespmem:s8+$0xFFFFFFA0]  }
0x143: {  	v8 =	vadd.s32 v3, v8;
	v42 =	vld [tilespmem:s6+$0x0];
	[tilespmem:v49+s22+$0x0] =	vst.idx.msk $0xffff, v48  }
0x144: {  	v5 =	vadd.s32 v3, v5;
	v13 =	vld [tilespmem:s6+$0xFFFFFFC0];
	[tilespmem:v43+s22+$0x0] =	vst.idx.msk $0xffff, v15  }
0x145: {  	v52 =	vadd.s32 v2, v31;
	[tilespmem:v47+s22+$0x0] =	vst.idx.msk $0xffff, v46;
	v15 =	vld [tilespmem:s8+$0xFFFFFFF0]  }
0x146: {  	v57 =	vadd.s32 v2, v21;
	[tilespmem:v44+s22+$0x0] =	vst.idx.msk $0xffff, v11;
	v56 =	vld [tilespmem:s8+$0xFFFFFF30]  }
0x147: {  	v53 =	vadd.s32 v2, v19;
	[tilespmem:v45+s22+$0x0] =	vst.idx.msk $0xffff, v9;
	v11 =	vld [tilespmem:s8+$0xFFFFFF70]  }
0x148: {  	v55 =	vadd.s32 v2, v20;
	[tilespmem:v8+s22+$0x0] =	vst.idx.msk $0xffff, v42;
	v54 =	vld [tilespmem:s8+$0xFFFFFFB0]  }
0x149: {  	v4 =	vadd.s32 v3, v4;
	v58 =	vld [tilespmem:s6+$0xFFFFFF40];
	[tilespmem:v5+s22+$0x0] =	vst.idx.msk $0xffff, v13  }
0x14a: {  	v51 =	vadd.s32 v3, v7;
	v50 =	vld [tilespmem:s6+$0xFFFFFF80];
	[tilespmem:v52+s22+$0x0] =	vst.idx.msk $0xffff, v15  }
0x14b: {  	v60 =	vadd.s32 v3, v31;
	[tilespmem:v57+s22+$0x0] =	vst.idx.msk $0xffff, v56;
	v59 =	vld [tilespmem:s8+$0x0]  }
0x14c: {  	v63 =	vadd.s32 v3, v21;
	[tilespmem:v53+s22+$0x0] =	vst.idx.msk $0xffff, v11;
	v5 =	vld [tilespmem:s8+$0xFFFFFF40]  }
0x14d: {  	v61 =	vadd.s32 v3, v19;
	[tilespmem:v55+s22+$0x0] =	vst.idx.msk $0xffff, v54;
	v11 =	vld [tilespmem:s8+$0xFFFFFF80]  }
0x14e: {  	v62 =	vadd.s32 v3, v20;
	[tilespmem:v4+s22+$0x0] =	vst.idx.msk $0xffff, v58;
	v6 =	vld [tilespmem:s8+$0xFFFFFFC0]  }
0x14f: {  	[tilespmem:v51+s22+$0x0] =	vst.idx.msk $0xffff, v50  }
0x150: {  	[tilespmem:v60+s22+$0x0] =	vst.idx.msk $0xffff, v59  }
0x151: {  	s18 =	sadd.s32 s20, s16;
	[tilespmem:v63+s22+$0x0] =	vst.idx.msk $0xffff, v5  }
0x152: {  	s6 =	sshrl.u32 s18, $0x3;
	[tilespmem:v61+s22+$0x0] =	vst.idx.msk $0xffff, v11  }
0x153: {  	s7 =	simm.s32 $0x12400;
	s8 =	sadd.s32 s2, s6;
	[tilespmem:v62+s22+$0x0] =	vst.idx.msk $0xffff, v6  }
0x154: {  	[hbm4b:s8+s3] =	stream.linear.scatter [tilespmem:s7], [sflag:$0x7], $0x80, $0x38;
	[tilespmem:$0x1AC00] =	vst v63  }
0x155: {  	s13 =	simm.s32 $0x12488;
	s15 =	sadd.s32 $0x10, s8  }
0x156: {  	[hbm4b:s15+s3] =	stream.linear.scatter [tilespmem:s13], [sflag:$0x7], $0x80, $0x38;
	[tilespmem:$0x1AC00] =	vst v63  }
0x157: {  	s17 =	simm.s32 $0x12510;
	s18 =	sadd.s32 $0x20, s8  }
0x158: {  	[hbm4b:s18+s3] =	stream.linear.scatter [tilespmem:s17], [sflag:$0x7], $0x80, $0x38;
	[tilespmem:$0x1AC00] =	vst v63  }
0x159: {  	s13 =	simm.s32 $0x12598;
	s15 =	sadd.s32 $0x30, s8  }
0x15a: {  	[hbm4b:s15+s3] =	stream.linear.scatter [tilespmem:s13], [sflag:$0x7], $0x80, $0x38;
	[tilespmem:$0x1AC00] =	vst v63  }
0x15b: {  	s17 =	simm.s32 $0x12620;
	s18 =	sadd.s32 $0x40, s8  }
0x15c: {  	[hbm4b:s18+s3] =	stream.linear.scatter [tilespmem:s17], [sflag:$0x7], $0x80, $0x38;
	[tilespmem:$0x1AC00] =	vst v63  }
0x15d: {  	s6 =	simm.s32 $0x440;
	s13 =	simm.s32 $0x126A8;
	s15 =	sadd.s32 $0x50, s8  }
0x15e: {  	[hbm4b:s15+s3] =	stream.linear.scatter [tilespmem:s13], [sflag:$0x7], $0x80, $0x38;
	[tilespmem:$0x1AC00] =	vst v63  }
0x15f: {  	s7 =	simm.s32 $0x2200;
	s17 =	simm.s32 $0x12730;
	s18 =	sadd.s32 $0x60, s8  }
0x160: {  	[hbm4b:s18+s3] =	stream.linear.scatter [tilespmem:s17], [sflag:$0x7], $0x80, $0x38;
	[tilespmem:$0x1AC00] =	vst v63  }
0x161: {  	s15 =	simm.s32 $0x127B8;
	s13 =	sadd.s32 $0x1000, s8;
	s17 =	sadd.s32 $0x70, s8  }
.LBB2_11:
0x162: {  	[hbm4b:s17+s3] =	stream.linear.scatter [tilespmem:s15], [sflag:$0x7], $0x80, $0x38;
	[tilespmem:$0x1AC00] =	vst v63  }
0x163: {  	s8 =	smov.u32 s6;
	s6 =	smov.u32 s7  }
0x164: {  	s18 =	sadd.s32 $0x1100, s7;
	s6 =	sshra.s32 s6, $0x2;
	s15 =	sadd.s32 $0x12400, s8  }
0x165: {  	[hbm4b:s13+s3] =	stream.linear.scatter [tilespmem:s15], [sflag:$0x7], $0x80, $0x38;
	[tilespmem:$0x1AC00] =	vst v63  }
0x166: {  	p1 =	sne.s32 s7, $0x7700;
	s7 =	sadd.s32 $0x12488, s8;
	s15 =	sadd.s32 $0x10, s13  }
0x167: {  	[hbm4b:s15+s3] =	stream.linear.scatter [tilespmem:s7], [sflag:$0x7], $0x80, $0x38;
	[tilespmem:$0x1AC00] =	vst v63  }
0x168: {  	s7 =	sadd.s32 $0x12510, s8;
	s15 =	sadd.s32 $0x20, s13  }
0x169: {  	[hbm4b:s15+s3] =	stream.linear.scatter [tilespmem:s7], [sflag:$0x7], $0x80, $0x38;
	[tilespmem:$0x1AC00] =	vst v63  }
0x16a: {  	s7 =	sadd.s32 $0x12598, s8;
	s15 =	sadd.s32 $0x30, s13  }
0x16b: {  	[hbm4b:s15+s3] =	stream.linear.scatter [tilespmem:s7], [sflag:$0x7], $0x80, $0x38;
	[tilespmem:$0x1AC00] =	vst v63  }
0x16c: {  	s7 =	sadd.s32 $0x12620, s8;
	s15 =	sadd.s32 $0x40, s13  }
0x16d: {  	[hbm4b:s15+s3] =	stream.linear.scatter [tilespmem:s7], [sflag:$0x7], $0x80, $0x38;
	[tilespmem:$0x1AC00] =	vst v63  }
.Ltmp6:
0x16e: {  	s7 =	sadd.s32 $0x126A8, s8;
	s15 =	sadd.s32 $0x50, s13;
	(pc) =	sbr.rel @p1 .LBB2_11-.Ltmp6, $4  }
0x16f: {  	[hbm4b:s15+s3] =	stream.linear.scatter [tilespmem:s7], [sflag:$0x7], $0x80, $0x38;
	[tilespmem:$0x1AC00] =	vst v63  }
0x170: {  	s17 =	sadd.s32 $0x70, s13;
	s7 =	sadd.s32 $0x12730, s8;
	s15 =	sadd.s32 $0x60, s13  }
0x171: {  	[hbm4b:s15+s3] =	stream.linear.scatter [tilespmem:s7], [sflag:$0x7], $0x80, $0x38;
	[tilespmem:$0x1AC00] =	vst v63  }
0x172: {  	s13 =	sadd.s32 $0x1000, s13;
	s15 =	sadd.s32 $0x127B8, s8;
	s7 =	smov.u32 s18  }
0x173: {  	[hbm4b:s17+s3] =	stream.linear.scatter [tilespmem:s15], [sflag:$0x7], $0x80, $0x38;
	[tilespmem:$0x1AC00] =	vst v63  }
0x174: {  	s7 =	sadd.s32 $0x12400, s6  }
0x175: {  	[hbm4b:s13+s3] =	stream.linear.scatter [tilespmem:s7], [sflag:$0x7], $0x80, $0x38;
	[tilespmem:$0x1AC00] =	vst v63  }
0x176: {  	s15 =	sadd.s32 $0x12488, s6;
	s8 =	sadd.s32 $0x10, s13  }
0x177: {  	[hbm4b:s8+s3] =	stream.linear.scatter [tilespmem:s15], [sflag:$0x7], $0x80, $0x38;
	[tilespmem:$0x1AC00] =	vst v63  }
0x178: {  	s17 =	sadd.s32 $0x12510, s6;
	s18 =	sadd.s32 $0x20, s13  }
0x179: {  	[hbm4b:s18+s3] =	stream.linear.scatter [tilespmem:s17], [sflag:$0x7], $0x80, $0x38;
	[tilespmem:$0x1AC00] =	vst v63  }
0x17a: {  	s8 =	sadd.s32 $0x12598, s6;
	s15 =	sadd.s32 $0x30, s13  }
0x17b: {  	[hbm4b:s15+s3] =	stream.linear.scatter [tilespmem:s8], [sflag:$0x7], $0x80, $0x38;
	[tilespmem:$0x1AC00] =	vst v63  }
0x17c: {  	s17 =	sadd.s32 $0x12620, s6;
	s18 =	sadd.s32 $0x40, s13  }
0x17d: {  	[hbm4b:s18+s3] =	stream.linear.scatter [tilespmem:s17], [sflag:$0x7], $0x80, $0x38;
	[tilespmem:$0x1AC00] =	vst v63  }
0x17e: {  	s8 =	sadd.s32 $0x126A8, s6;
	s15 =	sadd.s32 $0x50, s13  }
0x17f: {  	[hbm4b:s15+s3] =	stream.linear.scatter [tilespmem:s8], [sflag:$0x7], $0x80, $0x38;
	[tilespmem:$0x1AC00] =	vst v63  }
0x180: {  	s0 =	sadd.s32 $0x4, s0;
	s17 =	sadd.s32 $0x12730, s6;
	s18 =	sadd.s32 $0x60, s13  }
0x181: {  	[hbm4b:s18+s3] =	stream.linear.scatter [tilespmem:s17], [sflag:$0x7], $0x80, $0x38;
	[tilespmem:$0x1AC00] =	vst v63  }
0x182: {  	s15 =	sadd.s32 $0x127B8, s6;
	s17 =	sadd.s32 $0x70, s13;
	s18 =	smul.u32 $0x220, s0  }
0x183: {  	[hbm4b:s17+s3] =	stream.linear.scatter [tilespmem:s15], [sflag:$0x7], $0x80, $0x38;
	[tilespmem:$0x1AC00] =	vst v63  }
0x184: {  	s8 =	sshra.s32 s18, $0x2  }
0x185: {  	s13 =	simm.s32 $0xE200;
	s6 =	sadd.s32 $0x4000, s8  }
0x186: {  	[tilespmem:s13], [sflag:$0x5] =	stream.indirect.gather [hbm4b:s4+s12], $0x40, s6, s12, $0xb8;
	[tilespmem:$0x1AC00] =	vst v63  }
0x187: {  	_ =	swait.ge [sflag:s24], $0x2000  }
0x188: {  	[sflag:s24] =	ssyncset.done $0x0  }
0x189: {  	s6 =	simm.s32 @!p0 $0x8;
	[sflag:s24] =	ssyncadd.s32 $0xFFFFE000  }
0x18a: {  	s15 =	simm.s32 $0x3;
	_ =	swait.ge @!p0 [sflag:s6], $0x2000  }
0x18b: {  	s17 =	simm.s32 $0x0;
	v4 =	vmov s15;
	[sflag:s6] =	ssyncset.done @!p0 $0x0  }
0x18c: {  	s18 =	simm.s32 $0x1;
	s13 =	simm.s32 $0xA2F0;
	v5 =	vand.u32 $0x7F, v4;
	v4 =	vmov s17;
	[sflag:s6] =	ssyncadd.s32 @!p0 $0xFFFFE000  }
0x18d: {  	v8 =	vadd.s32 v0, v5;
	v6 =	vand.u32 $0x7C, v4;
	v4 =	vmov s18;
	v7 =	vld [tilespmem:s13+$0xFFFFFFD0]  }
0x18e: {  	v10 =	vadd.s32 v0, v6;
	v11 =	vand.u32 $0x7D, v4;
	v9 =	vld [tilespmem:s13+$0xFFFFFF10]  }
0x18f: {  	s7 =	simm.s32 $0x2;
	v12 =	vadd.s32 v0, v11;
	v4 =	vld [tilespmem:s13+$0xFFFFFF50]  }
0x190: {  	v13 =	vmov s7  }
0x191: {  	v13 =	vand.u32 $0x7E, v13  }
0x192: {  	v15 =	vadd.s32 v0, v13;
	v14 =	vld [tilespmem:s13+$0xFFFFFF90];
	[tilespmem:v8+s25+$0x0] =	vst.idx.msk $0xffff, v7  }
0x193: {  	v8 =	vadd.s32 v1, v5;
	[tilespmem:v10+s25+$0x0] =	vst.idx.msk $0xffff, v9;
	v7 =	vld [tilespmem:s13+$0xFFFFFFE0]  }
0x194: {  	v10 =	vadd.s32 v1, v6;
	[tilespmem:v12+s25+$0x0] =	vst.idx.msk $0xffff, v4;
	v9 =	vld [tilespmem:s13+$0xFFFFFF20]  }
0x195: {  	v12 =	vadd.s32 v1, v11;
	v4 =	vld [tilespmem:s13+$0xFFFFFF60];
	_ =	sdelay $0x1  }
0x196: {  	[tilespmem:v15+s25+$0x0] =	vst.idx.msk $0xffff, v14  }
0x197: {  	v16 =	vadd.s32 v1, v13;
	v15 =	vld [tilespmem:s13+$0xFFFFFFA0];
	[tilespmem:v8+s25+$0x0] =	vst.idx.msk $0xffff, v7  }
0x198: {  	s8 =	simm.s32 $0x7;
	v14 =	vadd.s32 v2, v5;
	[tilespmem:v10+s25+$0x0] =	vst.idx.msk $0xffff, v9;
	v7 =	vld [tilespmem:s13+$0xFFFFFFF0]  }
0x199: {  	v10 =	vadd.s32 v2, v6;
	v8 =	vmov s8;
	[tilespmem:v12+s25+$0x0] =	vst.idx.msk $0xffff, v4;
	v9 =	vld [tilespmem:s13+$0xFFFFFF30]  }
0x19a: {  	v17 =	vadd.s32 v2, v11;
	s6 =	simm.s32 $0xA3F0;
	v8 =	vand.u32 $0x7F, v8;
	v12 =	vld [tilespmem:s13+$0xFFFFFF70]  }
0x19b: {  	s15 =	simm.s32 $0x4;
	v18 =	vld [tilespmem:s6+$0xFFFFFFD0];
	v19 =	vadd.s32 v0, v8  }
0x19c: {  	s17 =	simm.s32 $0x5;
	v4 =	vmov s15;
	[tilespmem:v16+s25+$0x0] =	vst.idx.msk $0xffff, v15  }
0x19d: {  	v22 =	vmov s17;
	v4 =	vand.u32 $0x7C, v4;
	[tilespmem:v14+s25+$0x0] =	vst.idx.msk $0xffff, v7  }
0x19e: {  	s18 =	simm.s32 $0x6;
	v20 =	vld [tilespmem:s6+$0xFFFFFF10];
	v21 =	vadd.s32 v0, v4;
	v7 =	vand.u32 $0x7D, v22;
	[tilespmem:v10+s25+$0x0] =	vst.idx.msk $0xffff, v9  }
0x19f: {  	v14 =	vmov s18;
	v9 =	vld [tilespmem:s6+$0xFFFFFF50];
	[tilespmem:v17+s25+$0x0] =	vst.idx.msk $0xffff, v12;
	v10 =	vadd.s32 v0, v7  }
0x1a0: {  	v16 =	vadd.s32 v3, v5;
	v12 =	vld [tilespmem:s13+$0xFFFFFFB0];
	v5 =	vand.u32 $0x7E, v14;
	[tilespmem:v19+s25+$0x0] =	vst.idx.msk $0xffff, v18;
	v18 =	vadd.s32 v2, v13  }
0x1a1: {  	v14 =	vld [tilespmem:s6+$0xFFFFFF90];
	v63 =	vadd.s32 v0, v5  }
0x1a2: {  	v15 =	vld [tilespmem:s13+$0x0]  }
0x1a3: {  	[tilespmem:v21+s25+$0x0] =	vst.idx.msk $0xffff, v20;
	v20 =	vadd.s32 v1, v8;
	v19 =	vld [tilespmem:s6+$0xFFFFFFE0]  }
0x1a4: {  	v23 =	vadd.s32 v1, v4;
	v21 =	vld [tilespmem:s6+$0xFFFFFF20];
	[tilespmem:v10+s25+$0x0] =	vst.idx.msk $0xffff, v9  }
0x1a5: {  	v25 =	vadd.s32 v3, v11;
	v24 =	vld [tilespmem:s13+$0xFFFFFF80];
	[tilespmem:v18+s25+$0x0] =	vst.idx.msk $0xffff, v12  }
0x1a6: {  	v18 =	vadd.s32 v1, v7;
	v17 =	vld [tilespmem:s6+$0xFFFFFF60];
	[tilespmem:v63+s25+$0x0] =	vst.idx.msk $0xffff, v14  }
0x1a7: {  	[tilespmem:v16+s25+$0x0] =	vst.idx.msk $0xffff, v15;
	v16 =	vadd.s32 v1, v5;
	v15 =	vld [tilespmem:s6+$0xFFFFFFA0]  }
0x1a8: {  	[tilespmem:v20+s25+$0x0] =	vst.idx.msk $0xffff, v19;
	v11 =	vld [tilespmem:s13+$0xFFFFFFC0];
	v14 =	vadd.s32 v3, v13  }
0x1a9: {  	v12 =	vadd.s32 v2, v8;
	[tilespmem:v23+s25+$0x0] =	vst.idx.msk $0xffff, v21;
	v9 =	vld [tilespmem:s6+$0xFFFFFFF0]  }
0x1aa: {  	s7 =	simm.s32 $0xB;
	s17 =	simm.s32 $0xC;
	s15 =	simm.s32 $0x8;
	[tilespmem:v25+s25+$0x0] =	vst.idx.msk $0xffff, v24;
	v13 =	vadd.s32 v2, v4;
	v10 =	vld [tilespmem:s6+$0xFFFFFF30]  }
.LBB2_13:
0x1ab: {  	p1 =	slt.u32 s17, $0x7C;
	v19 =	vmov s7;
	[tilespmem:v18+s25+$0x0] =	vst.idx.msk $0xffff, v17;
	v17 =	vld [tilespmem:s13+$0xFFFFFF40];
	v18 =	vadd.s32 v3, v6;
	v6 =	vmov v4;
	s13 =	smov.u32 s6  }
0x1ac: {  	v4 =	vmov s15;
	v21 =	vadd.s32 v2, v7;
	s6 =	sadd.s32 $0x100, s6;
	v19 =	vand.u32 $0x7F, v19;
	v20 =	vld [tilespmem:s13+$0xFFFFFF70];
	[tilespmem:v16+s25+$0x0] =	vst.idx.msk $0xffff, v15  }
0x1ad: {  	s7 =	sadd.s32 $0x1, s15;
	v4 =	vand.u32 $0x7C, v4;
	v15 =	vld [tilespmem:s6+$0xFFFFFFD0];
	v16 =	vadd.s32 v0, v19;
	[tilespmem:v14+s25+$0x0] =	vst.idx.msk $0xffff, v11  }
0x1ae: {  	v22 =	vmov s7;
	s7 =	sadd.s32 $0x2, s15;
	s15 =	smov.u32 s17;
	v14 =	vadd.s32 v0, v4;
	v11 =	vld [tilespmem:s6+$0xFFFFFF10];
	[tilespmem:v12+s25+$0x0] =	vst.idx.msk $0xffff, v9  }
0x1af: {  	v9 =	vand.u32 $0x7D, v22;
	v12 =	vmov s7;
	[tilespmem:v13+s25+$0x0] =	vst.idx.msk $0xffff, v10;
	v10 =	vld [tilespmem:s13+$0x0];
	v13 =	vadd.s32 v3, v8;
	v8 =	vmovc v19  }
0x1b0: {  	v22 =	vadd.s32 v0, v9;
	v12 =	vand.u32 $0x7E, v12;
	v19 =	vld [tilespmem:s6+$0xFFFFFF50];
	[tilespmem:v18+s25+$0x0] =	vst.idx.msk $0xffff, v17  }
0x1b1: {  	v24 =	vadd.s32 v0, v12;
	v23 =	vld [tilespmem:s6+$0xFFFFFF90];
	[tilespmem:v21+s25+$0x0] =	vst.idx.msk $0xffff, v20  }
0x1b2: {  	v21 =	vadd.s32 v2, v5;
	[tilespmem:v16+s25+$0x0] =	vst.idx.msk $0xffff, v15;
	v20 =	vld [tilespmem:s13+$0xFFFFFFB0]  }
0x1b3: {  	[tilespmem:v14+s25+$0x0] =	vst.idx.msk $0xffff, v11;
	v11 =	vld [tilespmem:s6+$0xFFFFFFE0];
	v14 =	vadd.s32 v1, v8  }
0x1b4: {  	v26 =	vadd.s32 v1, v4;
	v25 =	vld [tilespmem:s6+$0xFFFFFF20];
	[tilespmem:v13+s25+$0x0] =	vst.idx.msk $0xffff, v10  }
0x1b5: {  	[tilespmem:v22+s25+$0x0] =	vst.idx.msk $0xffff, v19;
	v19 =	vld [tilespmem:s13+$0xFFFFFF80];
	v22 =	vadd.s32 v3, v7;
	v7 =	vmov v9  }
.Ltmp7:
0x1b6: {  	v17 =	vld [tilespmem:s6+$0xFFFFFF60];
	v18 =	vadd.s32 v1, v7;
	[tilespmem:v24+s25+$0x0] =	vst.idx.msk $0xffff, v23;
	(pc) =	sbr.rel @p1 .LBB2_13-.Ltmp7, $4  }
0x1b7: {  	v16 =	vadd.s32 v1, v12;
	v15 =	vld [tilespmem:s6+$0xFFFFFFA0];
	[tilespmem:v21+s25+$0x0] =	vst.idx.msk $0xffff, v20  }
0x1b8: {  	[tilespmem:v14+s25+$0x0] =	vst.idx.msk $0xffff, v11;
	v11 =	vld [tilespmem:s13+$0xFFFFFFC0];
	v14 =	vadd.s32 v3, v5;
	v5 =	vmov v12  }
0x1b9: {  	v12 =	vadd.s32 v2, v8;
	[tilespmem:v26+s25+$0x0] =	vst.idx.msk $0xffff, v25;
	v9 =	vld [tilespmem:s6+$0xFFFFFFF0]  }
0x1ba: {  	s17 =	sadd.s32 $0x4, s17;
	s7 =	sadd.s32 $0x3, s15;
	v13 =	vadd.s32 v2, v4;
	v10 =	vld [tilespmem:s6+$0xFFFFFF30];
	[tilespmem:v22+s25+$0x0] =	vst.idx.msk $0xffff, v19  }
0x1bb: {  	_ =	sdelay $0x2  }
0x1bc: {  	v19 =	vmov s7  }
0x1bd: {  	s17 =	sadd.s32 $0x1, s15;
	[tilespmem:v18+s25+$0x0] =	vst.idx.msk $0xffff, v17;
	v30 =	vld [tilespmem:s13+$0xFFFFFF40];
	v6 =	vadd.s32 v3, v6;
	s18 =	sadd.s32 $0x100, s6;
	v21 =	vmov s15;
	v31 =	vand.u32 $0x7F, v19  }
0x1be: {  	s8 =	sadd.s32 $0x2, s15;
	v32 =	vmov s17;
	[tilespmem:v16+s25+$0x0] =	vst.idx.msk $0xffff, v15;
	v33 =	vld [tilespmem:s18+$0xFFFFFFD0];
	v21 =	vand.u32 $0x7C, v21;
	v34 =	vadd.s32 v0, v31  }
0x1bf: {  	v20 =	vmov s8;
	v22 =	vld [tilespmem:s18+$0xFFFFFF10];
	v19 =	vand.u32 $0x7D, v32;
	[tilespmem:v14+s25+$0x0] =	vst.idx.msk $0xffff, v11;
	v39 =	vadd.s32 v0, v21  }
0x1c0: {  	v35 =	vld [tilespmem:s18+$0xFFFFFF50];
	v20 =	vand.u32 $0x7E, v20;
	v36 =	vadd.s32 v0, v19;
	[tilespmem:v12+s25+$0x0] =	vst.idx.msk $0xffff, v9  }
0x1c1: {  	v37 =	vld [tilespmem:s18+$0xFFFFFF90];
	v38 =	vadd.s32 v0, v20;
	[tilespmem:v13+s25+$0x0] =	vst.idx.msk $0xffff, v10  }
0x1c2: {  	v41 =	vadd.s32 v2, v7;
	v40 =	vld [tilespmem:s6+$0xFFFFFF70];
	[tilespmem:v6+s25+$0x0] =	vst.idx.msk $0xffff, v30  }
0x1c3: {  	v49 =	vadd.s32 v2, v5;
	v48 =	vld [tilespmem:s6+$0xFFFFFFB0];
	[tilespmem:v34+s25+$0x0] =	vst.idx.msk $0xffff, v33  }
0x1c4: {  	v43 =	vadd.s32 v1, v31;
	[tilespmem:v39+s25+$0x0] =	vst.idx.msk $0xffff, v22;
	v15 =	vld [tilespmem:s18+$0xFFFFFFE0]  }
0x1c5: {  	v47 =	vadd.s32 v1, v21;
	[tilespmem:v36+s25+$0x0] =	vst.idx.msk $0xffff, v35;
	v46 =	vld [tilespmem:s18+$0xFFFFFF20]  }
0x1c6: {  	v44 =	vadd.s32 v1, v19;
	[tilespmem:v38+s25+$0x0] =	vst.idx.msk $0xffff, v37;
	v11 =	vld [tilespmem:s18+$0xFFFFFF60]  }
0x1c7: {  	v45 =	vadd.s32 v1, v20;
	[tilespmem:v41+s25+$0x0] =	vst.idx.msk $0xffff, v40;
	v9 =	vld [tilespmem:s18+$0xFFFFFFA0]  }
0x1c8: {  	v8 =	vadd.s32 v3, v8;
	v42 =	vld [tilespmem:s6+$0x0];
	[tilespmem:v49+s25+$0x0] =	vst.idx.msk $0xffff, v48  }
0x1c9: {  	v5 =	vadd.s32 v3, v5;
	v13 =	vld [tilespmem:s6+$0xFFFFFFC0];
	[tilespmem:v43+s25+$0x0] =	vst.idx.msk $0xffff, v15  }
0x1ca: {  	v52 =	vadd.s32 v2, v31;
	[tilespmem:v47+s25+$0x0] =	vst.idx.msk $0xffff, v46;
	v15 =	vld [tilespmem:s18+$0xFFFFFFF0]  }
0x1cb: {  	v57 =	vadd.s32 v2, v21;
	[tilespmem:v44+s25+$0x0] =	vst.idx.msk $0xffff, v11;
	v56 =	vld [tilespmem:s18+$0xFFFFFF30]  }
0x1cc: {  	v53 =	vadd.s32 v2, v19;
	[tilespmem:v45+s25+$0x0] =	vst.idx.msk $0xffff, v9;
	v11 =	vld [tilespmem:s18+$0xFFFFFF70]  }
0x1cd: {  	v55 =	vadd.s32 v2, v20;
	[tilespmem:v8+s25+$0x0] =	vst.idx.msk $0xffff, v42;
	v54 =	vld [tilespmem:s18+$0xFFFFFFB0]  }
0x1ce: {  	v4 =	vadd.s32 v3, v4;
	v58 =	vld [tilespmem:s6+$0xFFFFFF40];
	[tilespmem:v5+s25+$0x0] =	vst.idx.msk $0xffff, v13  }
0x1cf: {  	v51 =	vadd.s32 v3, v7;
	v50 =	vld [tilespmem:s6+$0xFFFFFF80];
	[tilespmem:v52+s25+$0x0] =	vst.idx.msk $0xffff, v15  }
0x1d0: {  	v60 =	vadd.s32 v3, v31;
	[tilespmem:v57+s25+$0x0] =	vst.idx.msk $0xffff, v56;
	v59 =	vld [tilespmem:s18+$0x0]  }
0x1d1: {  	v63 =	vadd.s32 v3, v21;
	[tilespmem:v53+s25+$0x0] =	vst.idx.msk $0xffff, v11;
	v5 =	vld [tilespmem:s18+$0xFFFFFF40]  }
0x1d2: {  	v61 =	vadd.s32 v3, v19;
	[tilespmem:v55+s25+$0x0] =	vst.idx.msk $0xffff, v54;
	v11 =	vld [tilespmem:s18+$0xFFFFFF80]  }
0x1d3: {  	v62 =	vadd.s32 v3, v20;
	[tilespmem:v4+s25+$0x0] =	vst.idx.msk $0xffff, v58;
	v6 =	vld [tilespmem:s18+$0xFFFFFFC0]  }
0x1d4: {  	[tilespmem:v51+s25+$0x0] =	vst.idx.msk $0xffff, v50  }
0x1d5: {  	[tilespmem:v60+s25+$0x0] =	vst.idx.msk $0xffff, v59  }
0x1d6: {  	s17 =	sadd.s32 s21, s16;
	[tilespmem:v63+s25+$0x0] =	vst.idx.msk $0xffff, v5  }
0x1d7: {  	s6 =	sshrl.u32 s17, $0x3;
	[tilespmem:v61+s25+$0x0] =	vst.idx.msk $0xffff, v11  }
0x1d8: {  	s8 =	sadd.s32 s2, s6;
	s18 =	simm.s32 $0x14600;
	[tilespmem:v62+s25+$0x0] =	vst.idx.msk $0xffff, v6  }
0x1d9: {  	[hbm4b:s8+s3] =	stream.linear.scatter [tilespmem:s18], [sflag:$0x8], $0x80, $0x38;
	[tilespmem:$0x1AC00] =	vst v63  }
0x1da: {  	s7 =	simm.s32 $0x14688;
	s13 =	sadd.s32 $0x10, s8  }
0x1db: {  	[hbm4b:s13+s3] =	stream.linear.scatter [tilespmem:s7], [sflag:$0x8], $0x80, $0x38;
	[tilespmem:$0x1AC00] =	vst v63  }
0x1dc: {  	s15 =	simm.s32 $0x14710;
	s17 =	simm.s32 $0x14798;
	s16 =	sadd.s32 $0x20, s8  }
0x1dd: {  	[hbm4b:s16+s3] =	stream.linear.scatter [tilespmem:s15], [sflag:$0x8], $0x80, $0x38;
	[tilespmem:$0x1AC00] =	vst v63  }
0x1de: {  	s6 =	simm.s32 $0x440;
	s18 =	sadd.s32 $0x30, s8;
	s7 =	simm.s32 $0x14820  }
0x1df: {  	[hbm4b:s18+s3] =	stream.linear.scatter [tilespmem:s17], [sflag:$0x8], $0x80, $0x38;
	[tilespmem:$0x1AC00] =	vst v63  }
0x1e0: {  	s13 =	sadd.s32 $0x40, s8;
	s15 =	simm.s32 $0x148A8;
	s16 =	sadd.s32 $0x50, s8  }
0x1e1: {  	[hbm4b:s13+s3] =	stream.linear.scatter [tilespmem:s7], [sflag:$0x8], $0x80, $0x38;
	[tilespmem:$0x1AC00] =	vst v63  }
0x1e2: {  	s17 =	simm.s32 $0x14930;
	s18 =	sadd.s32 $0x60, s8;
	s7 =	simm.s32 $0x2200  }
0x1e3: {  	[hbm4b:s16+s3] =	stream.linear.scatter [tilespmem:s15], [sflag:$0x8], $0x80, $0x38;
	[tilespmem:$0x1AC00] =	vst v63  }
0x1e4: {  	s13 =	sadd.s32 $0x1000, s8;
	s15 =	simm.s32 $0x149B8;
	s16 =	sadd.s32 $0x70, s8  }
0x1e5: {  	[hbm4b:s18+s3] =	stream.linear.scatter [tilespmem:s17], [sflag:$0x8], $0x80, $0x38;
	[tilespmem:$0x1AC00] =	vst v63  }
.LBB2_15:
0x1e6: {  	[hbm4b:s16+s3] =	stream.linear.scatter [tilespmem:s15], [sflag:$0x8], $0x80, $0x38;
	[tilespmem:$0x1AC00] =	vst v63  }
0x1e7: {  	s8 =	smov.u32 s6;
	s6 =	smov.u32 s7  }
0x1e8: {  	s17 =	sadd.s32 $0x1100, s7;
	s6 =	sshra.s32 s6, $0x2;
	s15 =	sadd.s32 $0x14600, s8  }
0x1e9: {  	[hbm4b:s13+s3] =	stream.linear.scatter [tilespmem:s15], [sflag:$0x8], $0x80, $0x38;
	[tilespmem:$0x1AC00] =	vst v63  }
0x1ea: {  	p1 =	sne.s32 s7, $0x7700;
	s7 =	sadd.s32 $0x14688, s8;
	s15 =	sadd.s32 $0x10, s13  }
0x1eb: {  	[hbm4b:s15+s3] =	stream.linear.scatter [tilespmem:s7], [sflag:$0x8], $0x80, $0x38;
	[tilespmem:$0x1AC00] =	vst v63  }
0x1ec: {  	s7 =	sadd.s32 $0x14710, s8;
	s15 =	sadd.s32 $0x20, s13  }
0x1ed: {  	[hbm4b:s15+s3] =	stream.linear.scatter [tilespmem:s7], [sflag:$0x8], $0x80, $0x38;
	[tilespmem:$0x1AC00] =	vst v63  }
0x1ee: {  	s7 =	sadd.s32 $0x14798, s8;
	s15 =	sadd.s32 $0x30, s13  }
0x1ef: {  	[hbm4b:s15+s3] =	stream.linear.scatter [tilespmem:s7], [sflag:$0x8], $0x80, $0x38;
	[tilespmem:$0x1AC00] =	vst v63  }
0x1f0: {  	s7 =	sadd.s32 $0x14820, s8;
	s15 =	sadd.s32 $0x40, s13  }
0x1f1: {  	[hbm4b:s15+s3] =	stream.linear.scatter [tilespmem:s7], [sflag:$0x8], $0x80, $0x38;
	[tilespmem:$0x1AC00] =	vst v63  }
.Ltmp8:
0x1f2: {  	s7 =	sadd.s32 $0x148A8, s8;
	s15 =	sadd.s32 $0x50, s13;
	(pc) =	sbr.rel @p1 .LBB2_15-.Ltmp8, $4  }
0x1f3: {  	[hbm4b:s15+s3] =	stream.linear.scatter [tilespmem:s7], [sflag:$0x8], $0x80, $0x38;
	[tilespmem:$0x1AC00] =	vst v63  }
0x1f4: {  	s16 =	sadd.s32 $0x70, s13;
	s7 =	sadd.s32 $0x14930, s8;
	s15 =	sadd.s32 $0x60, s13  }
0x1f5: {  	[hbm4b:s15+s3] =	stream.linear.scatter [tilespmem:s7], [sflag:$0x8], $0x80, $0x38;
	[tilespmem:$0x1AC00] =	vst v63  }
0x1f6: {  	s13 =	sadd.s32 $0x1000, s13;
	s15 =	sadd.s32 $0x149B8, s8;
	s7 =	smov.u32 s17  }
0x1f7: {  	[hbm4b:s16+s3] =	stream.linear.scatter [tilespmem:s15], [sflag:$0x8], $0x80, $0x38;
	[tilespmem:$0x1AC00] =	vst v63  }
0x1f8: {  	s7 =	sadd.s32 $0x14600, s6  }
0x1f9: {  	[hbm4b:s13+s3] =	stream.linear.scatter [tilespmem:s7], [sflag:$0x8], $0x80, $0x38;
	[tilespmem:$0x1AC00] =	vst v63  }
0x1fa: {  	s18 =	sadd.s32 $0x14688, s6;
	s8 =	sadd.s32 $0x10, s13  }
0x1fb: {  	[hbm4b:s8+s3] =	stream.linear.scatter [tilespmem:s18], [sflag:$0x8], $0x80, $0x38;
	[tilespmem:$0x1AC00] =	vst v63  }
0x1fc: {  	s15 =	sadd.s32 $0x14710, s6;
	s16 =	sadd.s32 $0x20, s13  }
0x1fd: {  	[hbm4b:s16+s3] =	stream.linear.scatter [tilespmem:s15], [sflag:$0x8], $0x80, $0x38;
	[tilespmem:$0x1AC00] =	vst v63  }
0x1fe: {  	s17 =	sadd.s32 $0x14798, s6;
	s18 =	sadd.s32 $0x30, s13  }
0x1ff: {  	[hbm4b:s18+s3] =	stream.linear.scatter [tilespmem:s17], [sflag:$0x8], $0x80, $0x38;
	[tilespmem:$0x1AC00] =	vst v63  }
0x200: {  	s15 =	sadd.s32 $0x14820, s6;
	s16 =	sadd.s32 $0x40, s13  }
0x201: {  	[hbm4b:s16+s3] =	stream.linear.scatter [tilespmem:s15], [sflag:$0x8], $0x80, $0x38;
	[tilespmem:$0x1AC00] =	vst v63  }
0x202: {  	p1 =	sne.s32 s10, $0x9;
	s17 =	sadd.s32 $0x148A8, s6;
	s18 =	sadd.s32 $0x50, s13  }
0x203: {  	[hbm4b:s18+s3] =	stream.linear.scatter [tilespmem:s17], [sflag:$0x8], $0x80, $0x38;
	[tilespmem:$0x1AC00] =	vst v63  }
.Ltmp9:
0x204: {  	_ = 	snop;
	(pc) =	sbr.rel @p1 .LBB2_18-.Ltmp9, $4  }
0x205: {  	s15 =	sadd.s32 $0x14930, s6;
	s16 =	sadd.s32 $0x60, s13  }
0x206: {  	[hbm4b:s16+s3] =	stream.linear.scatter [tilespmem:s15], [sflag:$0x8], $0x80, $0x38;
	[tilespmem:$0x1AC00] =	vst v63  }
0x207: {  	s17 =	sadd.s32 $0x149B8, s6;
	s18 =	sadd.s32 $0x70, s13  }
0x208: {  	[hbm4b:s18+s3] =	stream.linear.scatter [tilespmem:s17], [sflag:$0x8], $0x80, $0x38;
	[tilespmem:$0x1AC00] =	vst v63  }
.Ltmp10:
0x209: {  	(pc) =	sbr.rel .LBB2_19-.Ltmp10, $4  }
0x20a: {  	_ = 	snop  }
0x20b: {  	_ =	swait.ge [sflag:s26], $0x2000  }
0x20c: {  	[sflag:s26] =	ssyncset.done $0x0  }
0x20d: {  	[sflag:s26] =	ssyncadd.s32 $0xFFFFE000  }
.LBB2_18:
0x20e: {  	s6 =	smul.u32 $0xAA0, s10;
	_ =	sdelay $0x1  }
0x20f: {  	s6 =	sshra.s32 s6, $0x2  }
.Ltmp11:
0x210: {  	s6 =	sadd.s32 $0x42A8, s6;
	(pc) =	sbr.rel @p0 .LBB2_20-.Ltmp11, $4  }
0x211: {  	[tilespmem:s23], [sflag:$0x1] =	stream.indirect.gather [hbm4b:s4+s12], $0x40, s6, s12, $0xb8;
	[tilespmem:$0x1AC00] =	vst v63  }
0x212: {  	_ =	swait.ge [sflag:s26], $0x2000  }
0x213: {  	[sflag:s26] =	ssyncset.done $0x0  }
0x214: {  	[sflag:s26] =	ssyncadd.s32 $0xFFFFE000  }
.LBB2_19:
0x215: {  	s6 =	simm.s32 $0x9  }
0x216: {  	_ =	swait.ge [sflag:s6], $0x2000  }
0x217: {  	[sflag:s6] =	ssyncset.done $0x0  }
0x218: {  	[sflag:s6] =	ssyncadd.s32 $0xFFFFE000  }
.LBB2_20:
0x219: {  	s6 =	simm.s32 $0x3  }
0x21a: {  	s7 =	simm.s32 $0x0;
	v4 =	vmov s6  }
0x21b: {  	s13 =	simm.s32 $0xC2F0;
	v5 =	vand.u32 $0x7F, v4;
	v4 =	vmov s7  }
0x21c: {  	s8 =	simm.s32 $0x1;
	v7 =	vld [tilespmem:s13+$0xFFFFFFD0];
	v8 =	vadd.s32 v0, v5;
	v6 =	vand.u32 $0x7C, v4  }
0x21d: {  	v9 =	vld [tilespmem:s13+$0xFFFFFF10];
	v4 =	vmov s8;
	v10 =	vadd.s32 v0, v6  }
0x21e: {  	s15 =	simm.s32 $0x2;
	v11 =	vand.u32 $0x7D, v4  }
0x21f: {  	v13 =	vmov s15;
	v4 =	vld [tilespmem:s13+$0xFFFFFF50];
	v12 =	vadd.s32 v0, v11  }
0x220: {  	v13 =	vand.u32 $0x7E, v13  }
0x221: {  	v14 =	vld [tilespmem:s13+$0xFFFFFF90];
	v15 =	vadd.s32 v0, v13;
	[tilespmem:v8+s29+$0x0] =	vst.idx.msk $0xffff, v7  }
0x222: {  	v8 =	vadd.s32 v1, v5;
	v7 =	vld [tilespmem:s13+$0xFFFFFFE0];
	[tilespmem:v10+s29+$0x0] =	vst.idx.msk $0xffff, v9  }
0x223: {  	v10 =	vadd.s32 v1, v6;
	v9 =	vld [tilespmem:s13+$0xFFFFFF20]  }
0x224: {  	[tilespmem:v12+s29+$0x0] =	vst.idx.msk $0xffff, v4  }
0x225: {  	v12 =	vadd.s32 v1, v11;
	v4 =	vld [tilespmem:s13+$0xFFFFFF60]  }
0x226: {  	[tilespmem:v15+s29+$0x0] =	vst.idx.msk $0xffff, v14  }
0x227: {  	s16 =	simm.s32 $0x7;
	v16 =	vadd.s32 v1, v13;
	v15 =	vld [tilespmem:s13+$0xFFFFFFA0];
	[tilespmem:v8+s29+$0x0] =	vst.idx.msk $0xffff, v7  }
0x228: {  	v14 =	vadd.s32 v2, v5;
	v8 =	vmov s16;
	v7 =	vld [tilespmem:s13+$0xFFFFFFF0];
	[tilespmem:v10+s29+$0x0] =	vst.idx.msk $0xffff, v9  }
0x229: {  	s6 =	simm.s32 $0xC3F0;
	v10 =	vadd.s32 v2, v6;
	v8 =	vand.u32 $0x7F, v8;
	v9 =	vld [tilespmem:s13+$0xFFFFFF30]  }
0x22a: {  	s7 =	simm.s32 $0x4;
	v18 =	vld [tilespmem:s6+$0xFFFFFFD0];
	[tilespmem:v12+s29+$0x0] =	vst.idx.msk $0xffff, v4;
	v19 =	vadd.s32 v0, v8  }
0x22b: {  	s17 =	simm.s32 $0x5;
	v17 =	vadd.s32 v2, v11;
	v4 =	vmov s7;
	v12 =	vld [tilespmem:s13+$0xFFFFFF70]  }
0x22c: {  	s18 =	simm.s32 $0x6;
	v22 =	vmov s17;
	[tilespmem:v16+s29+$0x0] =	vst.idx.msk $0xffff, v15;
	v4 =	vand.u32 $0x7C, v4  }
0x22d: {  	v20 =	vld [tilespmem:s6+$0xFFFFFF10];
	v21 =	vadd.s32 v0, v4;
	[tilespmem:v14+s29+$0x0] =	vst.idx.msk $0xffff, v7;
	v7 =	vand.u32 $0x7D, v22;
	v14 =	vmov s18  }
0x22e: {  	v16 =	vadd.s32 v3, v5;
	[tilespmem:v10+s29+$0x0] =	vst.idx.msk $0xffff, v9;
	v9 =	vld [tilespmem:s6+$0xFFFFFF50];
	v10 =	vadd.s32 v0, v7;
	v5 =	vand.u32 $0x7E, v14  }
0x22f: {  	v14 =	vld [tilespmem:s6+$0xFFFFFF90];
	[tilespmem:v19+s29+$0x0] =	vst.idx.msk $0xffff, v18;
	v63 =	vadd.s32 v0, v5  }
0x230: {  	v18 =	vadd.s32 v2, v13;
	[tilespmem:v17+s29+$0x0] =	vst.idx.msk $0xffff, v12;
	v12 =	vld [tilespmem:s13+$0xFFFFFFB0]  }
0x231: {  	v15 =	vld [tilespmem:s13+$0x0]  }
0x232: {  	v19 =	vld [tilespmem:s6+$0xFFFFFFE0];
	[tilespmem:v21+s29+$0x0] =	vst.idx.msk $0xffff, v20;
	v20 =	vadd.s32 v1, v8  }
0x233: {  	v23 =	vadd.s32 v1, v4;
	v21 =	vld [tilespmem:s6+$0xFFFFFF20];
	[tilespmem:v10+s29+$0x0] =	vst.idx.msk $0xffff, v9  }
0x234: {  	v25 =	vadd.s32 v3, v11;
	v24 =	vld [tilespmem:s13+$0xFFFFFF80];
	[tilespmem:v63+s29+$0x0] =	vst.idx.msk $0xffff, v14  }
0x235: {  	v17 =	vld [tilespmem:s6+$0xFFFFFF60];
	[tilespmem:v18+s29+$0x0] =	vst.idx.msk $0xffff, v12;
	v18 =	vadd.s32 v1, v7  }
0x236: {  	[tilespmem:v16+s29+$0x0] =	vst.idx.msk $0xffff, v15;
	v16 =	vadd.s32 v1, v5;
	v15 =	vld [tilespmem:s6+$0xFFFFFFA0]  }
0x237: {  	v14 =	vadd.s32 v3, v13;
	[tilespmem:v20+s29+$0x0] =	vst.idx.msk $0xffff, v19;
	v11 =	vld [tilespmem:s13+$0xFFFFFFC0]  }
0x238: {  	v12 =	vadd.s32 v2, v8;
	[tilespmem:v23+s29+$0x0] =	vst.idx.msk $0xffff, v21;
	v9 =	vld [tilespmem:s6+$0xFFFFFFF0]  }
0x239: {  	s15 =	simm.s32 $0x8;
	s16 =	simm.s32 $0xC;
	s7 =	simm.s32 $0xB;
	v13 =	vadd.s32 v2, v4;
	[tilespmem:v25+s29+$0x0] =	vst.idx.msk $0xffff, v24;
	v10 =	vld [tilespmem:s6+$0xFFFFFF30]  }
.LBB2_21:
0x23a: {  	p2 =	slt.u32 s16, $0x7C;
	v19 =	vmov s7;
	[tilespmem:v18+s29+$0x0] =	vst.idx.msk $0xffff, v17;
	v17 =	vld [tilespmem:s13+$0xFFFFFF40];
	v18 =	vadd.s32 v3, v6;
	v6 =	vmov v4;
	s13 =	smov.u32 s6  }
0x23b: {  	v4 =	vmov s15;
	v21 =	vadd.s32 v2, v7;
	s6 =	sadd.s32 $0x100, s6;
	v19 =	vand.u32 $0x7F, v19;
	v20 =	vld [tilespmem:s13+$0xFFFFFF70];
	[tilespmem:v16+s29+$0x0] =	vst.idx.msk $0xffff, v15  }
0x23c: {  	s7 =	sadd.s32 $0x1, s15;
	v4 =	vand.u32 $0x7C, v4;
	v15 =	vld [tilespmem:s6+$0xFFFFFFD0];
	v16 =	vadd.s32 v0, v19;
	[tilespmem:v14+s29+$0x0] =	vst.idx.msk $0xffff, v11  }
0x23d: {  	v22 =	vmov s7;
	s7 =	sadd.s32 $0x2, s15;
	s15 =	smov.u32 s16;
	v14 =	vadd.s32 v0, v4;
	v11 =	vld [tilespmem:s6+$0xFFFFFF10];
	[tilespmem:v12+s29+$0x0] =	vst.idx.msk $0xffff, v9  }
0x23e: {  	v9 =	vand.u32 $0x7D, v22;
	v12 =	vmov s7;
	[tilespmem:v13+s29+$0x0] =	vst.idx.msk $0xffff, v10;
	v10 =	vld [tilespmem:s13+$0x0];
	v13 =	vadd.s32 v3, v8;
	v8 =	vmovc v19  }
0x23f: {  	v22 =	vadd.s32 v0, v9;
	v12 =	vand.u32 $0x7E, v12;
	v19 =	vld [tilespmem:s6+$0xFFFFFF50];
	[tilespmem:v18+s29+$0x0] =	vst.idx.msk $0xffff, v17  }
0x240: {  	v24 =	vadd.s32 v0, v12;
	v23 =	vld [tilespmem:s6+$0xFFFFFF90];
	[tilespmem:v21+s29+$0x0] =	vst.idx.msk $0xffff, v20  }
0x241: {  	v21 =	vadd.s32 v2, v5;
	[tilespmem:v16+s29+$0x0] =	vst.idx.msk $0xffff, v15;
	v20 =	vld [tilespmem:s13+$0xFFFFFFB0]  }
0x242: {  	[tilespmem:v14+s29+$0x0] =	vst.idx.msk $0xffff, v11;
	v11 =	vld [tilespmem:s6+$0xFFFFFFE0];
	v14 =	vadd.s32 v1, v8  }
0x243: {  	v26 =	vadd.s32 v1, v4;
	v25 =	vld [tilespmem:s6+$0xFFFFFF20];
	[tilespmem:v13+s29+$0x0] =	vst.idx.msk $0xffff, v10  }
0x244: {  	[tilespmem:v22+s29+$0x0] =	vst.idx.msk $0xffff, v19;
	v19 =	vld [tilespmem:s13+$0xFFFFFF80];
	v22 =	vadd.s32 v3, v7;
	v7 =	vmov v9  }
.Ltmp12:
0x245: {  	v17 =	vld [tilespmem:s6+$0xFFFFFF60];
	v18 =	vadd.s32 v1, v7;
	[tilespmem:v24+s29+$0x0] =	vst.idx.msk $0xffff, v23;
	(pc) =	sbr.rel @p2 .LBB2_21-.Ltmp12, $4  }
0x246: {  	v16 =	vadd.s32 v1, v12;
	v15 =	vld [tilespmem:s6+$0xFFFFFFA0];
	[tilespmem:v21+s29+$0x0] =	vst.idx.msk $0xffff, v20  }
0x247: {  	[tilespmem:v14+s29+$0x0] =	vst.idx.msk $0xffff, v11;
	v11 =	vld [tilespmem:s13+$0xFFFFFFC0];
	v14 =	vadd.s32 v3, v5;
	v5 =	vmov v12  }
0x248: {  	v12 =	vadd.s32 v2, v8;
	[tilespmem:v26+s29+$0x0] =	vst.idx.msk $0xffff, v25;
	v9 =	vld [tilespmem:s6+$0xFFFFFFF0]  }
0x249: {  	s16 =	sadd.s32 $0x4, s16;
	s7 =	sadd.s32 $0x3, s15;
	v13 =	vadd.s32 v2, v4;
	v10 =	vld [tilespmem:s6+$0xFFFFFF30];
	[tilespmem:v22+s29+$0x0] =	vst.idx.msk $0xffff, v19  }
0x24a: {  	_ =	sdelay $0x2  }
0x24b: {  	v19 =	vmov s7  }
0x24c: {  	s8 =	sadd.s32 $0x1, s15;
	[tilespmem:v18+s29+$0x0] =	vst.idx.msk $0xffff, v17;
	v30 =	vld [tilespmem:s13+$0xFFFFFF40];
	v6 =	vadd.s32 v3, v6;
	s16 =	sadd.s32 $0x100, s6;
	v21 =	vmov s15;
	v31 =	vand.u32 $0x7F, v19  }
0x24d: {  	s17 =	sadd.s32 $0x2, s15;
	v32 =	vmov s8;
	[tilespmem:v16+s29+$0x0] =	vst.idx.msk $0xffff, v15;
	v33 =	vld [tilespmem:s16+$0xFFFFFFD0];
	v21 =	vand.u32 $0x7C, v21;
	v34 =	vadd.s32 v0, v31  }
0x24e: {  	v20 =	vmov s17;
	v22 =	vld [tilespmem:s16+$0xFFFFFF10];
	v19 =	vand.u32 $0x7D, v32;
	[tilespmem:v14+s29+$0x0] =	vst.idx.msk $0xffff, v11;
	v39 =	vadd.s32 v0, v21  }
0x24f: {  	v35 =	vld [tilespmem:s16+$0xFFFFFF50];
	v20 =	vand.u32 $0x7E, v20;
	v36 =	vadd.s32 v0, v19;
	[tilespmem:v12+s29+$0x0] =	vst.idx.msk $0xffff, v9  }
0x250: {  	v37 =	vld [tilespmem:s16+$0xFFFFFF90];
	v38 =	vadd.s32 v0, v20;
	[tilespmem:v13+s29+$0x0] =	vst.idx.msk $0xffff, v10  }
0x251: {  	v41 =	vadd.s32 v2, v7;
	v40 =	vld [tilespmem:s6+$0xFFFFFF70];
	[tilespmem:v6+s29+$0x0] =	vst.idx.msk $0xffff, v30  }
0x252: {  	v49 =	vadd.s32 v2, v5;
	v48 =	vld [tilespmem:s6+$0xFFFFFFB0];
	[tilespmem:v34+s29+$0x0] =	vst.idx.msk $0xffff, v33  }
0x253: {  	v43 =	vadd.s32 v1, v31;
	[tilespmem:v39+s29+$0x0] =	vst.idx.msk $0xffff, v22;
	v15 =	vld [tilespmem:s16+$0xFFFFFFE0]  }
0x254: {  	v47 =	vadd.s32 v1, v21;
	[tilespmem:v36+s29+$0x0] =	vst.idx.msk $0xffff, v35;
	v46 =	vld [tilespmem:s16+$0xFFFFFF20]  }
0x255: {  	v44 =	vadd.s32 v1, v19;
	[tilespmem:v38+s29+$0x0] =	vst.idx.msk $0xffff, v37;
	v11 =	vld [tilespmem:s16+$0xFFFFFF60]  }
0x256: {  	v45 =	vadd.s32 v1, v20;
	[tilespmem:v41+s29+$0x0] =	vst.idx.msk $0xffff, v40;
	v9 =	vld [tilespmem:s16+$0xFFFFFFA0]  }
0x257: {  	v8 =	vadd.s32 v3, v8;
	v42 =	vld [tilespmem:s6+$0x0];
	[tilespmem:v49+s29+$0x0] =	vst.idx.msk $0xffff, v48  }
0x258: {  	v5 =	vadd.s32 v3, v5;
	v13 =	vld [tilespmem:s6+$0xFFFFFFC0];
	[tilespmem:v43+s29+$0x0] =	vst.idx.msk $0xffff, v15  }
0x259: {  	v52 =	vadd.s32 v2, v31;
	[tilespmem:v47+s29+$0x0] =	vst.idx.msk $0xffff, v46;
	v15 =	vld [tilespmem:s16+$0xFFFFFFF0]  }
0x25a: {  	v57 =	vadd.s32 v2, v21;
	[tilespmem:v44+s29+$0x0] =	vst.idx.msk $0xffff, v11;
	v56 =	vld [tilespmem:s16+$0xFFFFFF30]  }
0x25b: {  	v53 =	vadd.s32 v2, v19;
	[tilespmem:v45+s29+$0x0] =	vst.idx.msk $0xffff, v9;
	v11 =	vld [tilespmem:s16+$0xFFFFFF70]  }
0x25c: {  	v55 =	vadd.s32 v2, v20;
	[tilespmem:v8+s29+$0x0] =	vst.idx.msk $0xffff, v42;
	v54 =	vld [tilespmem:s16+$0xFFFFFFB0]  }
0x25d: {  	v4 =	vadd.s32 v3, v4;
	v58 =	vld [tilespmem:s6+$0xFFFFFF40];
	[tilespmem:v5+s29+$0x0] =	vst.idx.msk $0xffff, v13  }
0x25e: {  	v51 =	vadd.s32 v3, v7;
	v50 =	vld [tilespmem:s6+$0xFFFFFF80];
	[tilespmem:v52+s29+$0x0] =	vst.idx.msk $0xffff, v15  }
0x25f: {  	v60 =	vadd.s32 v3, v31;
	[tilespmem:v57+s29+$0x0] =	vst.idx.msk $0xffff, v56;
	v59 =	vld [tilespmem:s16+$0x0]  }
0x260: {  	v63 =	vadd.s32 v3, v21;
	[tilespmem:v53+s29+$0x0] =	vst.idx.msk $0xffff, v11;
	v5 =	vld [tilespmem:s16+$0xFFFFFF40]  }
0x261: {  	v61 =	vadd.s32 v3, v19;
	[tilespmem:v55+s29+$0x0] =	vst.idx.msk $0xffff, v54;
	v11 =	vld [tilespmem:s16+$0xFFFFFF80]  }
0x262: {  	v62 =	vadd.s32 v3, v20;
	[tilespmem:v4+s29+$0x0] =	vst.idx.msk $0xffff, v58;
	v6 =	vld [tilespmem:s16+$0xFFFFFFC0]  }
0x263: {  	[tilespmem:v51+s29+$0x0] =	vst.idx.msk $0xffff, v50  }
0x264: {  	s18 =	sshll.u32 s14, $0x12;
	[tilespmem:v60+s29+$0x0] =	vst.idx.msk $0xffff, v59  }
0x265: {  	s6 =	sor.u32 s5, s18;
	[tilespmem:v63+s29+$0x0] =	vst.idx.msk $0xffff, v5  }
0x266: {  	s6 =	sshrl.u32 s6, $0x3;
	[tilespmem:v61+s29+$0x0] =	vst.idx.msk $0xffff, v11  }
0x267: {  	s7 =	simm.s32 $0x16800;
	s8 =	sadd.s32 s2, s6;
	[tilespmem:v62+s29+$0x0] =	vst.idx.msk $0xffff, v6  }
0x268: {  	[hbm4b:s8+s3] =	stream.linear.scatter [tilespmem:s7], [sflag:$0x9], $0x80, $0x38;
	[tilespmem:$0x1AC00] =	vst v63  }
0x269: {  	s13 =	simm.s32 $0x16888;
	s14 =	sadd.s32 $0x10, s8  }
0x26a: {  	[hbm4b:s14+s3] =	stream.linear.scatter [tilespmem:s13], [sflag:$0x9], $0x80, $0x38;
	[tilespmem:$0x1AC00] =	vst v63  }
0x26b: {  	s15 =	simm.s32 $0x16910;
	s17 =	simm.s32 $0x16998;
	s16 =	sadd.s32 $0x20, s8  }
0x26c: {  	[hbm4b:s16+s3] =	stream.linear.scatter [tilespmem:s15], [sflag:$0x9], $0x80, $0x38;
	[tilespmem:$0x1AC00] =	vst v63  }
0x26d: {  	s6 =	simm.s32 $0x440;
	s18 =	sadd.s32 $0x30, s8;
	s7 =	simm.s32 $0x2200  }
0x26e: {  	[hbm4b:s18+s3] =	stream.linear.scatter [tilespmem:s17], [sflag:$0x9], $0x80, $0x38;
	[tilespmem:$0x1AC00] =	vst v63  }
0x26f: {  	s13 =	simm.s32 $0x16A20;
	s14 =	sadd.s32 $0x40, s8;
	s15 =	simm.s32 $0x16AA8  }
0x270: {  	[hbm4b:s14+s3] =	stream.linear.scatter [tilespmem:s13], [sflag:$0x9], $0x80, $0x38;
	[tilespmem:$0x1AC00] =	vst v63  }
0x271: {  	s16 =	sadd.s32 $0x50, s8;
	s17 =	simm.s32 $0x16B30;
	s18 =	sadd.s32 $0x60, s8  }
0x272: {  	[hbm4b:s16+s3] =	stream.linear.scatter [tilespmem:s15], [sflag:$0x9], $0x80, $0x38;
	[tilespmem:$0x1AC00] =	vst v63  }
0x273: {  	s14 =	simm.s32 $0x16BB8;
	s13 =	sadd.s32 $0x1000, s8;
	s15 =	sadd.s32 $0x70, s8  }
0x274: {  	[hbm4b:s18+s3] =	stream.linear.scatter [tilespmem:s17], [sflag:$0x9], $0x80, $0x38;
	[tilespmem:$0x1AC00] =	vst v63  }
.LBB2_23:
0x275: {  	[hbm4b:s15+s3] =	stream.linear.scatter [tilespmem:s14], [sflag:$0x9], $0x80, $0x38;
	[tilespmem:$0x1AC00] =	vst v63  }
0x276: {  	s8 =	smov.u32 s6;
	s6 =	smov.u32 s7  }
0x277: {  	s16 =	sadd.s32 $0x1100, s7;
	s6 =	sshra.s32 s6, $0x2;
	s14 =	sadd.s32 $0x16800, s8  }
0x278: {  	[hbm4b:s13+s3] =	stream.linear.scatter [tilespmem:s14], [sflag:$0x9], $0x80, $0x38;
	[tilespmem:$0x1AC00] =	vst v63  }
0x279: {  	p2 =	sne.s32 s7, $0x7700;
	s7 =	sadd.s32 $0x16888, s8;
	s14 =	sadd.s32 $0x10, s13  }
0x27a: {  	[hbm4b:s14+s3] =	stream.linear.scatter [tilespmem:s7], [sflag:$0x9], $0x80, $0x38;
	[tilespmem:$0x1AC00] =	vst v63  }
0x27b: {  	s7 =	sadd.s32 $0x16910, s8;
	s14 =	sadd.s32 $0x20, s13  }
0x27c: {  	[hbm4b:s14+s3] =	stream.linear.scatter [tilespmem:s7], [sflag:$0x9], $0x80, $0x38;
	[tilespmem:$0x1AC00] =	vst v63  }
0x27d: {  	s7 =	sadd.s32 $0x16998, s8;
	s14 =	sadd.s32 $0x30, s13  }
0x27e: {  	[hbm4b:s14+s3] =	stream.linear.scatter [tilespmem:s7], [sflag:$0x9], $0x80, $0x38;
	[tilespmem:$0x1AC00] =	vst v63  }
0x27f: {  	s7 =	sadd.s32 $0x16A20, s8;
	s14 =	sadd.s32 $0x40, s13  }
0x280: {  	[hbm4b:s14+s3] =	stream.linear.scatter [tilespmem:s7], [sflag:$0x9], $0x80, $0x38;
	[tilespmem:$0x1AC00] =	vst v63  }
.Ltmp13:
0x281: {  	s7 =	sadd.s32 $0x16AA8, s8;
	s14 =	sadd.s32 $0x50, s13;
	(pc) =	sbr.rel @p2 .LBB2_23-.Ltmp13, $4  }
0x282: {  	[hbm4b:s14+s3] =	stream.linear.scatter [tilespmem:s7], [sflag:$0x9], $0x80, $0x38;
	[tilespmem:$0x1AC00] =	vst v63  }
0x283: {  	s15 =	sadd.s32 $0x70, s13;
	s7 =	sadd.s32 $0x16B30, s8;
	s14 =	sadd.s32 $0x60, s13  }
0x284: {  	[hbm4b:s14+s3] =	stream.linear.scatter [tilespmem:s7], [sflag:$0x9], $0x80, $0x38;
	[tilespmem:$0x1AC00] =	vst v63  }
0x285: {  	s13 =	sadd.s32 $0x1000, s13;
	s14 =	sadd.s32 $0x16BB8, s8;
	s7 =	smov.u32 s16  }
0x286: {  	[hbm4b:s15+s3] =	stream.linear.scatter [tilespmem:s14], [sflag:$0x9], $0x80, $0x38;
	[tilespmem:$0x1AC00] =	vst v63  }
0x287: {  	s7 =	sadd.s32 $0x16800, s6  }
0x288: {  	[hbm4b:s13+s3] =	stream.linear.scatter [tilespmem:s7], [sflag:$0x9], $0x80, $0x38;
	[tilespmem:$0x1AC00] =	vst v63  }
0x289: {  	s18 =	sadd.s32 $0x16888, s6;
	s8 =	sadd.s32 $0x10, s13  }
0x28a: {  	[hbm4b:s8+s3] =	stream.linear.scatter [tilespmem:s18], [sflag:$0x9], $0x80, $0x38;
	[tilespmem:$0x1AC00] =	vst v63  }
0x28b: {  	s14 =	sadd.s32 $0x20, s13;
	s8 =	sadd.s32 $0x16910, s6  }
0x28c: {  	[hbm4b:s14+s3] =	stream.linear.scatter [tilespmem:s8], [sflag:$0x9], $0x80, $0x38;
	[tilespmem:$0x1AC00] =	vst v63  }
0x28d: {  	s15 =	sadd.s32 $0x16998, s6;
	s16 =	sadd.s32 $0x30, s13  }
0x28e: {  	[hbm4b:s16+s3] =	stream.linear.scatter [tilespmem:s15], [sflag:$0x9], $0x80, $0x38;
	[tilespmem:$0x1AC00] =	vst v63  }
0x28f: {  	s17 =	sadd.s32 $0x16A20, s6;
	s18 =	sadd.s32 $0x40, s13  }
0x290: {  	[hbm4b:s18+s3] =	stream.linear.scatter [tilespmem:s17], [sflag:$0x9], $0x80, $0x38;
	[tilespmem:$0x1AC00] =	vst v63  }
0x291: {  	s8 =	sadd.s32 $0x16AA8, s6;
	s14 =	sadd.s32 $0x50, s13  }
0x292: {  	[hbm4b:s14+s3] =	stream.linear.scatter [tilespmem:s8], [sflag:$0x9], $0x80, $0x38;
	[tilespmem:$0x1AC00] =	vst v63  }
.Ltmp14:
0x293: {  	_ = 	snop;
	(pc) =	sbr.rel @p1 .LBB2_26-.Ltmp14, $4  }
0x294: {  	s15 =	sadd.s32 $0x16B30, s6;
	s16 =	sadd.s32 $0x60, s13  }
0x295: {  	[hbm4b:s16+s3] =	stream.linear.scatter [tilespmem:s15], [sflag:$0x9], $0x80, $0x38;
	[tilespmem:$0x1AC00] =	vst v63  }
0x296: {  	s17 =	sadd.s32 $0x16BB8, s6;
	s18 =	sadd.s32 $0x70, s13  }
0x297: {  	[hbm4b:s18+s3] =	stream.linear.scatter [tilespmem:s17], [sflag:$0x9], $0x80, $0x38;
	[tilespmem:$0x1AC00] =	vst v63  }
.Ltmp15:
0x298: {  	(pc) =	sbr.rel .LBB2_27-.Ltmp15, $4  }
0x299: {  	_ = 	snop  }
0x29a: {  	_ =	swait.ge [sflag:s30], $0x2000  }
0x29b: {  	[sflag:s30] =	ssyncset.done $0x0  }
0x29c: {  	[sflag:s30] =	ssyncadd.s32 $0xFFFFE000  }
.LBB2_26:
0x29d: {  	s6 =	smul.u32 $0xAA0, s10;
	_ =	sdelay $0x1  }
0x29e: {  	s6 =	sshra.s32 s6, $0x2  }
.Ltmp16:
0x29f: {  	s6 =	sadd.s32 $0x4330, s6;
	(pc) =	sbr.rel @p0 .LBB2_28-.Ltmp16, $4  }
0x2a0: {  	[tilespmem:s28], [sflag:$0x2] =	stream.indirect.gather [hbm4b:s4+s12], $0x40, s6, s12, $0xb8;
	[tilespmem:$0x1AC00] =	vst v63  }
0x2a1: {  	_ =	swait.ge [sflag:s30], $0x2000  }
0x2a2: {  	[sflag:s30] =	ssyncset.done $0x0  }
0x2a3: {  	[sflag:s30] =	ssyncadd.s32 $0xFFFFE000  }
.LBB2_27:
0x2a4: {  	s6 =	simm.s32 $0xA  }
0x2a5: {  	_ =	swait.ge [sflag:s6], $0x2000  }
0x2a6: {  	[sflag:s6] =	ssyncset.done $0x0  }
0x2a7: {  	[sflag:s6] =	ssyncadd.s32 $0xFFFFE000  }
.LBB2_28:
0x2a8: {  	s6 =	simm.s32 $0x3  }
0x2a9: {  	s8 =	simm.s32 $0x0;
	v4 =	vmov s6  }
0x2aa: {  	s13 =	simm.s32 $0xE2F0;
	v5 =	vand.u32 $0x7F, v4;
	v4 =	vmov s8  }
0x2ab: {  	s14 =	simm.s32 $0x1;
	v7 =	vld [tilespmem:s13+$0xFFFFFFD0];
	v8 =	vadd.s32 v0, v5;
	v6 =	vand.u32 $0x7C, v4  }
0x2ac: {  	v9 =	vld [tilespmem:s13+$0xFFFFFF10];
	v4 =	vmov s14;
	v10 =	vadd.s32 v0, v6  }
0x2ad: {  	s15 =	simm.s32 $0x2;
	v11 =	vand.u32 $0x7D, v4  }
0x2ae: {  	v13 =	vmov s15;
	v4 =	vld [tilespmem:s13+$0xFFFFFF50];
	v12 =	vadd.s32 v0, v11  }
0x2af: {  	v13 =	vand.u32 $0x7E, v13  }
0x2b0: {  	v14 =	vld [tilespmem:s13+$0xFFFFFF90];
	v15 =	vadd.s32 v0, v13;
	[tilespmem:v8+s1+$0x0] =	vst.idx.msk $0xffff, v7  }
0x2b1: {  	v8 =	vadd.s32 v1, v5;
	v7 =	vld [tilespmem:s13+$0xFFFFFFE0];
	[tilespmem:v10+s1+$0x0] =	vst.idx.msk $0xffff, v9  }
0x2b2: {  	v10 =	vadd.s32 v1, v6;
	v9 =	vld [tilespmem:s13+$0xFFFFFF20]  }
0x2b3: {  	[tilespmem:v12+s1+$0x0] =	vst.idx.msk $0xffff, v4  }
0x2b4: {  	v12 =	vadd.s32 v1, v11;
	v4 =	vld [tilespmem:s13+$0xFFFFFF60]  }
0x2b5: {  	[tilespmem:v15+s1+$0x0] =	vst.idx.msk $0xffff, v14  }
0x2b6: {  	s16 =	simm.s32 $0x7;
	v16 =	vadd.s32 v1, v13;
	v15 =	vld [tilespmem:s13+$0xFFFFFFA0];
	[tilespmem:v8+s1+$0x0] =	vst.idx.msk $0xffff, v7  }
0x2b7: {  	v14 =	vadd.s32 v2, v5;
	v8 =	vmov s16;
	v7 =	vld [tilespmem:s13+$0xFFFFFFF0];
	[tilespmem:v10+s1+$0x0] =	vst.idx.msk $0xffff, v9  }
0x2b8: {  	s6 =	simm.s32 $0xE3F0;
	v10 =	vadd.s32 v2, v6;
	v8 =	vand.u32 $0x7F, v8;
	v9 =	vld [tilespmem:s13+$0xFFFFFF30]  }
0x2b9: {  	s7 =	simm.s32 $0x4;
	v18 =	vld [tilespmem:s6+$0xFFFFFFD0];
	[tilespmem:v12+s1+$0x0] =	vst.idx.msk $0xffff, v4;
	v19 =	vadd.s32 v0, v8  }
0x2ba: {  	s17 =	simm.s32 $0x5;
	v17 =	vadd.s32 v2, v11;
	v4 =	vmov s7;
	v12 =	vld [tilespmem:s13+$0xFFFFFF70]  }
0x2bb: {  	s18 =	simm.s32 $0x6;
	v22 =	vmov s17;
	[tilespmem:v16+s1+$0x0] =	vst.idx.msk $0xffff, v15;
	v4 =	vand.u32 $0x7C, v4  }
0x2bc: {  	v20 =	vld [tilespmem:s6+$0xFFFFFF10];
	v21 =	vadd.s32 v0, v4;
	[tilespmem:v14+s1+$0x0] =	vst.idx.msk $0xffff, v7;
	v7 =	vand.u32 $0x7D, v22;
	v14 =	vmov s18  }
0x2bd: {  	v16 =	vadd.s32 v3, v5;
	[tilespmem:v10+s1+$0x0] =	vst.idx.msk $0xffff, v9;
	v9 =	vld [tilespmem:s6+$0xFFFFFF50];
	v10 =	vadd.s32 v0, v7;
	v5 =	vand.u32 $0x7E, v14  }
0x2be: {  	v14 =	vld [tilespmem:s6+$0xFFFFFF90];
	[tilespmem:v19+s1+$0x0] =	vst.idx.msk $0xffff, v18;
	v63 =	vadd.s32 v0, v5  }
0x2bf: {  	v18 =	vadd.s32 v2, v13;
	[tilespmem:v17+s1+$0x0] =	vst.idx.msk $0xffff, v12;
	v12 =	vld [tilespmem:s13+$0xFFFFFFB0]  }
0x2c0: {  	v15 =	vld [tilespmem:s13+$0x0]  }
0x2c1: {  	v19 =	vld [tilespmem:s6+$0xFFFFFFE0];
	[tilespmem:v21+s1+$0x0] =	vst.idx.msk $0xffff, v20;
	v20 =	vadd.s32 v1, v8  }
0x2c2: {  	v23 =	vadd.s32 v1, v4;
	v21 =	vld [tilespmem:s6+$0xFFFFFF20];
	[tilespmem:v10+s1+$0x0] =	vst.idx.msk $0xffff, v9  }
0x2c3: {  	v25 =	vadd.s32 v3, v11;
	v24 =	vld [tilespmem:s13+$0xFFFFFF80];
	[tilespmem:v63+s1+$0x0] =	vst.idx.msk $0xffff, v14  }
0x2c4: {  	v17 =	vld [tilespmem:s6+$0xFFFFFF60];
	[tilespmem:v18+s1+$0x0] =	vst.idx.msk $0xffff, v12;
	v18 =	vadd.s32 v1, v7  }
0x2c5: {  	[tilespmem:v16+s1+$0x0] =	vst.idx.msk $0xffff, v15;
	v16 =	vadd.s32 v1, v5;
	v15 =	vld [tilespmem:s6+$0xFFFFFFA0]  }
0x2c6: {  	v14 =	vadd.s32 v3, v13;
	[tilespmem:v20+s1+$0x0] =	vst.idx.msk $0xffff, v19;
	v11 =	vld [tilespmem:s13+$0xFFFFFFC0]  }
0x2c7: {  	v12 =	vadd.s32 v2, v8;
	[tilespmem:v23+s1+$0x0] =	vst.idx.msk $0xffff, v21;
	v9 =	vld [tilespmem:s6+$0xFFFFFFF0]  }
0x2c8: {  	s15 =	simm.s32 $0xC;
	s14 =	simm.s32 $0x8;
	s7 =	simm.s32 $0xB;
	v13 =	vadd.s32 v2, v4;
	[tilespmem:v25+s1+$0x0] =	vst.idx.msk $0xffff, v24;
	v10 =	vld [tilespmem:s6+$0xFFFFFF30]  }
.LBB2_29:
0x2c9: {  	p0 =	slt.u32 s15, $0x7C;
	v19 =	vmov s7;
	[tilespmem:v18+s1+$0x0] =	vst.idx.msk $0xffff, v17;
	v17 =	vld [tilespmem:s13+$0xFFFFFF40];
	v18 =	vadd.s32 v3, v6;
	v6 =	vmov v4;
	s13 =	smov.u32 s6  }
0x2ca: {  	v4 =	vmov s14;
	v21 =	vadd.s32 v2, v7;
	s6 =	sadd.s32 $0x100, s6;
	v19 =	vand.u32 $0x7F, v19;
	v20 =	vld [tilespmem:s13+$0xFFFFFF70];
	[tilespmem:v16+s1+$0x0] =	vst.idx.msk $0xffff, v15  }
0x2cb: {  	s7 =	sadd.s32 $0x1, s14;
	v4 =	vand.u32 $0x7C, v4;
	v15 =	vld [tilespmem:s6+$0xFFFFFFD0];
	v16 =	vadd.s32 v0, v19;
	[tilespmem:v14+s1+$0x0] =	vst.idx.msk $0xffff, v11  }
0x2cc: {  	v22 =	vmov s7;
	s7 =	sadd.s32 $0x2, s14;
	s14 =	smov.u32 s15;
	v14 =	vadd.s32 v0, v4;
	v11 =	vld [tilespmem:s6+$0xFFFFFF10];
	[tilespmem:v12+s1+$0x0] =	vst.idx.msk $0xffff, v9  }
0x2cd: {  	v9 =	vand.u32 $0x7D, v22;
	v12 =	vmov s7;
	[tilespmem:v13+s1+$0x0] =	vst.idx.msk $0xffff, v10;
	v10 =	vld [tilespmem:s13+$0x0];
	v13 =	vadd.s32 v3, v8;
	v8 =	vmovc v19  }
0x2ce: {  	v22 =	vadd.s32 v0, v9;
	v12 =	vand.u32 $0x7E, v12;
	v19 =	vld [tilespmem:s6+$0xFFFFFF50];
	[tilespmem:v18+s1+$0x0] =	vst.idx.msk $0xffff, v17  }
0x2cf: {  	v24 =	vadd.s32 v0, v12;
	v23 =	vld [tilespmem:s6+$0xFFFFFF90];
	[tilespmem:v21+s1+$0x0] =	vst.idx.msk $0xffff, v20  }
0x2d0: {  	v21 =	vadd.s32 v2, v5;
	[tilespmem:v16+s1+$0x0] =	vst.idx.msk $0xffff, v15;
	v20 =	vld [tilespmem:s13+$0xFFFFFFB0]  }
0x2d1: {  	[tilespmem:v14+s1+$0x0] =	vst.idx.msk $0xffff, v11;
	v11 =	vld [tilespmem:s6+$0xFFFFFFE0];
	v14 =	vadd.s32 v1, v8  }
0x2d2: {  	v26 =	vadd.s32 v1, v4;
	v25 =	vld [tilespmem:s6+$0xFFFFFF20];
	[tilespmem:v13+s1+$0x0] =	vst.idx.msk $0xffff, v10  }
0x2d3: {  	[tilespmem:v22+s1+$0x0] =	vst.idx.msk $0xffff, v19;
	v19 =	vld [tilespmem:s13+$0xFFFFFF80];
	v22 =	vadd.s32 v3, v7;
	v7 =	vmov v9  }
.Ltmp17:
0x2d4: {  	v17 =	vld [tilespmem:s6+$0xFFFFFF60];
	v18 =	vadd.s32 v1, v7;
	[tilespmem:v24+s1+$0x0] =	vst.idx.msk $0xffff, v23;
	(pc) =	sbr.rel @p0 .LBB2_29-.Ltmp17, $4  }
0x2d5: {  	v16 =	vadd.s32 v1, v12;
	v15 =	vld [tilespmem:s6+$0xFFFFFFA0];
	[tilespmem:v21+s1+$0x0] =	vst.idx.msk $0xffff, v20  }
0x2d6: {  	[tilespmem:v14+s1+$0x0] =	vst.idx.msk $0xffff, v11;
	v11 =	vld [tilespmem:s13+$0xFFFFFFC0];
	v14 =	vadd.s32 v3, v5;
	v5 =	vmov v12  }
0x2d7: {  	v12 =	vadd.s32 v2, v8;
	[tilespmem:v26+s1+$0x0] =	vst.idx.msk $0xffff, v25;
	v9 =	vld [tilespmem:s6+$0xFFFFFFF0]  }
0x2d8: {  	s15 =	sadd.s32 $0x4, s15;
	s7 =	sadd.s32 $0x3, s14;
	v13 =	vadd.s32 v2, v4;
	v10 =	vld [tilespmem:s6+$0xFFFFFF30];
	[tilespmem:v22+s1+$0x0] =	vst.idx.msk $0xffff, v19  }
0x2d9: {  	_ =	sdelay $0x2  }
0x2da: {  	v19 =	vmov s7  }
0x2db: {  	s17 =	sadd.s32 $0x1, s14;
	[tilespmem:v18+s1+$0x0] =	vst.idx.msk $0xffff, v17;
	v30 =	vld [tilespmem:s13+$0xFFFFFF40];
	v6 =	vadd.s32 v3, v6;
	s18 =	sadd.s32 $0x100, s6;
	v21 =	vmov s14;
	v31 =	vand.u32 $0x7F, v19  }
0x2dc: {  	s8 =	sadd.s32 $0x2, s14;
	v32 =	vmov s17;
	[tilespmem:v16+s1+$0x0] =	vst.idx.msk $0xffff, v15;
	v33 =	vld [tilespmem:s18+$0xFFFFFFD0];
	v21 =	vand.u32 $0x7C, v21;
	v34 =	vadd.s32 v0, v31  }
0x2dd: {  	v20 =	vmov s8;
	v22 =	vld [tilespmem:s18+$0xFFFFFF10];
	v19 =	vand.u32 $0x7D, v32;
	[tilespmem:v14+s1+$0x0] =	vst.idx.msk $0xffff, v11;
	v39 =	vadd.s32 v0, v21  }
0x2de: {  	v35 =	vld [tilespmem:s18+$0xFFFFFF50];
	v20 =	vand.u32 $0x7E, v20;
	v36 =	vadd.s32 v0, v19;
	[tilespmem:v12+s1+$0x0] =	vst.idx.msk $0xffff, v9  }
0x2df: {  	v37 =	vld [tilespmem:s18+$0xFFFFFF90];
	v38 =	vadd.s32 v0, v20;
	[tilespmem:v13+s1+$0x0] =	vst.idx.msk $0xffff, v10  }
0x2e0: {  	v41 =	vadd.s32 v2, v7;
	v40 =	vld [tilespmem:s6+$0xFFFFFF70];
	[tilespmem:v6+s1+$0x0] =	vst.idx.msk $0xffff, v30  }
0x2e1: {  	v49 =	vadd.s32 v2, v5;
	v48 =	vld [tilespmem:s6+$0xFFFFFFB0];
	[tilespmem:v34+s1+$0x0] =	vst.idx.msk $0xffff, v33  }
0x2e2: {  	v43 =	vadd.s32 v1, v31;
	[tilespmem:v39+s1+$0x0] =	vst.idx.msk $0xffff, v22;
	v15 =	vld [tilespmem:s18+$0xFFFFFFE0]  }
0x2e3: {  	v47 =	vadd.s32 v1, v21;
	[tilespmem:v36+s1+$0x0] =	vst.idx.msk $0xffff, v35;
	v46 =	vld [tilespmem:s18+$0xFFFFFF20]  }
0x2e4: {  	v44 =	vadd.s32 v1, v19;
	[tilespmem:v38+s1+$0x0] =	vst.idx.msk $0xffff, v37;
	v11 =	vld [tilespmem:s18+$0xFFFFFF60]  }
0x2e5: {  	v45 =	vadd.s32 v1, v20;
	[tilespmem:v41+s1+$0x0] =	vst.idx.msk $0xffff, v40;
	v9 =	vld [tilespmem:s18+$0xFFFFFFA0]  }
0x2e6: {  	v8 =	vadd.s32 v3, v8;
	v42 =	vld [tilespmem:s6+$0x0];
	[tilespmem:v49+s1+$0x0] =	vst.idx.msk $0xffff, v48  }
0x2e7: {  	v5 =	vadd.s32 v3, v5;
	v13 =	vld [tilespmem:s6+$0xFFFFFFC0];
	[tilespmem:v43+s1+$0x0] =	vst.idx.msk $0xffff, v15  }
0x2e8: {  	v52 =	vadd.s32 v2, v31;
	[tilespmem:v47+s1+$0x0] =	vst.idx.msk $0xffff, v46;
	v15 =	vld [tilespmem:s18+$0xFFFFFFF0]  }
0x2e9: {  	v57 =	vadd.s32 v2, v21;
	[tilespmem:v44+s1+$0x0] =	vst.idx.msk $0xffff, v11;
	v56 =	vld [tilespmem:s18+$0xFFFFFF30]  }
0x2ea: {  	v53 =	vadd.s32 v2, v19;
	[tilespmem:v45+s1+$0x0] =	vst.idx.msk $0xffff, v9;
	v11 =	vld [tilespmem:s18+$0xFFFFFF70]  }
0x2eb: {  	v55 =	vadd.s32 v2, v20;
	[tilespmem:v8+s1+$0x0] =	vst.idx.msk $0xffff, v42;
	v54 =	vld [tilespmem:s18+$0xFFFFFFB0]  }
0x2ec: {  	v4 =	vadd.s32 v3, v4;
	v58 =	vld [tilespmem:s6+$0xFFFFFF40];
	[tilespmem:v5+s1+$0x0] =	vst.idx.msk $0xffff, v13  }
0x2ed: {  	v51 =	vadd.s32 v3, v7;
	v50 =	vld [tilespmem:s6+$0xFFFFFF80];
	[tilespmem:v52+s1+$0x0] =	vst.idx.msk $0xffff, v15  }
0x2ee: {  	v60 =	vadd.s32 v3, v31;
	[tilespmem:v57+s1+$0x0] =	vst.idx.msk $0xffff, v56;
	v59 =	vld [tilespmem:s18+$0x0]  }
0x2ef: {  	v63 =	vadd.s32 v3, v21;
	[tilespmem:v53+s1+$0x0] =	vst.idx.msk $0xffff, v11;
	v5 =	vld [tilespmem:s18+$0xFFFFFF40]  }
0x2f0: {  	v61 =	vadd.s32 v3, v19;
	[tilespmem:v55+s1+$0x0] =	vst.idx.msk $0xffff, v54;
	v11 =	vld [tilespmem:s18+$0xFFFFFF80]  }
0x2f1: {  	v62 =	vadd.s32 v3, v20;
	[tilespmem:v4+s1+$0x0] =	vst.idx.msk $0xffff, v58;
	v6 =	vld [tilespmem:s18+$0xFFFFFFC0]  }
0x2f2: {  	[tilespmem:v51+s1+$0x0] =	vst.idx.msk $0xffff, v50  }
0x2f3: {  	s0 =	sshll.u32 s0, $0x12;
	[tilespmem:v60+s1+$0x0] =	vst.idx.msk $0xffff, v59  }
0x2f4: {  	s0 =	sor.u32 s5, s0;
	[tilespmem:v63+s1+$0x0] =	vst.idx.msk $0xffff, v5  }
0x2f5: {  	s0 =	sshrl.u32 s0, $0x3;
	[tilespmem:v61+s1+$0x0] =	vst.idx.msk $0xffff, v11  }
0x2f6: {  	s14 =	simm.s32 $0x18A00;
	s6 =	sadd.s32 s2, s0;
	[tilespmem:v62+s1+$0x0] =	vst.idx.msk $0xffff, v6  }
0x2f7: {  	[hbm4b:s6+s3] =	stream.linear.scatter [tilespmem:s14], [sflag:$0xA], $0x80, $0x38;
	[tilespmem:$0x1AC00] =	vst v63  }
0x2f8: {  	s15 =	simm.s32 $0x18A88;
	s16 =	sadd.s32 $0x10, s6  }
0x2f9: {  	[hbm4b:s16+s3] =	stream.linear.scatter [tilespmem:s15], [sflag:$0xA], $0x80, $0x38;
	[tilespmem:$0x1AC00] =	vst v63  }
0x2fa: {  	s7 =	simm.s32 $0x18B98;
	s17 =	simm.s32 $0x18B10;
	s18 =	sadd.s32 $0x20, s6  }
0x2fb: {  	[hbm4b:s18+s3] =	stream.linear.scatter [tilespmem:s17], [sflag:$0xA], $0x80, $0x38;
	[tilespmem:$0x1AC00] =	vst v63  }
0x2fc: {  	s13 =	simm.s32 $0x18C20;
	s0 =	simm.s32 $0x440;
	s8 =	sadd.s32 $0x30, s6  }
0x2fd: {  	[hbm4b:s8+s3] =	stream.linear.scatter [tilespmem:s7], [sflag:$0xA], $0x80, $0x38;
	[tilespmem:$0x1AC00] =	vst v63  }
0x2fe: {  	s14 =	sadd.s32 $0x40, s6;
	s15 =	simm.s32 $0x18CA8;
	s16 =	sadd.s32 $0x50, s6  }
0x2ff: {  	[hbm4b:s14+s3] =	stream.linear.scatter [tilespmem:s13], [sflag:$0xA], $0x80, $0x38;
	[tilespmem:$0x1AC00] =	vst v63  }
0x300: {  	s17 =	simm.s32 $0x18D30;
	s18 =	sadd.s32 $0x60, s6;
	s7 =	simm.s32 $0x2200  }
0x301: {  	[hbm4b:s16+s3] =	stream.linear.scatter [tilespmem:s15], [sflag:$0xA], $0x80, $0x38;
	[tilespmem:$0x1AC00] =	vst v63  }
0x302: {  	s13 =	simm.s32 $0x18DB8;
	s14 =	sadd.s32 $0x70, s6;
	s6 =	sadd.s32 $0x1000, s6  }
0x303: {  	[hbm4b:s18+s3] =	stream.linear.scatter [tilespmem:s17], [sflag:$0xA], $0x80, $0x38;
	[tilespmem:$0x1AC00] =	vst v63  }
.LBB2_31:
0x304: {  	[hbm4b:s14+s3] =	stream.linear.scatter [tilespmem:s13], [sflag:$0xA], $0x80, $0x38;
	[tilespmem:$0x1AC00] =	vst v63  }
0x305: {  	s8 =	smov.u32 s0;
	s0 =	smov.u32 s7  }
0x306: {  	s15 =	sadd.s32 $0x1100, s7;
	s0 =	sshra.s32 s0, $0x2;
	s13 =	sadd.s32 $0x18A00, s8  }
0x307: {  	[hbm4b:s6+s3] =	stream.linear.scatter [tilespmem:s13], [sflag:$0xA], $0x80, $0x38;
	[tilespmem:$0x1AC00] =	vst v63  }
0x308: {  	p0 =	sne.s32 s7, $0x7700;
	s7 =	sadd.s32 $0x18A88, s8;
	s13 =	sadd.s32 $0x10, s6  }
0x309: {  	[hbm4b:s13+s3] =	stream.linear.scatter [tilespmem:s7], [sflag:$0xA], $0x80, $0x38;
	[tilespmem:$0x1AC00] =	vst v63  }
0x30a: {  	s7 =	sadd.s32 $0x18B10, s8;
	s13 =	sadd.s32 $0x20, s6  }
0x30b: {  	[hbm4b:s13+s3] =	stream.linear.scatter [tilespmem:s7], [sflag:$0xA], $0x80, $0x38;
	[tilespmem:$0x1AC00] =	vst v63  }
0x30c: {  	s7 =	sadd.s32 $0x18B98, s8;
	s13 =	sadd.s32 $0x30, s6  }
0x30d: {  	[hbm4b:s13+s3] =	stream.linear.scatter [tilespmem:s7], [sflag:$0xA], $0x80, $0x38;
	[tilespmem:$0x1AC00] =	vst v63  }
0x30e: {  	s7 =	sadd.s32 $0x18C20, s8;
	s13 =	sadd.s32 $0x40, s6  }
0x30f: {  	[hbm4b:s13+s3] =	stream.linear.scatter [tilespmem:s7], [sflag:$0xA], $0x80, $0x38;
	[tilespmem:$0x1AC00] =	vst v63  }
.Ltmp18:
0x310: {  	s7 =	sadd.s32 $0x18CA8, s8;
	s13 =	sadd.s32 $0x50, s6;
	(pc) =	sbr.rel @p0 .LBB2_31-.Ltmp18, $4  }
0x311: {  	[hbm4b:s13+s3] =	stream.linear.scatter [tilespmem:s7], [sflag:$0xA], $0x80, $0x38;
	[tilespmem:$0x1AC00] =	vst v63  }
0x312: {  	s14 =	sadd.s32 $0x70, s6;
	s7 =	sadd.s32 $0x18D30, s8;
	s13 =	sadd.s32 $0x60, s6  }
0x313: {  	[hbm4b:s13+s3] =	stream.linear.scatter [tilespmem:s7], [sflag:$0xA], $0x80, $0x38;
	[tilespmem:$0x1AC00] =	vst v63  }
0x314: {  	s6 =	sadd.s32 $0x1000, s6;
	s13 =	sadd.s32 $0x18DB8, s8;
	s7 =	smov.u32 s15  }
0x315: {  	[hbm4b:s14+s3] =	stream.linear.scatter [tilespmem:s13], [sflag:$0xA], $0x80, $0x38;
	[tilespmem:$0x1AC00] =	vst v63  }
0x316: {  	s7 =	sadd.s32 $0x18A00, s0  }
0x317: {  	[hbm4b:s6+s3] =	stream.linear.scatter [tilespmem:s7], [sflag:$0xA], $0x80, $0x38;
	[tilespmem:$0x1AC00] =	vst v63  }
0x318: {  	s18 =	sadd.s32 $0x18A88, s0;
	s8 =	sadd.s32 $0x10, s6  }
0x319: {  	[hbm4b:s8+s3] =	stream.linear.scatter [tilespmem:s18], [sflag:$0xA], $0x80, $0x38;
	[tilespmem:$0x1AC00] =	vst v63  }
0x31a: {  	s13 =	sadd.s32 $0x18B10, s0;
	s14 =	sadd.s32 $0x20, s6  }
0x31b: {  	[hbm4b:s14+s3] =	stream.linear.scatter [tilespmem:s13], [sflag:$0xA], $0x80, $0x38;
	[tilespmem:$0x1AC00] =	vst v63  }
0x31c: {  	s15 =	sadd.s32 $0x18B98, s0;
	s16 =	sadd.s32 $0x30, s6  }
0x31d: {  	[hbm4b:s16+s3] =	stream.linear.scatter [tilespmem:s15], [sflag:$0xA], $0x80, $0x38;
	[tilespmem:$0x1AC00] =	vst v63  }
0x31e: {  	s17 =	sadd.s32 $0x18C20, s0;
	s18 =	sadd.s32 $0x40, s6  }
0x31f: {  	[hbm4b:s18+s3] =	stream.linear.scatter [tilespmem:s17], [sflag:$0xA], $0x80, $0x38;
	[tilespmem:$0x1AC00] =	vst v63  }
0x320: {  	p0 =	seq.s32 s10, $0x9;
	s13 =	sadd.s32 $0x18CA8, s0;
	s14 =	sadd.s32 $0x50, s6  }
0x321: {  	[hbm4b:s14+s3] =	stream.linear.scatter [tilespmem:s13], [sflag:$0xA], $0x80, $0x38;
	[tilespmem:$0x1AC00] =	vst v63  }
.Ltmp19:
0x322: {  	_ = 	snop;
	(pc) =	sbr.rel @p0 .LBB2_34-.Ltmp19, $4  }
0x323: {  	s15 =	sadd.s32 $0x18D30, s0;
	s16 =	sadd.s32 $0x60, s6  }
0x324: {  	[hbm4b:s16+s3] =	stream.linear.scatter [tilespmem:s15], [sflag:$0xA], $0x80, $0x38;
	[tilespmem:$0x1AC00] =	vst v63  }
0x325: {  	s17 =	sadd.s32 $0x18DB8, s0;
	s18 =	sadd.s32 $0x70, s6  }
0x326: {  	[hbm4b:s18+s3] =	stream.linear.scatter [tilespmem:s17], [sflag:$0xA], $0x80, $0x38;
	[tilespmem:$0x1AC00] =	vst v63  }
0x327: {  	s0 =	smul.u32 $0xAA0, s10  }
.Ltmp20:
0x328: {  	_ = 	snop;
	(pc) =	sbr.rel .LBB2_4-.Ltmp20, $4  }
0x329: {  	_ = 	snop  }
0x32a: {  	s0 =	sshra.s32 s0, $0x2  }
0x32b: {  	s10 =	sadd.s32 $0x1, s10;
	s0 =	sadd.s32 $0x43B8, s0  }
0x32c: {  	[tilespmem:s31], [sflag:$0x3] =	stream.indirect.gather [hbm4b:s4+s12], $0x40, s0, s12, $0xb8;
	[tilespmem:$0x1AC00] =	vst v63  }
.LBB2_35:
0x32d: {  	_ =	sfence.sel $0x180000  }
0x32e: {  	[bflag:$0x0] =	sbarrier.arrive $0xFFFF  }
0x32f: {  	_ =	strace $0x90000047  }
0x330: {  	s0 =	stileid.u32;
	[bflag:$0x2] =	sbarrier.arrive $0xFFFF  }
0x331: {  	p0 =	sne.s32 s0, $0x0;
	s0 =	rddreg [dreg:$0x2]  }
0x332: {  	s0 =	sadd.s32 @!p0 $0x100000, s0  }
0x333: {  	[sflag:s0] =	ssyncadd.tile.s32 @!p0 $0x1;
	_ =	shalt  }
.Lfunc_end2:
_tile_overlayer_lowered:
.L_overlay_start_2:
0x334: {  	(tag) =	ssettag $0x2  }
0x335: {  	s0 =	rddreg [dreg:$0x0];
	s2 =	stileid.u32  }
0x336: {  	s1 =	rddreg [dreg:$0x1];
	p0 =	sne.s32 s2, $0x0  }
0x337: {  	s3 =	rddreg [dreg:$0x2];
	[bflag:$0x3] =	sbarrier.arrive $0xFFFF;
	s2 =	simm.s32 @!p0 $0x1C0B  }
0x338: {  	[timem:s3], [sflag:s2] =	dma.local @!p0 [hbm:s0], s1  }
0x339: {  	s0 =	simm.s32 @!p0 $0xB  }
0x33a: {  	_ =	swait.ge @!p0 [sflag:s0], s1  }
0x33b: {  	s1 =	ssub.s32 @!p0 $0x0, s1;
	[sflag:s0] =	ssyncset.done @!p0 $0x0  }
0x33c: {  	[sflag:s0] =	ssyncadd.s32 @!p0 s1  }
0x33d: {  	[bflag:$0x3] =	sbarrier.arrive $0xFFFF  }
0x33e: {  	_ =	shalt  }

</sc_bundles>
